<compile_context>
chip_gen: v7x
topology: tpu7x:2x2x1
jax: 0.10.2.dev20260603
libtpu: 0.0.44.dev20260713+nightly
codegen_flags: <defaults>
</compile_context>

<pallas_src>
import functools

import jax
import jax.numpy as jnp
from jax import lax
from jax.experimental import pallas as pl
from jax.experimental.pallas import tpu as pltpu
from jax.experimental.pallas import tpu_sc as plsc

N_NODES = 10000
N_EDGES = 160000
D_IN = 32
D_OUT = 16
PACK = 32

NC = 2
NS = 16
NW = NC * NS
CHUNK = 125
BE = 3200
EPW = N_EDGES // NW
NCHUNKS = EPW // CHUNK
KG = 4
NGROUPS = NCHUNKS // KG
ROWS_PER_TILE = N_NODES // NS

_mesh = plsc.VectorSubcoreMesh(core_axis_name="c", subcore_axis_name="s")



def _node_proj_body(nf_ref, wu_ref, u_ref):
    u_ref[...] = jnp.dot(nf_ref[...], wu_ref[...],
                         preferred_element_type=jnp.float32)


_DN0 = (((0,), (0,)), ((), ()))


def _edge_body(xs_ref, qr_ref, es_ref, sh_ref, wk1_ref, wk2_ref,
               wv1_ref, wv2_ref, s_ref, one_ref, out_ref):
    x4 = xs_ref[...]
    xs_flat = jnp.concatenate(
        [x4[:, 32 * q:32 * (q + 1)] for q in range(4)], axis=0)
    q8 = qr_ref[...]
    qr = jnp.concatenate(
        [q8[:, 16 * g:16 * (g + 1)] for g in range(8)], axis=0)
    sh_col = jax.lax.dot_general(sh_ref[...], one_ref[...], _DN0,
                                 preferred_element_type=jnp.float32)
    xs = (xs_flat * sh_col).astype(jnp.bfloat16)
    xt = jnp.tile(xs, (1, D_OUT))
    es = es_ref[...].astype(jnp.bfloat16)
    sp = s_ref[...]
    hk = jax.nn.silu(jax.lax.dot_general(
        es, wk1_ref[...], _DN0,
        preferred_element_type=jnp.float32) * 0.25)
    wk = jnp.dot(hk.astype(jnp.bfloat16), wk2_ref[...],
                 preferred_element_type=jnp.float32)
    kk = jnp.dot(xt * wk.astype(jnp.bfloat16), sp,
                 preferred_element_type=jnp.float32) * (1.0 / 32.0)
    hv = jax.nn.silu(jax.lax.dot_general(
        es, wv1_ref[...], _DN0,
        preferred_element_type=jnp.float32) * 0.25)
    wv = jnp.dot(hv.astype(jnp.bfloat16), wv2_ref[...],
                 preferred_element_type=jnp.float32)
    vv = jnp.dot(xt * wv.astype(jnp.bfloat16), sp,
                 preferred_element_type=jnp.float32) * (1.0 / 32.0)
    logit = jnp.sum(qr * kk, axis=1, keepdims=True)
    expv = jnp.exp(logit)
    sv = jnp.exp(0.5 * logit) * vv
    packed = jnp.concatenate(
        [expv, sv, jnp.zeros((BE, PACK - 1 - D_OUT), jnp.float32)], axis=1)
    out_ref[...] = jnp.concatenate(
        [packed[(BE // 4) * q:(BE // 4) * (q + 1), :] for q in range(4)],
        axis=1)


def _final_body(p0_ref, p1_ref, out_ref):
    t = p0_ref[...] + p1_ref[...]
    z = t[:, 0:1]
    s = t[:, 1:1 + D_OUT]
    out_ref[...] = jnp.where(z > 0.0,
                             s * jax.lax.rsqrt(jnp.maximum(z, 1e-30)), 0.0)



@functools.partial(
    pl.kernel,
    out_type=[jax.ShapeDtypeStruct((N_EDGES, D_IN), jnp.float32),
              jax.ShapeDtypeStruct((N_EDGES, D_OUT), jnp.float32)],
    mesh=_mesh,
    scratch_types=[pltpu.VMEM((NCHUNKS, CHUNK), jnp.int32),
                   pltpu.VMEM((NCHUNKS, CHUNK), jnp.int32),
                   pltpu.VMEM((2, KG, CHUNK, D_IN), jnp.float32),
                   pltpu.VMEM((2, KG, CHUNK, D_OUT), jnp.float32),
                   pltpu.SemaphoreType.DMA,
                   pltpu.SemaphoreType.DMA,
                   pltpu.SemaphoreType.DMA,
                   pltpu.SemaphoreType.DMA],
    compiler_params=pltpu.CompilerParams(use_tc_tiling_on_sc=False),
)
def _sc_gather(node_hbm, u_hbm, snd_hbm, rcv_hbm, xs_out, qr_out,
               sidx, ridx, xbuf, qbuf, gsemA, gsemB, ssemA, ssemB):
    wid = lax.axis_index("s") * NC + lax.axis_index("c")
    pltpu.sync_copy(snd_hbm.at[pl.ds(wid * NCHUNKS, NCHUNKS)], sidx)
    pltpu.sync_copy(rcv_hbm.at[pl.ds(wid * NCHUNKS, NCHUNKS)], ridx)
    ebase = wid * EPW

    def fire_gathers(g, bank, gsem):
        for b in range(KG):
            j = g * KG + b
            pltpu.async_copy(node_hbm.at[sidx.at[j]], xbuf.at[bank, b], gsem)
            pltpu.async_copy(u_hbm.at[ridx.at[j]], qbuf.at[bank, b], gsem)

    def drain_gathers(g, bank, gsem):
        for b in range(KG):
            j = g * KG + b
            pltpu.make_async_copy(node_hbm.at[sidx.at[j]], xbuf.at[bank, b],
                                  gsem).wait()
            pltpu.make_async_copy(u_hbm.at[ridx.at[j]], qbuf.at[bank, b],
                                  gsem).wait()

    def fire_stores(g, bank, ssem):
        for b in range(KG):
            j = g * KG + b
            dst = xs_out.at[pl.ds(ebase + j * CHUNK, CHUNK)]
            pltpu.async_copy(xbuf.at[bank, b], dst, ssem)
            dq = qr_out.at[pl.ds(ebase + j * CHUNK, CHUNK)]
            pltpu.async_copy(qbuf.at[bank, b], dq, ssem)

    def drain_stores(g, bank, ssem):
        for b in range(KG):
            j = g * KG + b
            dst = xs_out.at[pl.ds(ebase + j * CHUNK, CHUNK)]
            pltpu.make_async_copy(xbuf.at[bank, b], dst, ssem).wait()
            dq = qr_out.at[pl.ds(ebase + j * CHUNK, CHUNK)]
            pltpu.make_async_copy(qbuf.at[bank, b], dq, ssem).wait()

    fire_gathers(0, 0, gsemA)

    def body(t, carry):
        gA = 2 * t
        gB = 2 * t + 1
        drain_gathers(gA, 0, gsemA)
        fire_stores(gA, 0, ssemA)

        @pl.when(t > 0)
        def _():
            drain_stores(gB - 2, 1, ssemB)

        fire_gathers(gB, 1, gsemB)
        drain_stores(gA, 0, ssemA)

        @pl.when(t + 1 < NGROUPS // 2)
        def _():
            fire_gathers(gA + 2, 0, gsemA)

        drain_gathers(gB, 1, gsemB)
        fire_stores(gB, 1, ssemB)
        return carry

    lax.fori_loop(0, NGROUPS // 2, body, 0)
    drain_stores(NGROUPS - 1, 1, ssemB)


@functools.partial(
    pl.kernel,
    out_type=jax.ShapeDtypeStruct((NC, N_NODES, PACK), jnp.float32),
    mesh=_mesh,
    scratch_types=[pltpu.VMEM((NCHUNKS, CHUNK), jnp.int32),
                   pltpu.VMEM((2, CHUNK, PACK), jnp.float32),
                   pltpu.VMEM((ROWS_PER_TILE, PACK), jnp.float32),
                   pltpu.VMEM_SHARED((N_NODES, PACK), jnp.float32),
                   pltpu.SemaphoreType.DMA,
                   pltpu.SemaphoreType.DMA],
    compiler_params=pltpu.CompilerParams(use_tc_tiling_on_sc=False),
)
def _sc_scatter(packed_hbm, rcv_hbm, zeros_hbm, part_out,
                ridx, vbuf, dbuf, accum, lsemA, lsemB):
    cid = lax.axis_index("c")
    sid = lax.axis_index("s")
    wid = sid * NC + cid
    pltpu.sync_copy(zeros_hbm, dbuf)
    pltpu.sync_copy(dbuf, accum.at[pl.ds(sid * ROWS_PER_TILE, ROWS_PER_TILE)])
    plsc.subcore_barrier()
    pltpu.sync_copy(rcv_hbm.at[pl.ds(wid * NCHUNKS, NCHUNKS)], ridx)
    ebase = wid * EPW

    def fire_load(j, bank, sem):
        pltpu.async_copy(packed_hbm.at[pl.ds(ebase + j * CHUNK, CHUNK)],
                         vbuf.at[bank], sem)

    def drain_load(j, bank, sem):
        pltpu.make_async_copy(packed_hbm.at[pl.ds(ebase + j * CHUNK, CHUNK)],
                              vbuf.at[bank], sem).wait()

    fire_load(0, 0, lsemA)

    def body(t, carry):
        jA = 2 * t
        jB = 2 * t + 1
        drain_load(jA, 0, lsemA)
        fire_load(jB, 1, lsemB)
        pltpu.sync_copy(vbuf.at[0], accum.at[ridx.at[jA]], add=True)
        drain_load(jB, 1, lsemB)

        @pl.when(t + 1 < NCHUNKS // 2)
        def _():
            fire_load(jA + 2, 0, lsemA)

        pltpu.sync_copy(vbuf.at[1], accum.at[ridx.at[jB]], add=True)
        return carry

    lax.fori_loop(0, NCHUNKS // 2, body, 0)
    plsc.subcore_barrier()
    pltpu.sync_copy(accum.at[pl.ds(sid * ROWS_PER_TILE, ROWS_PER_TILE)], dbuf)
    pltpu.sync_copy(dbuf, part_out.at[cid, pl.ds(sid * ROWS_PER_TILE,
                                                 ROWS_PER_TILE)])



def kernel(node_ft, edge_index, edge_sh, edge_scalars,
           Wq, Wk1, Wk2, Wv1, Wv2, Wdot):
    snd = edge_index[0].astype(jnp.int32)
    rcv = edge_index[1].astype(jnp.int32)
    nb = N_EDGES // BE
    snd_g = (snd.reshape(nb, 4, BE // 4).transpose(0, 2, 1)
             .reshape(N_EDGES // CHUNK, CHUNK))
    rcv_g = (rcv.reshape(nb, 8, BE // 8).transpose(0, 2, 1)
             .reshape(N_EDGES // CHUNK, CHUNK))
    rcv_s = (rcv.reshape(nb, 4, BE // 4).transpose(0, 2, 1)
             .reshape(N_EDGES // CHUNK, CHUNK))

    Wu = (Wq @ Wdot) * (1.0 / (jnp.sqrt(32.0) * 16.0))
    Wk2p = (Wk2.reshape(D_IN, D_IN, D_OUT).transpose(0, 2, 1)
            .reshape(D_IN, D_IN * D_OUT).astype(jnp.bfloat16))
    Wv2p = (Wv2.reshape(D_IN, D_IN, D_OUT).transpose(0, 2, 1)
            .reshape(D_IN, D_IN * D_OUT).astype(jnp.bfloat16))
    Wk1h = Wk1.astype(jnp.bfloat16)
    Wv1h = Wv1.astype(jnp.bfloat16)
    Sp = jnp.repeat(jnp.eye(D_OUT, dtype=jnp.bfloat16), D_IN, axis=0)
    zeros = jnp.zeros((ROWS_PER_TILE, PACK), jnp.float32)

    u = pl.pallas_call(
        _node_proj_body,
        out_shape=jax.ShapeDtypeStruct((N_NODES, 16), jnp.float32),
    )(node_ft, Wu)

    xs_g, qr_g = _sc_gather(node_ft, u, snd_g, rcv_g)

    xs4 = xs_g.reshape(N_EDGES // 4, 4 * D_IN)
    qr8 = qr_g.reshape(N_EDGES // 8, 8 * D_OUT)
    grid = (N_EDGES // BE,)
    packed4 = pl.pallas_call(
        _edge_body,
        grid=grid,
        in_specs=[
            pl.BlockSpec((BE // 4, 4 * D_IN), lambda i: (i, 0)),
            pl.BlockSpec((BE // 8, 8 * D_OUT), lambda i: (i, 0)),
            pl.BlockSpec((16, BE), lambda i: (0, i)),
            pl.BlockSpec((1, BE), lambda i: (0, i)),
            pl.BlockSpec((16, 32), lambda i: (0, 0)),
            pl.BlockSpec((32, 512), lambda i: (0, 0)),
            pl.BlockSpec((16, 32), lambda i: (0, 0)),
            pl.BlockSpec((32, 512), lambda i: (0, 0)),
            pl.BlockSpec((512, 16), lambda i: (0, 0)),
            pl.BlockSpec((1, 1), lambda i: (0, 0)),
        ],
        out_specs=pl.BlockSpec((BE // 4, 4 * PACK), lambda i: (i, 0)),
        out_shape=jax.ShapeDtypeStruct((N_EDGES // 4, 4 * PACK), jnp.float32),
    )(xs4, qr8, edge_scalars.T, edge_sh.T, Wk1h, Wk2p, Wv1h, Wv2p, Sp,
      jnp.ones((1, 1), jnp.float32))
    packed = packed4.reshape(N_EDGES, PACK)

    part = _sc_scatter(packed, rcv_s, zeros)

    out = pl.pallas_call(
        _final_body,
        out_shape=jax.ShapeDtypeStruct((N_NODES, D_OUT), jnp.float32),
    )(part[0], part[1])
    return out

# --- scband reference (transcript-rebuilt; emitter-appended) ---
"""Pipeline reference for scband-graph-attention-48137993454074 (READ-ONLY COPY).

The authoritative reference and input builder live on the scoring server;
editing this copy changes nothing except your own understanding.
"""

import jax, jax.numpy as jnp
import numpy as np

N_NODES = 10000
N_EDGES = 160000
D_IN = 32      # input_irreps 32x0e
D_Q = 16       # query_irreps 16x0e
D_K = 16       # key_irreps 16x0e
D_OUT = 16     # output_irreps 16x0e
BASIS = 16     # edge_scalar_basis
HIDDEN = 32    # FullyConnectedNet hidden width


def setup_inputs(seed: int = 0) -> dict:
    key = jax.random.key(seed)
    ks = jax.random.split(key, 12)
    node_ft = jax.random.normal(ks[0], (N_NODES, D_IN), dtype=jnp.float32)
    edge_index = jax.random.randint(ks[1], (2, N_EDGES), 0, N_NODES)
    edge_sh = jax.random.normal(ks[2], (N_EDGES, 1), dtype=jnp.float32)
    edge_scalars = jax.random.normal(ks[3], (N_EDGES, BASIS), dtype=jnp.float32)
    # learned parameters (e3nn modules are weight-only, no biases)
    Wq = jax.random.normal(ks[4], (D_IN, D_Q), dtype=jnp.float32)
    Wk1 = jax.random.normal(ks[5], (BASIS, HIDDEN), dtype=jnp.float32)
    Wk2 = jax.random.normal(ks[6], (HIDDEN, D_IN * D_K), dtype=jnp.float32)
    Wv1 = jax.random.normal(ks[7], (BASIS, HIDDEN), dtype=jnp.float32)
    Wv2 = jax.random.normal(ks[8], (HIDDEN, D_IN * D_OUT), dtype=jnp.float32)
    Wdot = jax.random.normal(ks[9], (D_Q, D_K), dtype=jnp.float32)
    return {"node_ft": node_ft, "edge_index": edge_index, "edge_sh": edge_sh,
            "edge_scalars": edge_scalars, "Wq": Wq, "Wk1": Wk1, "Wk2": Wk2,
            "Wv1": Wv1, "Wv2": Wv2, "Wdot": Wdot}


def _fc_net(x, W1, W2):
    # e3nn FullyConnectedNet: weight-only layers normalized by sqrt(fan_in), silu act on hidden
    h = jax.nn.silu((x @ W1) / jnp.sqrt(W1.shape[0]))
    return (h @ W2) / jnp.sqrt(W2.shape[0])


def reference(node_ft, edge_index, edge_sh, edge_scalars, Wq, Wk1, Wk2, Wv1, Wv2, Wdot):
    sender = edge_index[0]
    receiver = edge_index[1]
    N = node_ft.shape[0]
    d_in = node_ft.shape[1]
    d_k = Wk2.shape[1] // d_in
    d_out = Wv2.shape[1] // d_in

    # o3.Linear (scalar irreps -> plain linear with 1/sqrt(fan_in) normalization)
    q = (node_ft @ Wq) / jnp.sqrt(d_in)

    # gather sender features (memory-bound gather)
    x_s = node_ft[sender]                       # [E, d_in]
    xs = x_s * edge_sh                          # scalar tensor product with 1x0e sh

    # tp_k: per-edge fully connected tensor product weights from fc_k(edge_scalars)
    wk = _fc_net(edge_scalars, Wk1, Wk2).reshape(-1, d_in, d_k)
    k = jnp.einsum('ei,eio->eo', xs, wk) / jnp.sqrt(d_in)

    # tp_v
    wv = _fc_net(edge_scalars, Wv1, Wv2).reshape(-1, d_in, d_out)
    v = jnp.einsum('ei,eio->eo', xs, wv) / jnp.sqrt(d_in)

    # dot: FullyConnectedTensorProduct(query, key, '0e') with shared weights
    logit = jnp.einsum('ei,ej,ij->e', q[receiver], k, Wdot) / jnp.sqrt(Wdot.shape[0] * Wdot.shape[1])
    expv = jnp.exp(logit)[:, None]              # [E, 1]

    # softmax denominator via scatter-add over receiver nodes
    z = jax.ops.segment_sum(expv, receiver, num_segments=N)   # [N, 1]
    alpha = expv / z[receiver]

    out = jax.ops.segment_sum(jnp.sqrt(jax.nn.relu(alpha)) * v, receiver, num_segments=N)
    return out

if __name__ == "__main__":
    import jax
    _d = setup_inputs()
    print(jax.jit(kernel)(*tuple(_d.values())))

</pallas_src>

<mosaic_0001>
#map = affine_map<(d0, d1) -> (0, 0)>
module attributes {stable_mosaic.version = 14 : i64} {
  func.func @_sc_gather(%arg0: i32, %arg1: i32, %arg2: memref<10000x32xf32, #tpu.memory_space<hbm>>, %arg3: memref<10000x16xf32, #tpu.memory_space<hbm>>, %arg4: memref<1280x125xi32, #tpu.memory_space<hbm>>, %arg5: memref<1280x125xi32, #tpu.memory_space<hbm>>, %arg6: memref<160000x32xf32, #tpu.memory_space<hbm>>, %arg7: memref<160000x16xf32, #tpu.memory_space<hbm>>, %arg8: memref<40x125xi32, #tpu.memory_space<vmem>>, %arg9: memref<40x125xi32, #tpu.memory_space<vmem>>, %arg10: memref<2x4x125x32xf32, #tpu.memory_space<vmem>>, %arg11: memref<2x4x125x16xf32, #tpu.memory_space<vmem>>, %arg12: memref<!tpu.dma_semaphore, #tpu.memory_space<semaphore_mem>>, %arg13: memref<!tpu.dma_semaphore, #tpu.memory_space<semaphore_mem>>, %arg14: memref<!tpu.dma_semaphore, #tpu.memory_space<semaphore_mem>>, %arg15: memref<!tpu.dma_semaphore, #tpu.memory_space<semaphore_mem>>) attributes {dimension_semantics = [#tpu.dimension_semantics<core_parallel>, #tpu.dimension_semantics<subcore_parallel>], iteration_bounds = array<i64: 2, 16>, scalar_prefetch = 0 : i64, scratch_operands = 8 : i64, tpu.core_type = #tpu.core_type<sc_vector_subcore>, window_params = [{transform_indices = #map}, {transform_indices = #map}, {transform_indices = #map}, {transform_indices = #map}, {transform_indices = #map}, {transform_indices = #map}]} {
    %mul3A = arith.constant 2 : i32
    %mul3A_0 = arith.muli %arg1, %mul3A : i32
    %add3A = arith.addi %mul3A_0, %arg0 : i32
    %mul3A_1 = arith.constant 40 : i32
    %mul3A_2 = arith.muli %add3A, %mul3A_1 : i32
    "tpu.region"() ({
      %run_scoped3A = tpu.sem_alloc : memref<!tpu.dma_semaphore, #tpu.memory_space<semaphore_mem>>
      %dma_start3A_242 = arith.constant 0 : i32
      %dma_start3A_243 = tpu.memref_slice %arg4[%mul3A_2, %dma_start3A_242] : memref<1280x125xi32, #tpu.memory_space<hbm>> -> memref<40x125xi32, #tpu.memory_space<hbm>>
      %dma_start3A_244 = arith.constant 0 : i32
      %dma_start3A_245 = tpu.memref_slice %arg4[%mul3A_2, %dma_start3A_244] : memref<1280x125xi32, #tpu.memory_space<hbm>> -> memref<40x125xi32, #tpu.memory_space<hbm>>
      tpu.enqueue_dma source(%dma_start3A_245 : memref<40x125xi32, #tpu.memory_space<hbm>>) target(%arg8 : memref<40x125xi32, #tpu.memory_space<vmem>>) target_semaphore(%run_scoped3A : memref<!tpu.dma_semaphore, #tpu.memory_space<semaphore_mem>>)
      %dma_wait3A_246 = arith.constant 0 : i32
      %dma_wait3A_247 = tpu.memref_slice %arg4[%mul3A_2, %dma_wait3A_246] : memref<1280x125xi32, #tpu.memory_space<hbm>> -> memref<40x125xi32, #tpu.memory_space<hbm>>
      %dma_wait3A_248 = arith.constant 0 : i32
      %dma_wait3A_249 = tpu.memref_slice %arg4[%mul3A_2, %dma_wait3A_248] : memref<1280x125xi32, #tpu.memory_space<hbm>> -> memref<40x125xi32, #tpu.memory_space<hbm>>
      tpu.wait_dma2 semaphore(%run_scoped3A : memref<!tpu.dma_semaphore, #tpu.memory_space<semaphore_mem>>) src(%dma_wait3A_249 : memref<40x125xi32, #tpu.memory_space<hbm>>) dst(%arg8 : memref<40x125xi32, #tpu.memory_space<vmem>>)
      tpu.yield
    }) : () -> ()
    %mul3A_3 = arith.constant 40 : i32
    %mul3A_4 = arith.muli %add3A, %mul3A_3 : i32
    "tpu.region"() ({
      %run_scoped3A = tpu.sem_alloc : memref<!tpu.dma_semaphore, #tpu.memory_space<semaphore_mem>>
      %dma_start3A_242 = arith.constant 0 : i32
      %dma_start3A_243 = tpu.memref_slice %arg5[%mul3A_4, %dma_start3A_242] : memref<1280x125xi32, #tpu.memory_space<hbm>> -> memref<40x125xi32, #tpu.memory_space<hbm>>
      %dma_start3A_244 = arith.constant 0 : i32
      %dma_start3A_245 = tpu.memref_slice %arg5[%mul3A_4, %dma_start3A_244] : memref<1280x125xi32, #tpu.memory_space<hbm>> -> memref<40x125xi32, #tpu.memory_space<hbm>>
      tpu.enqueue_dma source(%dma_start3A_245 : memref<40x125xi32, #tpu.memory_space<hbm>>) target(%arg9 : memref<40x125xi32, #tpu.memory_space<vmem>>) target_semaphore(%run_scoped3A : memref<!tpu.dma_semaphore, #tpu.memory_space<semaphore_mem>>)
      %dma_wait3A_246 = arith.constant 0 : i32
      %dma_wait3A_247 = tpu.memref_slice %arg5[%mul3A_4, %dma_wait3A_246] : memref<1280x125xi32, #tpu.memory_space<hbm>> -> memref<40x125xi32, #tpu.memory_space<hbm>>
      %dma_wait3A_248 = arith.constant 0 : i32
      %dma_wait3A_249 = tpu.memref_slice %arg5[%mul3A_4, %dma_wait3A_248] : memref<1280x125xi32, #tpu.memory_space<hbm>> -> memref<40x125xi32, #tpu.memory_space<hbm>>
      tpu.wait_dma2 semaphore(%run_scoped3A : memref<!tpu.dma_semaphore, #tpu.memory_space<semaphore_mem>>) src(%dma_wait3A_249 : memref<40x125xi32, #tpu.memory_space<hbm>>) dst(%arg9 : memref<40x125xi32, #tpu.memory_space<vmem>>)
      tpu.yield
    }) : () -> ()
    %mul3A_5 = arith.constant 5000 : i32
    %mul3A_6 = arith.muli %add3A, %mul3A_5 : i32
    %dma_start3A = arith.constant 0 : i32
    %dma_start3A_7 = arith.constant 0 : i32
    %dma_start3A_8 = arith.constant 0 : i32
    %dma_start3A_9 = arith.constant 0 : i32
    %dma_start3A_10 = arith.constant 0 : i32
    %dma_start3A_11 = tpu.memref_slice %arg10[%dma_start3A_7, %dma_start3A_8, %dma_start3A_9, %dma_start3A_10] : memref<2x4x125x32xf32, #tpu.memory_space<vmem>> -> memref<1x1x125x32xf32, #tpu.memory_space<vmem>>
    %dma_start3A_12 = tpu.memref_squeeze %dma_start3A_11 : memref<1x1x125x32xf32, #tpu.memory_space<vmem>> -> memref<125x32xf32, #tpu.memory_space<vmem>>
    %dma_start3A_13 = arith.constant 0 : i32
    %dma_start3A_14 = tpu.memref_slice %arg8[%dma_start3A, %dma_start3A_13] : memref<40x125xi32, #tpu.memory_space<vmem>> -> memref<1x125xi32, #tpu.memory_space<vmem>>
    %dma_start3A_15 = tpu.memref_squeeze %dma_start3A_14 : memref<1x125xi32, #tpu.memory_space<vmem>> -> memref<125xi32, #tpu.memory_space<vmem>>
    %dma_start3A_16 = arith.constant 0 : i32
    %dma_start3A_17 = arith.constant 0 : i32
    %dma_start3A_18 = tpu.memref_slice %arg2[%dma_start3A_16, %dma_start3A_17] : memref<10000x32xf32, #tpu.memory_space<hbm>> -> memref<10000x32xf32, #tpu.memory_space<hbm>>
    tpu.enqueue_indirect_dma source(%dma_start3A_18 : memref<10000x32xf32, #tpu.memory_space<hbm>>) target(%dma_start3A_12 : memref<125x32xf32, #tpu.memory_space<vmem>>) offsets(%dma_start3A_15 : memref<125xi32, #tpu.memory_space<vmem>>) semaphore(%arg12 : memref<!tpu.dma_semaphore, #tpu.memory_space<semaphore_mem>>)
    %dma_start3A_19 = arith.constant 0 : i32
    %dma_start3A_20 = arith.constant 0 : i32
    %dma_start3A_21 = arith.constant 0 : i32
    %dma_start3A_22 = arith.constant 0 : i32
    %dma_start3A_23 = arith.constant 0 : i32
    %dma_start3A_24 = tpu.memref_slice %arg11[%dma_start3A_20, %dma_start3A_21, %dma_start3A_22, %dma_start3A_23] : memref<2x4x125x16xf32, #tpu.memory_space<vmem>> -> memref<1x1x125x16xf32, #tpu.memory_space<vmem>>
    %dma_start3A_25 = tpu.memref_squeeze %dma_start3A_24 : memref<1x1x125x16xf32, #tpu.memory_space<vmem>> -> memref<125x16xf32, #tpu.memory_space<vmem>>
    %dma_start3A_26 = arith.constant 0 : i32
    %dma_start3A_27 = tpu.memref_slice %arg9[%dma_start3A_19, %dma_start3A_26] : memref<40x125xi32, #tpu.memory_space<vmem>> -> memref<1x125xi32, #tpu.memory_space<vmem>>
    %dma_start3A_28 = tpu.memref_squeeze %dma_start3A_27 : memref<1x125xi32, #tpu.memory_space<vmem>> -> memref<125xi32, #tpu.memory_space<vmem>>
    %dma_start3A_29 = arith.constant 0 : i32
    %dma_start3A_30 = arith.constant 0 : i32
    %dma_start3A_31 = tpu.memref_slice %arg3[%dma_start3A_29, %dma_start3A_30] : memref<10000x16xf32, #tpu.memory_space<hbm>> -> memref<10000x16xf32, #tpu.memory_space<hbm>>
    tpu.enqueue_indirect_dma source(%dma_start3A_31 : memref<10000x16xf32, #tpu.memory_space<hbm>>) target(%dma_start3A_25 : memref<125x16xf32, #tpu.memory_space<vmem>>) offsets(%dma_start3A_28 : memref<125xi32, #tpu.memory_space<vmem>>) semaphore(%arg12 : memref<!tpu.dma_semaphore, #tpu.memory_space<semaphore_mem>>)
    %dma_start3A_32 = arith.constant 1 : i32
    %dma_start3A_33 = arith.constant 0 : i32
    %dma_start3A_34 = arith.constant 1 : i32
    %dma_start3A_35 = arith.constant 0 : i32
    %dma_start3A_36 = arith.constant 0 : i32
    %dma_start3A_37 = tpu.memref_slice %arg10[%dma_start3A_33, %dma_start3A_34, %dma_start3A_35, %dma_start3A_36] : memref<2x4x125x32xf32, #tpu.memory_space<vmem>> -> memref<1x1x125x32xf32, #tpu.memory_space<vmem>>
    %dma_start3A_38 = tpu.memref_squeeze %dma_start3A_37 : memref<1x1x125x32xf32, #tpu.memory_space<vmem>> -> memref<125x32xf32, #tpu.memory_space<vmem>>
    %dma_start3A_39 = arith.constant 0 : i32
    %dma_start3A_40 = tpu.memref_slice %arg8[%dma_start3A_32, %dma_start3A_39] : memref<40x125xi32, #tpu.memory_space<vmem>> -> memref<1x125xi32, #tpu.memory_space<vmem>>
    %dma_start3A_41 = tpu.memref_squeeze %dma_start3A_40 : memref<1x125xi32, #tpu.memory_space<vmem>> -> memref<125xi32, #tpu.memory_space<vmem>>
    %dma_start3A_42 = arith.constant 0 : i32
    %dma_start3A_43 = arith.constant 0 : i32
    %dma_start3A_44 = tpu.memref_slice %arg2[%dma_start3A_42, %dma_start3A_43] : memref<10000x32xf32, #tpu.memory_space<hbm>> -> memref<10000x32xf32, #tpu.memory_space<hbm>>
    tpu.enqueue_indirect_dma source(%dma_start3A_44 : memref<10000x32xf32, #tpu.memory_space<hbm>>) target(%dma_start3A_38 : memref<125x32xf32, #tpu.memory_space<vmem>>) offsets(%dma_start3A_41 : memref<125xi32, #tpu.memory_space<vmem>>) semaphore(%arg12 : memref<!tpu.dma_semaphore, #tpu.memory_space<semaphore_mem>>)
    %dma_start3A_45 = arith.constant 1 : i32
    %dma_start3A_46 = arith.constant 0 : i32
    %dma_start3A_47 = arith.constant 1 : i32
    %dma_start3A_48 = arith.constant 0 : i32
    %dma_start3A_49 = arith.constant 0 : i32
    %dma_start3A_50 = tpu.memref_slice %arg11[%dma_start3A_46, %dma_start3A_47, %dma_start3A_48, %dma_start3A_49] : memref<2x4x125x16xf32, #tpu.memory_space<vmem>> -> memref<1x1x125x16xf32, #tpu.memory_space<vmem>>
    %dma_start3A_51 = tpu.memref_squeeze %dma_start3A_50 : memref<1x1x125x16xf32, #tpu.memory_space<vmem>> -> memref<125x16xf32, #tpu.memory_space<vmem>>
    %dma_start3A_52 = arith.constant 0 : i32
    %dma_start3A_53 = tpu.memref_slice %arg9[%dma_start3A_45, %dma_start3A_52] : memref<40x125xi32, #tpu.memory_space<vmem>> -> memref<1x125xi32, #tpu.memory_space<vmem>>
    %dma_start3A_54 = tpu.memref_squeeze %dma_start3A_53 : memref<1x125xi32, #tpu.memory_space<vmem>> -> memref<125xi32, #tpu.memory_space<vmem>>
    %dma_start3A_55 = arith.constant 0 : i32
    %dma_start3A_56 = arith.constant 0 : i32
    %dma_start3A_57 = tpu.memref_slice %arg3[%dma_start3A_55, %dma_start3A_56] : memref<10000x16xf32, #tpu.memory_space<hbm>> -> memref<10000x16xf32, #tpu.memory_space<hbm>>
    tpu.enqueue_indirect_dma source(%dma_start3A_57 : memref<10000x16xf32, #tpu.memory_space<hbm>>) target(%dma_start3A_51 : memref<125x16xf32, #tpu.memory_space<vmem>>) offsets(%dma_start3A_54 : memref<125xi32, #tpu.memory_space<vmem>>) semaphore(%arg12 : memref<!tpu.dma_semaphore, #tpu.memory_space<semaphore_mem>>)
    %dma_start3A_58 = arith.constant 2 : i32
    %dma_start3A_59 = arith.constant 0 : i32
    %dma_start3A_60 = arith.constant 2 : i32
    %dma_start3A_61 = arith.constant 0 : i32
    %dma_start3A_62 = arith.constant 0 : i32
    %dma_start3A_63 = tpu.memref_slice %arg10[%dma_start3A_59, %dma_start3A_60, %dma_start3A_61, %dma_start3A_62] : memref<2x4x125x32xf32, #tpu.memory_space<vmem>> -> memref<1x1x125x32xf32, #tpu.memory_space<vmem>>
    %dma_start3A_64 = tpu.memref_squeeze %dma_start3A_63 : memref<1x1x125x32xf32, #tpu.memory_space<vmem>> -> memref<125x32xf32, #tpu.memory_space<vmem>>
    %dma_start3A_65 = arith.constant 0 : i32
    %dma_start3A_66 = tpu.memref_slice %arg8[%dma_start3A_58, %dma_start3A_65] : memref<40x125xi32, #tpu.memory_space<vmem>> -> memref<1x125xi32, #tpu.memory_space<vmem>>
    %dma_start3A_67 = tpu.memref_squeeze %dma_start3A_66 : memref<1x125xi32, #tpu.memory_space<vmem>> -> memref<125xi32, #tpu.memory_space<vmem>>
    %dma_start3A_68 = arith.constant 0 : i32
    %dma_start3A_69 = arith.constant 0 : i32
    %dma_start3A_70 = tpu.memref_slice %arg2[%dma_start3A_68, %dma_start3A_69] : memref<10000x32xf32, #tpu.memory_space<hbm>> -> memref<10000x32xf32, #tpu.memory_space<hbm>>
    tpu.enqueue_indirect_dma source(%dma_start3A_70 : memref<10000x32xf32, #tpu.memory_space<hbm>>) target(%dma_start3A_64 : memref<125x32xf32, #tpu.memory_space<vmem>>) offsets(%dma_start3A_67 : memref<125xi32, #tpu.memory_space<vmem>>) semaphore(%arg12 : memref<!tpu.dma_semaphore, #tpu.memory_space<semaphore_mem>>)
    %dma_start3A_71 = arith.constant 2 : i32
    %dma_start3A_72 = arith.constant 0 : i32
    %dma_start3A_73 = arith.constant 2 : i32
    %dma_start3A_74 = arith.constant 0 : i32
    %dma_start3A_75 = arith.constant 0 : i32
    %dma_start3A_76 = tpu.memref_slice %arg11[%dma_start3A_72, %dma_start3A_73, %dma_start3A_74, %dma_start3A_75] : memref<2x4x125x16xf32, #tpu.memory_space<vmem>> -> memref<1x1x125x16xf32, #tpu.memory_space<vmem>>
    %dma_start3A_77 = tpu.memref_squeeze %dma_start3A_76 : memref<1x1x125x16xf32, #tpu.memory_space<vmem>> -> memref<125x16xf32, #tpu.memory_space<vmem>>
    %dma_start3A_78 = arith.constant 0 : i32
    %dma_start3A_79 = tpu.memref_slice %arg9[%dma_start3A_71, %dma_start3A_78] : memref<40x125xi32, #tpu.memory_space<vmem>> -> memref<1x125xi32, #tpu.memory_space<vmem>>
    %dma_start3A_80 = tpu.memref_squeeze %dma_start3A_79 : memref<1x125xi32, #tpu.memory_space<vmem>> -> memref<125xi32, #tpu.memory_space<vmem>>
    %dma_start3A_81 = arith.constant 0 : i32
    %dma_start3A_82 = arith.constant 0 : i32
    %dma_start3A_83 = tpu.memref_slice %arg3[%dma_start3A_81, %dma_start3A_82] : memref<10000x16xf32, #tpu.memory_space<hbm>> -> memref<10000x16xf32, #tpu.memory_space<hbm>>
    tpu.enqueue_indirect_dma source(%dma_start3A_83 : memref<10000x16xf32, #tpu.memory_space<hbm>>) target(%dma_start3A_77 : memref<125x16xf32, #tpu.memory_space<vmem>>) offsets(%dma_start3A_80 : memref<125xi32, #tpu.memory_space<vmem>>) semaphore(%arg12 : memref<!tpu.dma_semaphore, #tpu.memory_space<semaphore_mem>>)
    %dma_start3A_84 = arith.constant 3 : i32
    %dma_start3A_85 = arith.constant 0 : i32
    %dma_start3A_86 = arith.constant 3 : i32
    %dma_start3A_87 = arith.constant 0 : i32
    %dma_start3A_88 = arith.constant 0 : i32
    %dma_start3A_89 = tpu.memref_slice %arg10[%dma_start3A_85, %dma_start3A_86, %dma_start3A_87, %dma_start3A_88] : memref<2x4x125x32xf32, #tpu.memory_space<vmem>> -> memref<1x1x125x32xf32, #tpu.memory_space<vmem>>
    %dma_start3A_90 = tpu.memref_squeeze %dma_start3A_89 : memref<1x1x125x32xf32, #tpu.memory_space<vmem>> -> memref<125x32xf32, #tpu.memory_space<vmem>>
    %dma_start3A_91 = arith.constant 0 : i32
    %dma_start3A_92 = tpu.memref_slice %arg8[%dma_start3A_84, %dma_start3A_91] : memref<40x125xi32, #tpu.memory_space<vmem>> -> memref<1x125xi32, #tpu.memory_space<vmem>>
    %dma_start3A_93 = tpu.memref_squeeze %dma_start3A_92 : memref<1x125xi32, #tpu.memory_space<vmem>> -> memref<125xi32, #tpu.memory_space<vmem>>
    %dma_start3A_94 = arith.constant 0 : i32
    %dma_start3A_95 = arith.constant 0 : i32
    %dma_start3A_96 = tpu.memref_slice %arg2[%dma_start3A_94, %dma_start3A_95] : memref<10000x32xf32, #tpu.memory_space<hbm>> -> memref<10000x32xf32, #tpu.memory_space<hbm>>
    tpu.enqueue_indirect_dma source(%dma_start3A_96 : memref<10000x32xf32, #tpu.memory_space<hbm>>) target(%dma_start3A_90 : memref<125x32xf32, #tpu.memory_space<vmem>>) offsets(%dma_start3A_93 : memref<125xi32, #tpu.memory_space<vmem>>) semaphore(%arg12 : memref<!tpu.dma_semaphore, #tpu.memory_space<semaphore_mem>>)
    %dma_start3A_97 = arith.constant 3 : i32
    %dma_start3A_98 = arith.constant 0 : i32
    %dma_start3A_99 = arith.constant 3 : i32
    %dma_start3A_100 = arith.constant 0 : i32
    %dma_start3A_101 = arith.constant 0 : i32
    %dma_start3A_102 = tpu.memref_slice %arg11[%dma_start3A_98, %dma_start3A_99, %dma_start3A_100, %dma_start3A_101] : memref<2x4x125x16xf32, #tpu.memory_space<vmem>> -> memref<1x1x125x16xf32, #tpu.memory_space<vmem>>
    %dma_start3A_103 = tpu.memref_squeeze %dma_start3A_102 : memref<1x1x125x16xf32, #tpu.memory_space<vmem>> -> memref<125x16xf32, #tpu.memory_space<vmem>>
    %dma_start3A_104 = arith.constant 0 : i32
    %dma_start3A_105 = tpu.memref_slice %arg9[%dma_start3A_97, %dma_start3A_104] : memref<40x125xi32, #tpu.memory_space<vmem>> -> memref<1x125xi32, #tpu.memory_space<vmem>>
    %dma_start3A_106 = tpu.memref_squeeze %dma_start3A_105 : memref<1x125xi32, #tpu.memory_space<vmem>> -> memref<125xi32, #tpu.memory_space<vmem>>
    %dma_start3A_107 = arith.constant 0 : i32
    %dma_start3A_108 = arith.constant 0 : i32
    %dma_start3A_109 = tpu.memref_slice %arg3[%dma_start3A_107, %dma_start3A_108] : memref<10000x16xf32, #tpu.memory_space<hbm>> -> memref<10000x16xf32, #tpu.memory_space<hbm>>
    tpu.enqueue_indirect_dma source(%dma_start3A_109 : memref<10000x16xf32, #tpu.memory_space<hbm>>) target(%dma_start3A_103 : memref<125x16xf32, #tpu.memory_space<vmem>>) offsets(%dma_start3A_106 : memref<125xi32, #tpu.memory_space<vmem>>) semaphore(%arg12 : memref<!tpu.dma_semaphore, #tpu.memory_space<semaphore_mem>>)
    %scan3A = arith.constant 0 : i32
    %scan3A_110 = arith.constant 0 : i32
    %scan3A_111 = arith.constant 5 : i32
    %scan3A_112 = arith.addi %scan3A_110, %scan3A_111 : i32
    %scan3A_113 = arith.constant 1 : i32
    scf.for %scan3A_242 = %scan3A_110 to %scan3A_112 step %scan3A_113  : i32 {
      %mul3A_243 = arith.constant 2 : i32
      %mul3A_244 = arith.muli %mul3A_243, %scan3A_242 : i32
      %mul3A_245 = arith.constant 2 : i32
      %mul3A_246 = arith.muli %mul3A_245, %scan3A_242 : i32
      %add3A_247 = arith.constant 1 : i32
      %add3A_248 = arith.addi %mul3A_246, %add3A_247 : i32
      %mul3A_249 = arith.constant 4 : i32
      %mul3A_250 = arith.muli %mul3A_244, %mul3A_249 : i32
      %add3A_251 = arith.constant 0 : i32
      %add3A_252 = arith.addi %mul3A_250, %add3A_251 : i32
      %dma_wait3A_253 = arith.constant 0 : i32
      %dma_wait3A_254 = arith.constant 0 : i32
      %dma_wait3A_255 = arith.constant 0 : i32
      %dma_wait3A_256 = arith.constant 0 : i32
      %dma_wait3A_257 = tpu.memref_slice %arg10[%dma_wait3A_253, %dma_wait3A_254, %dma_wait3A_255, %dma_wait3A_256] : memref<2x4x125x32xf32, #tpu.memory_space<vmem>> -> memref<1x1x125x32xf32, #tpu.memory_space<vmem>>
      %dma_wait3A_258 = tpu.memref_squeeze %dma_wait3A_257 : memref<1x1x125x32xf32, #tpu.memory_space<vmem>> -> memref<125x32xf32, #tpu.memory_space<vmem>>
      %dma_wait3A_259 = arith.constant 0 : i32
      %dma_wait3A_260 = tpu.memref_slice %arg8[%add3A_252, %dma_wait3A_259] : memref<40x125xi32, #tpu.memory_space<vmem>> -> memref<1x125xi32, #tpu.memory_space<vmem>>
      %dma_wait3A_261 = tpu.memref_squeeze %dma_wait3A_260 : memref<1x125xi32, #tpu.memory_space<vmem>> -> memref<125xi32, #tpu.memory_space<vmem>>
      %dma_wait3A_262 = arith.constant 0 : i32
      %dma_wait3A_263 = arith.constant 0 : i32
      %dma_wait3A_264 = tpu.memref_slice %arg2[%dma_wait3A_262, %dma_wait3A_263] : memref<10000x32xf32, #tpu.memory_space<hbm>> -> memref<10000x32xf32, #tpu.memory_space<hbm>>
      tpu.wait_indirect_dma semaphore(%arg12 : memref<!tpu.dma_semaphore, #tpu.memory_space<semaphore_mem>>) src(%dma_wait3A_264 : memref<10000x32xf32, #tpu.memory_space<hbm>>) dst(%dma_wait3A_258 : memref<125x32xf32, #tpu.memory_space<vmem>>)
      %dma_wait3A_265 = arith.constant 0 : i32
      %dma_wait3A_266 = arith.constant 0 : i32
      %dma_wait3A_267 = arith.constant 0 : i32
      %dma_wait3A_268 = arith.constant 0 : i32
      %dma_wait3A_269 = tpu.memref_slice %arg11[%dma_wait3A_265, %dma_wait3A_266, %dma_wait3A_267, %dma_wait3A_268] : memref<2x4x125x16xf32, #tpu.memory_space<vmem>> -> memref<1x1x125x16xf32, #tpu.memory_space<vmem>>
      %dma_wait3A_270 = tpu.memref_squeeze %dma_wait3A_269 : memref<1x1x125x16xf32, #tpu.memory_space<vmem>> -> memref<125x16xf32, #tpu.memory_space<vmem>>
      %dma_wait3A_271 = arith.constant 0 : i32
      %dma_wait3A_272 = tpu.memref_slice %arg9[%add3A_252, %dma_wait3A_271] : memref<40x125xi32, #tpu.memory_space<vmem>> -> memref<1x125xi32, #tpu.memory_space<vmem>>
      %dma_wait3A_273 = tpu.memref_squeeze %dma_wait3A_272 : memref<1x125xi32, #tpu.memory_space<vmem>> -> memref<125xi32, #tpu.memory_space<vmem>>
      %dma_wait3A_274 = arith.constant 0 : i32
      %dma_wait3A_275 = arith.constant 0 : i32
      %dma_wait3A_276 = tpu.memref_slice %arg3[%dma_wait3A_274, %dma_wait3A_275] : memref<10000x16xf32, #tpu.memory_space<hbm>> -> memref<10000x16xf32, #tpu.memory_space<hbm>>
      tpu.wait_indirect_dma semaphore(%arg12 : memref<!tpu.dma_semaphore, #tpu.memory_space<semaphore_mem>>) src(%dma_wait3A_276 : memref<10000x16xf32, #tpu.memory_space<hbm>>) dst(%dma_wait3A_270 : memref<125x16xf32, #tpu.memory_space<vmem>>)
      %mul3A_277 = arith.constant 4 : i32
      %mul3A_278 = arith.muli %mul3A_244, %mul3A_277 : i32
      %add3A_279 = arith.constant 1 : i32
      %add3A_280 = arith.addi %mul3A_278, %add3A_279 : i32
      %dma_wait3A_281 = arith.constant 0 : i32
      %dma_wait3A_282 = arith.constant 1 : i32
      %dma_wait3A_283 = arith.constant 0 : i32
      %dma_wait3A_284 = arith.constant 0 : i32
      %dma_wait3A_285 = tpu.memref_slice %arg10[%dma_wait3A_281, %dma_wait3A_282, %dma_wait3A_283, %dma_wait3A_284] : memref<2x4x125x32xf32, #tpu.memory_space<vmem>> -> memref<1x1x125x32xf32, #tpu.memory_space<vmem>>
      %dma_wait3A_286 = tpu.memref_squeeze %dma_wait3A_285 : memref<1x1x125x32xf32, #tpu.memory_space<vmem>> -> memref<125x32xf32, #tpu.memory_space<vmem>>
      %dma_wait3A_287 = arith.constant 0 : i32
      %dma_wait3A_288 = tpu.memref_slice %arg8[%add3A_280, %dma_wait3A_287] : memref<40x125xi32, #tpu.memory_space<vmem>> -> memref<1x125xi32, #tpu.memory_space<vmem>>
      %dma_wait3A_289 = tpu.memref_squeeze %dma_wait3A_288 : memref<1x125xi32, #tpu.memory_space<vmem>> -> memref<125xi32, #tpu.memory_space<vmem>>
      %dma_wait3A_290 = arith.constant 0 : i32
      %dma_wait3A_291 = arith.constant 0 : i32
      %dma_wait3A_292 = tpu.memref_slice %arg2[%dma_wait3A_290, %dma_wait3A_291] : memref<10000x32xf32, #tpu.memory_space<hbm>> -> memref<10000x32xf32, #tpu.memory_space<hbm>>
      tpu.wait_indirect_dma semaphore(%arg12 : memref<!tpu.dma_semaphore, #tpu.memory_space<semaphore_mem>>) src(%dma_wait3A_292 : memref<10000x32xf32, #tpu.memory_space<hbm>>) dst(%dma_wait3A_286 : memref<125x32xf32, #tpu.memory_space<vmem>>)
      %dma_wait3A_293 = arith.constant 0 : i32
      %dma_wait3A_294 = arith.constant 1 : i32
      %dma_wait3A_295 = arith.constant 0 : i32
      %dma_wait3A_296 = arith.constant 0 : i32
      %dma_wait3A_297 = tpu.memref_slice %arg11[%dma_wait3A_293, %dma_wait3A_294, %dma_wait3A_295, %dma_wait3A_296] : memref<2x4x125x16xf32, #tpu.memory_space<vmem>> -> memref<1x1x125x16xf32, #tpu.memory_space<vmem>>
      %dma_wait3A_298 = tpu.memref_squeeze %dma_wait3A_297 : memref<1x1x125x16xf32, #tpu.memory_space<vmem>> -> memref<125x16xf32, #tpu.memory_space<vmem>>
      %dma_wait3A_299 = arith.constant 0 : i32
      %dma_wait3A_300 = tpu.memref_slice %arg9[%add3A_280, %dma_wait3A_299] : memref<40x125xi32, #tpu.memory_space<vmem>> -> memref<1x125xi32, #tpu.memory_space<vmem>>
      %dma_wait3A_301 = tpu.memref_squeeze %dma_wait3A_300 : memref<1x125xi32, #tpu.memory_space<vmem>> -> memref<125xi32, #tpu.memory_space<vmem>>
      %dma_wait3A_302 = arith.constant 0 : i32
      %dma_wait3A_303 = arith.constant 0 : i32
      %dma_wait3A_304 = tpu.memref_slice %arg3[%dma_wait3A_302, %dma_wait3A_303] : memref<10000x16xf32, #tpu.memory_space<hbm>> -> memref<10000x16xf32, #tpu.memory_space<hbm>>
      tpu.wait_indirect_dma semaphore(%arg12 : memref<!tpu.dma_semaphore, #tpu.memory_space<semaphore_mem>>) src(%dma_wait3A_304 : memref<10000x16xf32, #tpu.memory_space<hbm>>) dst(%dma_wait3A_298 : memref<125x16xf32, #tpu.memory_space<vmem>>)
      %mul3A_305 = arith.constant 4 : i32
      %mul3A_306 = arith.muli %mul3A_244, %mul3A_305 : i32
      %add3A_307 = arith.constant 2 : i32
      %add3A_308 = arith.addi %mul3A_306, %add3A_307 : i32
      %dma_wait3A_309 = arith.constant 0 : i32
      %dma_wait3A_310 = arith.constant 2 : i32
      %dma_wait3A_311 = arith.constant 0 : i32
      %dma_wait3A_312 = arith.constant 0 : i32
      %dma_wait3A_313 = tpu.memref_slice %arg10[%dma_wait3A_309, %dma_wait3A_310, %dma_wait3A_311, %dma_wait3A_312] : memref<2x4x125x32xf32, #tpu.memory_space<vmem>> -> memref<1x1x125x32xf32, #tpu.memory_space<vmem>>
      %dma_wait3A_314 = tpu.memref_squeeze %dma_wait3A_313 : memref<1x1x125x32xf32, #tpu.memory_space<vmem>> -> memref<125x32xf32, #tpu.memory_space<vmem>>
      %dma_wait3A_315 = arith.constant 0 : i32
      %dma_wait3A_316 = tpu.memref_slice %arg8[%add3A_308, %dma_wait3A_315] : memref<40x125xi32, #tpu.memory_space<vmem>> -> memref<1x125xi32, #tpu.memory_space<vmem>>
      %dma_wait3A_317 = tpu.memref_squeeze %dma_wait3A_316 : memref<1x125xi32, #tpu.memory_space<vmem>> -> memref<125xi32, #tpu.memory_space<vmem>>
      %dma_wait3A_318 = arith.constant 0 : i32
      %dma_wait3A_319 = arith.constant 0 : i32
      %dma_wait3A_320 = tpu.memref_slice %arg2[%dma_wait3A_318, %dma_wait3A_319] : memref<10000x32xf32, #tpu.memory_space<hbm>> -> memref<10000x32xf32, #tpu.memory_space<hbm>>
      tpu.wait_indirect_dma semaphore(%arg12 : memref<!tpu.dma_semaphore, #tpu.memory_space<semaphore_mem>>) src(%dma_wait3A_320 : memref<10000x32xf32, #tpu.memory_space<hbm>>) dst(%dma_wait3A_314 : memref<125x32xf32, #tpu.memory_space<vmem>>)
      %dma_wait3A_321 = arith.constant 0 : i32
      %dma_wait3A_322 = arith.constant 2 : i32
      %dma_wait3A_323 = arith.constant 0 : i32
      %dma_wait3A_324 = arith.constant 0 : i32
      %dma_wait3A_325 = tpu.memref_slice %arg11[%dma_wait3A_321, %dma_wait3A_322, %dma_wait3A_323, %dma_wait3A_324] : memref<2x4x125x16xf32, #tpu.memory_space<vmem>> -> memref<1x1x125x16xf32, #tpu.memory_space<vmem>>
      %dma_wait3A_326 = tpu.memref_squeeze %dma_wait3A_325 : memref<1x1x125x16xf32, #tpu.memory_space<vmem>> -> memref<125x16xf32, #tpu.memory_space<vmem>>
      %dma_wait3A_327 = arith.constant 0 : i32
      %dma_wait3A_328 = tpu.memref_slice %arg9[%add3A_308, %dma_wait3A_327] : memref<40x125xi32, #tpu.memory_space<vmem>> -> memref<1x125xi32, #tpu.memory_space<vmem>>
      %dma_wait3A_329 = tpu.memref_squeeze %dma_wait3A_328 : memref<1x125xi32, #tpu.memory_space<vmem>> -> memref<125xi32, #tpu.memory_space<vmem>>
      %dma_wait3A_330 = arith.constant 0 : i32
      %dma_wait3A_331 = arith.constant 0 : i32
      %dma_wait3A_332 = tpu.memref_slice %arg3[%dma_wait3A_330, %dma_wait3A_331] : memref<10000x16xf32, #tpu.memory_space<hbm>> -> memref<10000x16xf32, #tpu.memory_space<hbm>>
      tpu.wait_indirect_dma semaphore(%arg12 : memref<!tpu.dma_semaphore, #tpu.memory_space<semaphore_mem>>) src(%dma_wait3A_332 : memref<10000x16xf32, #tpu.memory_space<hbm>>) dst(%dma_wait3A_326 : memref<125x16xf32, #tpu.memory_space<vmem>>)
      %mul3A_333 = arith.constant 4 : i32
      %mul3A_334 = arith.muli %mul3A_244, %mul3A_333 : i32
      %add3A_335 = arith.constant 3 : i32
      %add3A_336 = arith.addi %mul3A_334, %add3A_335 : i32
      %dma_wait3A_337 = arith.constant 0 : i32
      %dma_wait3A_338 = arith.constant 3 : i32
      %dma_wait3A_339 = arith.constant 0 : i32
      %dma_wait3A_340 = arith.constant 0 : i32
      %dma_wait3A_341 = tpu.memref_slice %arg10[%dma_wait3A_337, %dma_wait3A_338, %dma_wait3A_339, %dma_wait3A_340] : memref<2x4x125x32xf32, #tpu.memory_space<vmem>> -> memref<1x1x125x32xf32, #tpu.memory_space<vmem>>
      %dma_wait3A_342 = tpu.memref_squeeze %dma_wait3A_341 : memref<1x1x125x32xf32, #tpu.memory_space<vmem>> -> memref<125x32xf32, #tpu.memory_space<vmem>>
      %dma_wait3A_343 = arith.constant 0 : i32
      %dma_wait3A_344 = tpu.memref_slice %arg8[%add3A_336, %dma_wait3A_343] : memref<40x125xi32, #tpu.memory_space<vmem>> -> memref<1x125xi32, #tpu.memory_space<vmem>>
      %dma_wait3A_345 = tpu.memref_squeeze %dma_wait3A_344 : memref<1x125xi32, #tpu.memory_space<vmem>> -> memref<125xi32, #tpu.memory_space<vmem>>
      %dma_wait3A_346 = arith.constant 0 : i32
      %dma_wait3A_347 = arith.constant 0 : i32
      %dma_wait3A_348 = tpu.memref_slice %arg2[%dma_wait3A_346, %dma_wait3A_347] : memref<10000x32xf32, #tpu.memory_space<hbm>> -> memref<10000x32xf32, #tpu.memory_space<hbm>>
      tpu.wait_indirect_dma semaphore(%arg12 : memref<!tpu.dma_semaphore, #tpu.memory_space<semaphore_mem>>) src(%dma_wait3A_348 : memref<10000x32xf32, #tpu.memory_space<hbm>>) dst(%dma_wait3A_342 : memref<125x32xf32, #tpu.memory_space<vmem>>)
      %dma_wait3A_349 = arith.constant 0 : i32
      %dma_wait3A_350 = arith.constant 3 : i32
      %dma_wait3A_351 = arith.constant 0 : i32
      %dma_wait3A_352 = arith.constant 0 : i32
      %dma_wait3A_353 = tpu.memref_slice %arg11[%dma_wait3A_349, %dma_wait3A_350, %dma_wait3A_351, %dma_wait3A_352] : memref<2x4x125x16xf32, #tpu.memory_space<vmem>> -> memref<1x1x125x16xf32, #tpu.memory_space<vmem>>
      %dma_wait3A_354 = tpu.memref_squeeze %dma_wait3A_353 : memref<1x1x125x16xf32, #tpu.memory_space<vmem>> -> memref<125x16xf32, #tpu.memory_space<vmem>>
      %dma_wait3A_355 = arith.constant 0 : i32
      %dma_wait3A_356 = tpu.memref_slice %arg9[%add3A_336, %dma_wait3A_355] : memref<40x125xi32, #tpu.memory_space<vmem>> -> memref<1x125xi32, #tpu.memory_space<vmem>>
      %dma_wait3A_357 = tpu.memref_squeeze %dma_wait3A_356 : memref<1x125xi32, #tpu.memory_space<vmem>> -> memref<125xi32, #tpu.memory_space<vmem>>
      %dma_wait3A_358 = arith.constant 0 : i32
      %dma_wait3A_359 = arith.constant 0 : i32
      %dma_wait3A_360 = tpu.memref_slice %arg3[%dma_wait3A_358, %dma_wait3A_359] : memref<10000x16xf32, #tpu.memory_space<hbm>> -> memref<10000x16xf32, #tpu.memory_space<hbm>>
      tpu.wait_indirect_dma semaphore(%arg12 : memref<!tpu.dma_semaphore, #tpu.memory_space<semaphore_mem>>) src(%dma_wait3A_360 : memref<10000x16xf32, #tpu.memory_space<hbm>>) dst(%dma_wait3A_354 : memref<125x16xf32, #tpu.memory_space<vmem>>)
      %mul3A_361 = arith.constant 4 : i32
      %mul3A_362 = arith.muli %mul3A_244, %mul3A_361 : i32
      %add3A_363 = arith.constant 0 : i32
      %add3A_364 = arith.addi %mul3A_362, %add3A_363 : i32
      %mul3A_365 = arith.constant 125 : i32
      %mul3A_366 = arith.muli %add3A_364, %mul3A_365 : i32
      %add3A_367 = arith.addi %mul3A_6, %mul3A_366 : i32
      %dma_start3A_368 = arith.constant 0 : i32
      %dma_start3A_369 = arith.constant 0 : i32
      %dma_start3A_370 = arith.constant 0 : i32
      %dma_start3A_371 = arith.constant 0 : i32
      %dma_start3A_372 = tpu.memref_slice %arg10[%dma_start3A_368, %dma_start3A_369, %dma_start3A_370, %dma_start3A_371] : memref<2x4x125x32xf32, #tpu.memory_space<vmem>> -> memref<1x1x125x32xf32, #tpu.memory_space<vmem>>
      %dma_start3A_373 = tpu.memref_squeeze %dma_start3A_372 : memref<1x1x125x32xf32, #tpu.memory_space<vmem>> -> memref<125x32xf32, #tpu.memory_space<vmem>>
      %dma_start3A_374 = arith.constant 0 : i32
      %dma_start3A_375 = tpu.memref_slice %arg6[%add3A_367, %dma_start3A_374] : memref<160000x32xf32, #tpu.memory_space<hbm>> -> memref<125x32xf32, #tpu.memory_space<hbm>>
      %dma_start3A_376 = arith.constant 0 : i32
      %dma_start3A_377 = tpu.memref_slice %arg6[%add3A_367, %dma_start3A_376] : memref<160000x32xf32, #tpu.memory_space<hbm>> -> memref<125x32xf32, #tpu.memory_space<hbm>>
      %dma_start3A_378 = arith.constant 0 : i32
      %dma_start3A_379 = arith.constant 0 : i32
      %dma_start3A_380 = tpu.memref_slice %arg10[%dma_start3A_368, %dma_start3A_369, %dma_start3A_378, %dma_start3A_379] : memref<2x4x125x32xf32, #tpu.memory_space<vmem>> -> memref<1x1x125x32xf32, #tpu.memory_space<vmem>>
      %dma_start3A_381 = tpu.memref_squeeze %dma_start3A_380 : memref<1x1x125x32xf32, #tpu.memory_space<vmem>> -> memref<125x32xf32, #tpu.memory_space<vmem>>
      tpu.enqueue_dma source(%dma_start3A_381 : memref<125x32xf32, #tpu.memory_space<vmem>>) target(%dma_start3A_377 : memref<125x32xf32, #tpu.memory_space<hbm>>) target_semaphore(%arg14 : memref<!tpu.dma_semaphore, #tpu.memory_space<semaphore_mem>>)
      %mul3A_382 = arith.constant 125 : i32
      %mul3A_383 = arith.muli %add3A_364, %mul3A_382 : i32
      %add3A_384 = arith.addi %mul3A_6, %mul3A_383 : i32
      %dma_start3A_385 = arith.constant 0 : i32
      %dma_start3A_386 = arith.constant 0 : i32
      %dma_start3A_387 = arith.constant 0 : i32
      %dma_start3A_388 = arith.constant 0 : i32
      %dma_start3A_389 = tpu.memref_slice %arg11[%dma_start3A_385, %dma_start3A_386, %dma_start3A_387, %dma_start3A_388] : memref<2x4x125x16xf32, #tpu.memory_space<vmem>> -> memref<1x1x125x16xf32, #tpu.memory_space<vmem>>
      %dma_start3A_390 = tpu.memref_squeeze %dma_start3A_389 : memref<1x1x125x16xf32, #tpu.memory_space<vmem>> -> memref<125x16xf32, #tpu.memory_space<vmem>>
      %dma_start3A_391 = arith.constant 0 : i32
      %dma_start3A_392 = tpu.memref_slice %arg7[%add3A_384, %dma_start3A_391] : memref<160000x16xf32, #tpu.memory_space<hbm>> -> memref<125x16xf32, #tpu.memory_space<hbm>>
      %dma_start3A_393 = arith.constant 0 : i32
      %dma_start3A_394 = tpu.memref_slice %arg7[%add3A_384, %dma_start3A_393] : memref<160000x16xf32, #tpu.memory_space<hbm>> -> memref<125x16xf32, #tpu.memory_space<hbm>>
      %dma_start3A_395 = arith.constant 0 : i32
      %dma_start3A_396 = arith.constant 0 : i32
      %dma_start3A_397 = tpu.memref_slice %arg11[%dma_start3A_385, %dma_start3A_386, %dma_start3A_395, %dma_start3A_396] : memref<2x4x125x16xf32, #tpu.memory_space<vmem>> -> memref<1x1x125x16xf32, #tpu.memory_space<vmem>>
      %dma_start3A_398 = tpu.memref_squeeze %dma_start3A_397 : memref<1x1x125x16xf32, #tpu.memory_space<vmem>> -> memref<125x16xf32, #tpu.memory_space<vmem>>
      tpu.enqueue_dma source(%dma_start3A_398 : memref<125x16xf32, #tpu.memory_space<vmem>>) target(%dma_start3A_394 : memref<125x16xf32, #tpu.memory_space<hbm>>) target_semaphore(%arg14 : memref<!tpu.dma_semaphore, #tpu.memory_space<semaphore_mem>>)
      %mul3A_399 = arith.constant 4 : i32
      %mul3A_400 = arith.muli %mul3A_244, %mul3A_399 : i32
      %add3A_401 = arith.constant 1 : i32
      %add3A_402 = arith.addi %mul3A_400, %add3A_401 : i32
      %mul3A_403 = arith.constant 125 : i32
      %mul3A_404 = arith.muli %add3A_402, %mul3A_403 : i32
      %add3A_405 = arith.addi %mul3A_6, %mul3A_404 : i32
      %dma_start3A_406 = arith.constant 0 : i32
      %dma_start3A_407 = arith.constant 1 : i32
      %dma_start3A_408 = arith.constant 0 : i32
      %dma_start3A_409 = arith.constant 0 : i32
      %dma_start3A_410 = tpu.memref_slice %arg10[%dma_start3A_406, %dma_start3A_407, %dma_start3A_408, %dma_start3A_409] : memref<2x4x125x32xf32, #tpu.memory_space<vmem>> -> memref<1x1x125x32xf32, #tpu.memory_space<vmem>>
      %dma_start3A_411 = tpu.memref_squeeze %dma_start3A_410 : memref<1x1x125x32xf32, #tpu.memory_space<vmem>> -> memref<125x32xf32, #tpu.memory_space<vmem>>
      %dma_start3A_412 = arith.constant 0 : i32
      %dma_start3A_413 = tpu.memref_slice %arg6[%add3A_405, %dma_start3A_412] : memref<160000x32xf32, #tpu.memory_space<hbm>> -> memref<125x32xf32, #tpu.memory_space<hbm>>
      %dma_start3A_414 = arith.constant 0 : i32
      %dma_start3A_415 = tpu.memref_slice %arg6[%add3A_405, %dma_start3A_414] : memref<160000x32xf32, #tpu.memory_space<hbm>> -> memref<125x32xf32, #tpu.memory_space<hbm>>
      %dma_start3A_416 = arith.constant 0 : i32
      %dma_start3A_417 = arith.constant 0 : i32
      %dma_start3A_418 = tpu.memref_slice %arg10[%dma_start3A_406, %dma_start3A_407, %dma_start3A_416, %dma_start3A_417] : memref<2x4x125x32xf32, #tpu.memory_space<vmem>> -> memref<1x1x125x32xf32, #tpu.memory_space<vmem>>
      %dma_start3A_419 = tpu.memref_squeeze %dma_start3A_418 : memref<1x1x125x32xf32, #tpu.memory_space<vmem>> -> memref<125x32xf32, #tpu.memory_space<vmem>>
      tpu.enqueue_dma source(%dma_start3A_419 : memref<125x32xf32, #tpu.memory_space<vmem>>) target(%dma_start3A_415 : memref<125x32xf32, #tpu.memory_space<hbm>>) target_semaphore(%arg14 : memref<!tpu.dma_semaphore, #tpu.memory_space<semaphore_mem>>)
      %mul3A_420 = arith.constant 125 : i32
      %mul3A_421 = arith.muli %add3A_402, %mul3A_420 : i32
      %add3A_422 = arith.addi %mul3A_6, %mul3A_421 : i32
      %dma_start3A_423 = arith.constant 0 : i32
      %dma_start3A_424 = arith.constant 1 : i32
      %dma_start3A_425 = arith.constant 0 : i32
      %dma_start3A_426 = arith.constant 0 : i32
      %dma_start3A_427 = tpu.memref_slice %arg11[%dma_start3A_423, %dma_start3A_424, %dma_start3A_425, %dma_start3A_426] : memref<2x4x125x16xf32, #tpu.memory_space<vmem>> -> memref<1x1x125x16xf32, #tpu.memory_space<vmem>>
      %dma_start3A_428 = tpu.memref_squeeze %dma_start3A_427 : memref<1x1x125x16xf32, #tpu.memory_space<vmem>> -> memref<125x16xf32, #tpu.memory_space<vmem>>
      %dma_start3A_429 = arith.constant 0 : i32
      %dma_start3A_430 = tpu.memref_slice %arg7[%add3A_422, %dma_start3A_429] : memref<160000x16xf32, #tpu.memory_space<hbm>> -> memref<125x16xf32, #tpu.memory_space<hbm>>
      %dma_start3A_431 = arith.constant 0 : i32
      %dma_start3A_432 = tpu.memref_slice %arg7[%add3A_422, %dma_start3A_431] : memref<160000x16xf32, #tpu.memory_space<hbm>> -> memref<125x16xf32, #tpu.memory_space<hbm>>
      %dma_start3A_433 = arith.constant 0 : i32
      %dma_start3A_434 = arith.constant 0 : i32
      %dma_start3A_435 = tpu.memref_slice %arg11[%dma_start3A_423, %dma_start3A_424, %dma_start3A_433, %dma_start3A_434] : memref<2x4x125x16xf32, #tpu.memory_space<vmem>> -> memref<1x1x125x16xf32, #tpu.memory_space<vmem>>
      %dma_start3A_436 = tpu.memref_squeeze %dma_start3A_435 : memref<1x1x125x16xf32, #tpu.memory_space<vmem>> -> memref<125x16xf32, #tpu.memory_space<vmem>>
      tpu.enqueue_dma source(%dma_start3A_436 : memref<125x16xf32, #tpu.memory_space<vmem>>) target(%dma_start3A_432 : memref<125x16xf32, #tpu.memory_space<hbm>>) target_semaphore(%arg14 : memref<!tpu.dma_semaphore, #tpu.memory_space<semaphore_mem>>)
      %mul3A_437 = arith.constant 4 : i32
      %mul3A_438 = arith.muli %mul3A_244, %mul3A_437 : i32
      %add3A_439 = arith.constant 2 : i32
      %add3A_440 = arith.addi %mul3A_438, %add3A_439 : i32
      %mul3A_441 = arith.constant 125 : i32
      %mul3A_442 = arith.muli %add3A_440, %mul3A_441 : i32
      %add3A_443 = arith.addi %mul3A_6, %mul3A_442 : i32
      %dma_start3A_444 = arith.constant 0 : i32
      %dma_start3A_445 = arith.constant 2 : i32
      %dma_start3A_446 = arith.constant 0 : i32
      %dma_start3A_447 = arith.constant 0 : i32
      %dma_start3A_448 = tpu.memref_slice %arg10[%dma_start3A_444, %dma_start3A_445, %dma_start3A_446, %dma_start3A_447] : memref<2x4x125x32xf32, #tpu.memory_space<vmem>> -> memref<1x1x125x32xf32, #tpu.memory_space<vmem>>
      %dma_start3A_449 = tpu.memref_squeeze %dma_start3A_448 : memref<1x1x125x32xf32, #tpu.memory_space<vmem>> -> memref<125x32xf32, #tpu.memory_space<vmem>>
      %dma_start3A_450 = arith.constant 0 : i32
      %dma_start3A_451 = tpu.memref_slice %arg6[%add3A_443, %dma_start3A_450] : memref<160000x32xf32, #tpu.memory_space<hbm>> -> memref<125x32xf32, #tpu.memory_space<hbm>>
      %dma_start3A_452 = arith.constant 0 : i32
      %dma_start3A_453 = tpu.memref_slice %arg6[%add3A_443, %dma_start3A_452] : memref<160000x32xf32, #tpu.memory_space<hbm>> -> memref<125x32xf32, #tpu.memory_space<hbm>>
      %dma_start3A_454 = arith.constant 0 : i32
      %dma_start3A_455 = arith.constant 0 : i32
      %dma_start3A_456 = tpu.memref_slice %arg10[%dma_start3A_444, %dma_start3A_445, %dma_start3A_454, %dma_start3A_455] : memref<2x4x125x32xf32, #tpu.memory_space<vmem>> -> memref<1x1x125x32xf32, #tpu.memory_space<vmem>>
      %dma_start3A_457 = tpu.memref_squeeze %dma_start3A_456 : memref<1x1x125x32xf32, #tpu.memory_space<vmem>> -> memref<125x32xf32, #tpu.memory_space<vmem>>
      tpu.enqueue_dma source(%dma_start3A_457 : memref<125x32xf32, #tpu.memory_space<vmem>>) target(%dma_start3A_453 : memref<125x32xf32, #tpu.memory_space<hbm>>) target_semaphore(%arg14 : memref<!tpu.dma_semaphore, #tpu.memory_space<semaphore_mem>>)
      %mul3A_458 = arith.constant 125 : i32
      %mul3A_459 = arith.muli %add3A_440, %mul3A_458 : i32
      %add3A_460 = arith.addi %mul3A_6, %mul3A_459 : i32
      %dma_start3A_461 = arith.constant 0 : i32
      %dma_start3A_462 = arith.constant 2 : i32
      %dma_start3A_463 = arith.constant 0 : i32
      %dma_start3A_464 = arith.constant 0 : i32
      %dma_start3A_465 = tpu.memref_slice %arg11[%dma_start3A_461, %dma_start3A_462, %dma_start3A_463, %dma_start3A_464] : memref<2x4x125x16xf32, #tpu.memory_space<vmem>> -> memref<1x1x125x16xf32, #tpu.memory_space<vmem>>
      %dma_start3A_466 = tpu.memref_squeeze %dma_start3A_465 : memref<1x1x125x16xf32, #tpu.memory_space<vmem>> -> memref<125x16xf32, #tpu.memory_space<vmem>>
      %dma_start3A_467 = arith.constant 0 : i32
      %dma_start3A_468 = tpu.memref_slice %arg7[%add3A_460, %dma_start3A_467] : memref<160000x16xf32, #tpu.memory_space<hbm>> -> memref<125x16xf32, #tpu.memory_space<hbm>>
      %dma_start3A_469 = arith.constant 0 : i32
      %dma_start3A_470 = tpu.memref_slice %arg7[%add3A_460, %dma_start3A_469] : memref<160000x16xf32, #tpu.memory_space<hbm>> -> memref<125x16xf32, #tpu.memory_space<hbm>>
      %dma_start3A_471 = arith.constant 0 : i32
      %dma_start3A_472 = arith.constant 0 : i32
      %dma_start3A_473 = tpu.memref_slice %arg11[%dma_start3A_461, %dma_start3A_462, %dma_start3A_471, %dma_start3A_472] : memref<2x4x125x16xf32, #tpu.memory_space<vmem>> -> memref<1x1x125x16xf32, #tpu.memory_space<vmem>>
      %dma_start3A_474 = tpu.memref_squeeze %dma_start3A_473 : memref<1x1x125x16xf32, #tpu.memory_space<vmem>> -> memref<125x16xf32, #tpu.memory_space<vmem>>
      tpu.enqueue_dma source(%dma_start3A_474 : memref<125x16xf32, #tpu.memory_space<vmem>>) target(%dma_start3A_470 : memref<125x16xf32, #tpu.memory_space<hbm>>) target_semaphore(%arg14 : memref<!tpu.dma_semaphore, #tpu.memory_space<semaphore_mem>>)
      %mul3A_475 = arith.constant 4 : i32
      %mul3A_476 = arith.muli %mul3A_244, %mul3A_475 : i32
      %add3A_477 = arith.constant 3 : i32
      %add3A_478 = arith.addi %mul3A_476, %add3A_477 : i32
      %mul3A_479 = arith.constant 125 : i32
      %mul3A_480 = arith.muli %add3A_478, %mul3A_479 : i32
      %add3A_481 = arith.addi %mul3A_6, %mul3A_480 : i32
      %dma_start3A_482 = arith.constant 0 : i32
      %dma_start3A_483 = arith.constant 3 : i32
      %dma_start3A_484 = arith.constant 0 : i32
      %dma_start3A_485 = arith.constant 0 : i32
      %dma_start3A_486 = tpu.memref_slice %arg10[%dma_start3A_482, %dma_start3A_483, %dma_start3A_484, %dma_start3A_485] : memref<2x4x125x32xf32, #tpu.memory_space<vmem>> -> memref<1x1x125x32xf32, #tpu.memory_space<vmem>>
      %dma_start3A_487 = tpu.memref_squeeze %dma_start3A_486 : memref<1x1x125x32xf32, #tpu.memory_space<vmem>> -> memref<125x32xf32, #tpu.memory_space<vmem>>
      %dma_start3A_488 = arith.constant 0 : i32
      %dma_start3A_489 = tpu.memref_slice %arg6[%add3A_481, %dma_start3A_488] : memref<160000x32xf32, #tpu.memory_space<hbm>> -> memref<125x32xf32, #tpu.memory_space<hbm>>
      %dma_start3A_490 = arith.constant 0 : i32
      %dma_start3A_491 = tpu.memref_slice %arg6[%add3A_481, %dma_start3A_490] : memref<160000x32xf32, #tpu.memory_space<hbm>> -> memref<125x32xf32, #tpu.memory_space<hbm>>
      %dma_start3A_492 = arith.constant 0 : i32
      %dma_start3A_493 = arith.constant 0 : i32
      %dma_start3A_494 = tpu.memref_slice %arg10[%dma_start3A_482, %dma_start3A_483, %dma_start3A_492, %dma_start3A_493] : memref<2x4x125x32xf32, #tpu.memory_space<vmem>> -> memref<1x1x125x32xf32, #tpu.memory_space<vmem>>
      %dma_start3A_495 = tpu.memref_squeeze %dma_start3A_494 : memref<1x1x125x32xf32, #tpu.memory_space<vmem>> -> memref<125x32xf32, #tpu.memory_space<vmem>>
      tpu.enqueue_dma source(%dma_start3A_495 : memref<125x32xf32, #tpu.memory_space<vmem>>) target(%dma_start3A_491 : memref<125x32xf32, #tpu.memory_space<hbm>>) target_semaphore(%arg14 : memref<!tpu.dma_semaphore, #tpu.memory_space<semaphore_mem>>)
      %mul3A_496 = arith.constant 125 : i32
      %mul3A_497 = arith.muli %add3A_478, %mul3A_496 : i32
      %add3A_498 = arith.addi %mul3A_6, %mul3A_497 : i32
      %dma_start3A_499 = arith.constant 0 : i32
      %dma_start3A_500 = arith.constant 3 : i32
      %dma_start3A_501 = arith.constant 0 : i32
      %dma_start3A_502 = arith.constant 0 : i32
      %dma_start3A_503 = tpu.memref_slice %arg11[%dma_start3A_499, %dma_start3A_500, %dma_start3A_501, %dma_start3A_502] : memref<2x4x125x16xf32, #tpu.memory_space<vmem>> -> memref<1x1x125x16xf32, #tpu.memory_space<vmem>>
      %dma_start3A_504 = tpu.memref_squeeze %dma_start3A_503 : memref<1x1x125x16xf32, #tpu.memory_space<vmem>> -> memref<125x16xf32, #tpu.memory_space<vmem>>
      %dma_start3A_505 = arith.constant 0 : i32
      %dma_start3A_506 = tpu.memref_slice %arg7[%add3A_498, %dma_start3A_505] : memref<160000x16xf32, #tpu.memory_space<hbm>> -> memref<125x16xf32, #tpu.memory_space<hbm>>
      %dma_start3A_507 = arith.constant 0 : i32
      %dma_start3A_508 = tpu.memref_slice %arg7[%add3A_498, %dma_start3A_507] : memref<160000x16xf32, #tpu.memory_space<hbm>> -> memref<125x16xf32, #tpu.memory_space<hbm>>
      %dma_start3A_509 = arith.constant 0 : i32
      %dma_start3A_510 = arith.constant 0 : i32
      %dma_start3A_511 = tpu.memref_slice %arg11[%dma_start3A_499, %dma_start3A_500, %dma_start3A_509, %dma_start3A_510] : memref<2x4x125x16xf32, #tpu.memory_space<vmem>> -> memref<1x1x125x16xf32, #tpu.memory_space<vmem>>
      %dma_start3A_512 = tpu.memref_squeeze %dma_start3A_511 : memref<1x1x125x16xf32, #tpu.memory_space<vmem>> -> memref<125x16xf32, #tpu.memory_space<vmem>>
      tpu.enqueue_dma source(%dma_start3A_512 : memref<125x16xf32, #tpu.memory_space<vmem>>) target(%dma_start3A_508 : memref<125x16xf32, #tpu.memory_space<hbm>>) target_semaphore(%arg14 : memref<!tpu.dma_semaphore, #tpu.memory_space<semaphore_mem>>)
      %gt3A = arith.constant 0 : i32
      %gt3A_513 = arith.cmpi sgt, %scan3A_242, %gt3A : i32
      %convert_element_type3A = arith.extui %gt3A_513 : i1 to i32
      %cond3A = arith.constant 0 : i32
      %cond3A_514 = arith.cmpi ne, %convert_element_type3A, %cond3A : i32
      scf.if %cond3A_514 {
        %sub3A = arith.constant 2 : i32
        %sub3A_1049 = arith.subi %add3A_248, %sub3A : i32
        %mul3A_1050 = arith.constant 4 : i32
        %mul3A_1051 = arith.muli %sub3A_1049, %mul3A_1050 : i32
        %add3A_1052 = arith.constant 0 : i32
        %add3A_1053 = arith.addi %mul3A_1051, %add3A_1052 : i32
        %mul3A_1054 = arith.constant 125 : i32
        %mul3A_1055 = arith.muli %add3A_1053, %mul3A_1054 : i32
        %add3A_1056 = arith.addi %mul3A_6, %mul3A_1055 : i32
        %dma_wait3A_1057 = arith.constant 1 : i32
        %dma_wait3A_1058 = arith.constant 0 : i32
        %dma_wait3A_1059 = arith.constant 0 : i32
        %dma_wait3A_1060 = arith.constant 0 : i32
        %dma_wait3A_1061 = tpu.memref_slice %arg10[%dma_wait3A_1057, %dma_wait3A_1058, %dma_wait3A_1059, %dma_wait3A_1060] : memref<2x4x125x32xf32, #tpu.memory_space<vmem>> -> memref<1x1x125x32xf32, #tpu.memory_space<vmem>>
        %dma_wait3A_1062 = tpu.memref_squeeze %dma_wait3A_1061 : memref<1x1x125x32xf32, #tpu.memory_space<vmem>> -> memref<125x32xf32, #tpu.memory_space<vmem>>
        %dma_wait3A_1063 = arith.constant 0 : i32
        %dma_wait3A_1064 = tpu.memref_slice %arg6[%add3A_1056, %dma_wait3A_1063] : memref<160000x32xf32, #tpu.memory_space<hbm>> -> memref<125x32xf32, #tpu.memory_space<hbm>>
        %dma_wait3A_1065 = arith.constant 0 : i32
        %dma_wait3A_1066 = tpu.memref_slice %arg6[%add3A_1056, %dma_wait3A_1065] : memref<160000x32xf32, #tpu.memory_space<hbm>> -> memref<125x32xf32, #tpu.memory_space<hbm>>
        %dma_wait3A_1067 = arith.constant 0 : i32
        %dma_wait3A_1068 = arith.constant 0 : i32
        %dma_wait3A_1069 = tpu.memref_slice %arg10[%dma_wait3A_1057, %dma_wait3A_1058, %dma_wait3A_1067, %dma_wait3A_1068] : memref<2x4x125x32xf32, #tpu.memory_space<vmem>> -> memref<1x1x125x32xf32, #tpu.memory_space<vmem>>
        %dma_wait3A_1070 = tpu.memref_squeeze %dma_wait3A_1069 : memref<1x1x125x32xf32, #tpu.memory_space<vmem>> -> memref<125x32xf32, #tpu.memory_space<vmem>>
        tpu.wait_dma2 semaphore(%arg15 : memref<!tpu.dma_semaphore, #tpu.memory_space<semaphore_mem>>) src(%dma_wait3A_1070 : memref<125x32xf32, #tpu.memory_space<vmem>>) dst(%dma_wait3A_1066 : memref<125x32xf32, #tpu.memory_space<hbm>>)
        %mul3A_1071 = arith.constant 125 : i32
        %mul3A_1072 = arith.muli %add3A_1053, %mul3A_1071 : i32
        %add3A_1073 = arith.addi %mul3A_6, %mul3A_1072 : i32
        %dma_wait3A_1074 = arith.constant 1 : i32
        %dma_wait3A_1075 = arith.constant 0 : i32
        %dma_wait3A_1076 = arith.constant 0 : i32
        %dma_wait3A_1077 = arith.constant 0 : i32
        %dma_wait3A_1078 = tpu.memref_slice %arg11[%dma_wait3A_1074, %dma_wait3A_1075, %dma_wait3A_1076, %dma_wait3A_1077] : memref<2x4x125x16xf32, #tpu.memory_space<vmem>> -> memref<1x1x125x16xf32, #tpu.memory_space<vmem>>
        %dma_wait3A_1079 = tpu.memref_squeeze %dma_wait3A_1078 : memref<1x1x125x16xf32, #tpu.memory_space<vmem>> -> memref<125x16xf32, #tpu.memory_space<vmem>>
        %dma_wait3A_1080 = arith.constant 0 : i32
        %dma_wait3A_1081 = tpu.memref_slice %arg7[%add3A_1073, %dma_wait3A_1080] : memref<160000x16xf32, #tpu.memory_space<hbm>> -> memref<125x16xf32, #tpu.memory_space<hbm>>
        %dma_wait3A_1082 = arith.constant 0 : i32
        %dma_wait3A_1083 = tpu.memref_slice %arg7[%add3A_1073, %dma_wait3A_1082] : memref<160000x16xf32, #tpu.memory_space<hbm>> -> memref<125x16xf32, #tpu.memory_space<hbm>>
        %dma_wait3A_1084 = arith.constant 0 : i32
        %dma_wait3A_1085 = arith.constant 0 : i32
        %dma_wait3A_1086 = tpu.memref_slice %arg11[%dma_wait3A_1074, %dma_wait3A_1075, %dma_wait3A_1084, %dma_wait3A_1085] : memref<2x4x125x16xf32, #tpu.memory_space<vmem>> -> memref<1x1x125x16xf32, #tpu.memory_space<vmem>>
        %dma_wait3A_1087 = tpu.memref_squeeze %dma_wait3A_1086 : memref<1x1x125x16xf32, #tpu.memory_space<vmem>> -> memref<125x16xf32, #tpu.memory_space<vmem>>
        tpu.wait_dma2 semaphore(%arg15 : memref<!tpu.dma_semaphore, #tpu.memory_space<semaphore_mem>>) src(%dma_wait3A_1087 : memref<125x16xf32, #tpu.memory_space<vmem>>) dst(%dma_wait3A_1083 : memref<125x16xf32, #tpu.memory_space<hbm>>)
        %mul3A_1088 = arith.constant 4 : i32
        %mul3A_1089 = arith.muli %sub3A_1049, %mul3A_1088 : i32
        %add3A_1090 = arith.constant 1 : i32
        %add3A_1091 = arith.addi %mul3A_1089, %add3A_1090 : i32
        %mul3A_1092 = arith.constant 125 : i32
        %mul3A_1093 = arith.muli %add3A_1091, %mul3A_1092 : i32
        %add3A_1094 = arith.addi %mul3A_6, %mul3A_1093 : i32
        %dma_wait3A_1095 = arith.constant 1 : i32
        %dma_wait3A_1096 = arith.constant 1 : i32
        %dma_wait3A_1097 = arith.constant 0 : i32
        %dma_wait3A_1098 = arith.constant 0 : i32
        %dma_wait3A_1099 = tpu.memref_slice %arg10[%dma_wait3A_1095, %dma_wait3A_1096, %dma_wait3A_1097, %dma_wait3A_1098] : memref<2x4x125x32xf32, #tpu.memory_space<vmem>> -> memref<1x1x125x32xf32, #tpu.memory_space<vmem>>
        %dma_wait3A_1100 = tpu.memref_squeeze %dma_wait3A_1099 : memref<1x1x125x32xf32, #tpu.memory_space<vmem>> -> memref<125x32xf32, #tpu.memory_space<vmem>>
        %dma_wait3A_1101 = arith.constant 0 : i32
        %dma_wait3A_1102 = tpu.memref_slice %arg6[%add3A_1094, %dma_wait3A_1101] : memref<160000x32xf32, #tpu.memory_space<hbm>> -> memref<125x32xf32, #tpu.memory_space<hbm>>
        %dma_wait3A_1103 = arith.constant 0 : i32
        %dma_wait3A_1104 = tpu.memref_slice %arg6[%add3A_1094, %dma_wait3A_1103] : memref<160000x32xf32, #tpu.memory_space<hbm>> -> memref<125x32xf32, #tpu.memory_space<hbm>>
        %dma_wait3A_1105 = arith.constant 0 : i32
        %dma_wait3A_1106 = arith.constant 0 : i32
        %dma_wait3A_1107 = tpu.memref_slice %arg10[%dma_wait3A_1095, %dma_wait3A_1096, %dma_wait3A_1105, %dma_wait3A_1106] : memref<2x4x125x32xf32, #tpu.memory_space<vmem>> -> memref<1x1x125x32xf32, #tpu.memory_space<vmem>>
        %dma_wait3A_1108 = tpu.memref_squeeze %dma_wait3A_1107 : memref<1x1x125x32xf32, #tpu.memory_space<vmem>> -> memref<125x32xf32, #tpu.memory_space<vmem>>
        tpu.wait_dma2 semaphore(%arg15 : memref<!tpu.dma_semaphore, #tpu.memory_space<semaphore_mem>>) src(%dma_wait3A_1108 : memref<125x32xf32, #tpu.memory_space<vmem>>) dst(%dma_wait3A_1104 : memref<125x32xf32, #tpu.memory_space<hbm>>)
        %mul3A_1109 = arith.constant 125 : i32
        %mul3A_1110 = arith.muli %add3A_1091, %mul3A_1109 : i32
        %add3A_1111 = arith.addi %mul3A_6, %mul3A_1110 : i32
        %dma_wait3A_1112 = arith.constant 1 : i32
        %dma_wait3A_1113 = arith.constant 1 : i32
        %dma_wait3A_1114 = arith.constant 0 : i32
        %dma_wait3A_1115 = arith.constant 0 : i32
        %dma_wait3A_1116 = tpu.memref_slice %arg11[%dma_wait3A_1112, %dma_wait3A_1113, %dma_wait3A_1114, %dma_wait3A_1115] : memref<2x4x125x16xf32, #tpu.memory_space<vmem>> -> memref<1x1x125x16xf32, #tpu.memory_space<vmem>>
        %dma_wait3A_1117 = tpu.memref_squeeze %dma_wait3A_1116 : memref<1x1x125x16xf32, #tpu.memory_space<vmem>> -> memref<125x16xf32, #tpu.memory_space<vmem>>
        %dma_wait3A_1118 = arith.constant 0 : i32
        %dma_wait3A_1119 = tpu.memref_slice %arg7[%add3A_1111, %dma_wait3A_1118] : memref<160000x16xf32, #tpu.memory_space<hbm>> -> memref<125x16xf32, #tpu.memory_space<hbm>>
        %dma_wait3A_1120 = arith.constant 0 : i32
        %dma_wait3A_1121 = tpu.memref_slice %arg7[%add3A_1111, %dma_wait3A_1120] : memref<160000x16xf32, #tpu.memory_space<hbm>> -> memref<125x16xf32, #tpu.memory_space<hbm>>
        %dma_wait3A_1122 = arith.constant 0 : i32
        %dma_wait3A_1123 = arith.constant 0 : i32
        %dma_wait3A_1124 = tpu.memref_slice %arg11[%dma_wait3A_1112, %dma_wait3A_1113, %dma_wait3A_1122, %dma_wait3A_1123] : memref<2x4x125x16xf32, #tpu.memory_space<vmem>> -> memref<1x1x125x16xf32, #tpu.memory_space<vmem>>
        %dma_wait3A_1125 = tpu.memref_squeeze %dma_wait3A_1124 : memref<1x1x125x16xf32, #tpu.memory_space<vmem>> -> memref<125x16xf32, #tpu.memory_space<vmem>>
        tpu.wait_dma2 semaphore(%arg15 : memref<!tpu.dma_semaphore, #tpu.memory_space<semaphore_mem>>) src(%dma_wait3A_1125 : memref<125x16xf32, #tpu.memory_space<vmem>>) dst(%dma_wait3A_1121 : memref<125x16xf32, #tpu.memory_space<hbm>>)
        %mul3A_1126 = arith.constant 4 : i32
        %mul3A_1127 = arith.muli %sub3A_1049, %mul3A_1126 : i32
        %add3A_1128 = arith.constant 2 : i32
        %add3A_1129 = arith.addi %mul3A_1127, %add3A_1128 : i32
        %mul3A_1130 = arith.constant 125 : i32
        %mul3A_1131 = arith.muli %add3A_1129, %mul3A_1130 : i32
        %add3A_1132 = arith.addi %mul3A_6, %mul3A_1131 : i32
        %dma_wait3A_1133 = arith.constant 1 : i32
        %dma_wait3A_1134 = arith.constant 2 : i32
        %dma_wait3A_1135 = arith.constant 0 : i32
        %dma_wait3A_1136 = arith.constant 0 : i32
        %dma_wait3A_1137 = tpu.memref_slice %arg10[%dma_wait3A_1133, %dma_wait3A_1134, %dma_wait3A_1135, %dma_wait3A_1136] : memref<2x4x125x32xf32, #tpu.memory_space<vmem>> -> memref<1x1x125x32xf32, #tpu.memory_space<vmem>>
        %dma_wait3A_1138 = tpu.memref_squeeze %dma_wait3A_1137 : memref<1x1x125x32xf32, #tpu.memory_space<vmem>> -> memref<125x32xf32, #tpu.memory_space<vmem>>
        %dma_wait3A_1139 = arith.constant 0 : i32
        %dma_wait3A_1140 = tpu.memref_slice %arg6[%add3A_1132, %dma_wait3A_1139] : memref<160000x32xf32, #tpu.memory_space<hbm>> -> memref<125x32xf32, #tpu.memory_space<hbm>>
        %dma_wait3A_1141 = arith.constant 0 : i32
        %dma_wait3A_1142 = tpu.memref_slice %arg6[%add3A_1132, %dma_wait3A_1141] : memref<160000x32xf32, #tpu.memory_space<hbm>> -> memref<125x32xf32, #tpu.memory_space<hbm>>
        %dma_wait3A_1143 = arith.constant 0 : i32
        %dma_wait3A_1144 = arith.constant 0 : i32
        %dma_wait3A_1145 = tpu.memref_slice %arg10[%dma_wait3A_1133, %dma_wait3A_1134, %dma_wait3A_1143, %dma_wait3A_1144] : memref<2x4x125x32xf32, #tpu.memory_space<vmem>> -> memref<1x1x125x32xf32, #tpu.memory_space<vmem>>
        %dma_wait3A_1146 = tpu.memref_squeeze %dma_wait3A_1145 : memref<1x1x125x32xf32, #tpu.memory_space<vmem>> -> memref<125x32xf32, #tpu.memory_space<vmem>>
        tpu.wait_dma2 semaphore(%arg15 : memref<!tpu.dma_semaphore, #tpu.memory_space<semaphore_mem>>) src(%dma_wait3A_1146 : memref<125x32xf32, #tpu.memory_space<vmem>>) dst(%dma_wait3A_1142 : memref<125x32xf32, #tpu.memory_space<hbm>>)
        %mul3A_1147 = arith.constant 125 : i32
        %mul3A_1148 = arith.muli %add3A_1129, %mul3A_1147 : i32
        %add3A_1149 = arith.addi %mul3A_6, %mul3A_1148 : i32
        %dma_wait3A_1150 = arith.constant 1 : i32
        %dma_wait3A_1151 = arith.constant 2 : i32
        %dma_wait3A_1152 = arith.constant 0 : i32
        %dma_wait3A_1153 = arith.constant 0 : i32
        %dma_wait3A_1154 = tpu.memref_slice %arg11[%dma_wait3A_1150, %dma_wait3A_1151, %dma_wait3A_1152, %dma_wait3A_1153] : memref<2x4x125x16xf32, #tpu.memory_space<vmem>> -> memref<1x1x125x16xf32, #tpu.memory_space<vmem>>
        %dma_wait3A_1155 = tpu.memref_squeeze %dma_wait3A_1154 : memref<1x1x125x16xf32, #tpu.memory_space<vmem>> -> memref<125x16xf32, #tpu.memory_space<vmem>>
        %dma_wait3A_1156 = arith.constant 0 : i32
        %dma_wait3A_1157 = tpu.memref_slice %arg7[%add3A_1149, %dma_wait3A_1156] : memref<160000x16xf32, #tpu.memory_space<hbm>> -> memref<125x16xf32, #tpu.memory_space<hbm>>
        %dma_wait3A_1158 = arith.constant 0 : i32
        %dma_wait3A_1159 = tpu.memref_slice %arg7[%add3A_1149, %dma_wait3A_1158] : memref<160000x16xf32, #tpu.memory_space<hbm>> -> memref<125x16xf32, #tpu.memory_space<hbm>>
        %dma_wait3A_1160 = arith.constant 0 : i32
        %dma_wait3A_1161 = arith.constant 0 : i32
        %dma_wait3A_1162 = tpu.memref_slice %arg11[%dma_wait3A_1150, %dma_wait3A_1151, %dma_wait3A_1160, %dma_wait3A_1161] : memref<2x4x125x16xf32, #tpu.memory_space<vmem>> -> memref<1x1x125x16xf32, #tpu.memory_space<vmem>>
        %dma_wait3A_1163 = tpu.memref_squeeze %dma_wait3A_1162 : memref<1x1x125x16xf32, #tpu.memory_space<vmem>> -> memref<125x16xf32, #tpu.memory_space<vmem>>
        tpu.wait_dma2 semaphore(%arg15 : memref<!tpu.dma_semaphore, #tpu.memory_space<semaphore_mem>>) src(%dma_wait3A_1163 : memref<125x16xf32, #tpu.memory_space<vmem>>) dst(%dma_wait3A_1159 : memref<125x16xf32, #tpu.memory_space<hbm>>)
        %mul3A_1164 = arith.constant 4 : i32
        %mul3A_1165 = arith.muli %sub3A_1049, %mul3A_1164 : i32
        %add3A_1166 = arith.constant 3 : i32
        %add3A_1167 = arith.addi %mul3A_1165, %add3A_1166 : i32
        %mul3A_1168 = arith.constant 125 : i32
        %mul3A_1169 = arith.muli %add3A_1167, %mul3A_1168 : i32
        %add3A_1170 = arith.addi %mul3A_6, %mul3A_1169 : i32
        %dma_wait3A_1171 = arith.constant 1 : i32
        %dma_wait3A_1172 = arith.constant 3 : i32
        %dma_wait3A_1173 = arith.constant 0 : i32
        %dma_wait3A_1174 = arith.constant 0 : i32
        %dma_wait3A_1175 = tpu.memref_slice %arg10[%dma_wait3A_1171, %dma_wait3A_1172, %dma_wait3A_1173, %dma_wait3A_1174] : memref<2x4x125x32xf32, #tpu.memory_space<vmem>> -> memref<1x1x125x32xf32, #tpu.memory_space<vmem>>
        %dma_wait3A_1176 = tpu.memref_squeeze %dma_wait3A_1175 : memref<1x1x125x32xf32, #tpu.memory_space<vmem>> -> memref<125x32xf32, #tpu.memory_space<vmem>>
        %dma_wait3A_1177 = arith.constant 0 : i32
        %dma_wait3A_1178 = tpu.memref_slice %arg6[%add3A_1170, %dma_wait3A_1177] : memref<160000x32xf32, #tpu.memory_space<hbm>> -> memref<125x32xf32, #tpu.memory_space<hbm>>
        %dma_wait3A_1179 = arith.constant 0 : i32
        %dma_wait3A_1180 = tpu.memref_slice %arg6[%add3A_1170, %dma_wait3A_1179] : memref<160000x32xf32, #tpu.memory_space<hbm>> -> memref<125x32xf32, #tpu.memory_space<hbm>>
        %dma_wait3A_1181 = arith.constant 0 : i32
        %dma_wait3A_1182 = arith.constant 0 : i32
        %dma_wait3A_1183 = tpu.memref_slice %arg10[%dma_wait3A_1171, %dma_wait3A_1172, %dma_wait3A_1181, %dma_wait3A_1182] : memref<2x4x125x32xf32, #tpu.memory_space<vmem>> -> memref<1x1x125x32xf32, #tpu.memory_space<vmem>>
        %dma_wait3A_1184 = tpu.memref_squeeze %dma_wait3A_1183 : memref<1x1x125x32xf32, #tpu.memory_space<vmem>> -> memref<125x32xf32, #tpu.memory_space<vmem>>
        tpu.wait_dma2 semaphore(%arg15 : memref<!tpu.dma_semaphore, #tpu.memory_space<semaphore_mem>>) src(%dma_wait3A_1184 : memref<125x32xf32, #tpu.memory_space<vmem>>) dst(%dma_wait3A_1180 : memref<125x32xf32, #tpu.memory_space<hbm>>)
        %mul3A_1185 = arith.constant 125 : i32
        %mul3A_1186 = arith.muli %add3A_1167, %mul3A_1185 : i32
        %add3A_1187 = arith.addi %mul3A_6, %mul3A_1186 : i32
        %dma_wait3A_1188 = arith.constant 1 : i32
        %dma_wait3A_1189 = arith.constant 3 : i32
        %dma_wait3A_1190 = arith.constant 0 : i32
        %dma_wait3A_1191 = arith.constant 0 : i32
        %dma_wait3A_1192 = tpu.memref_slice %arg11[%dma_wait3A_1188, %dma_wait3A_1189, %dma_wait3A_1190, %dma_wait3A_1191] : memref<2x4x125x16xf32, #tpu.memory_space<vmem>> -> memref<1x1x125x16xf32, #tpu.memory_space<vmem>>
        %dma_wait3A_1193 = tpu.memref_squeeze %dma_wait3A_1192 : memref<1x1x125x16xf32, #tpu.memory_space<vmem>> -> memref<125x16xf32, #tpu.memory_space<vmem>>
        %dma_wait3A_1194 = arith.constant 0 : i32
        %dma_wait3A_1195 = tpu.memref_slice %arg7[%add3A_1187, %dma_wait3A_1194] : memref<160000x16xf32, #tpu.memory_space<hbm>> -> memref<125x16xf32, #tpu.memory_space<hbm>>
        %dma_wait3A_1196 = arith.constant 0 : i32
        %dma_wait3A_1197 = tpu.memref_slice %arg7[%add3A_1187, %dma_wait3A_1196] : memref<160000x16xf32, #tpu.memory_space<hbm>> -> memref<125x16xf32, #tpu.memory_space<hbm>>
        %dma_wait3A_1198 = arith.constant 0 : i32
        %dma_wait3A_1199 = arith.constant 0 : i32
        %dma_wait3A_1200 = tpu.memref_slice %arg11[%dma_wait3A_1188, %dma_wait3A_1189, %dma_wait3A_1198, %dma_wait3A_1199] : memref<2x4x125x16xf32, #tpu.memory_space<vmem>> -> memref<1x1x125x16xf32, #tpu.memory_space<vmem>>
        %dma_wait3A_1201 = tpu.memref_squeeze %dma_wait3A_1200 : memref<1x1x125x16xf32, #tpu.memory_space<vmem>> -> memref<125x16xf32, #tpu.memory_space<vmem>>
        tpu.wait_dma2 semaphore(%arg15 : memref<!tpu.dma_semaphore, #tpu.memory_space<semaphore_mem>>) src(%dma_wait3A_1201 : memref<125x16xf32, #tpu.memory_space<vmem>>) dst(%dma_wait3A_1197 : memref<125x16xf32, #tpu.memory_space<hbm>>)
      } else {
      }
      %mul3A_515 = arith.constant 4 : i32
      %mul3A_516 = arith.muli %add3A_248, %mul3A_515 : i32
      %add3A_517 = arith.constant 0 : i32
      %add3A_518 = arith.addi %mul3A_516, %add3A_517 : i32
      %dma_start3A_519 = arith.constant 1 : i32
      %dma_start3A_520 = arith.constant 0 : i32
      %dma_start3A_521 = arith.constant 0 : i32
      %dma_start3A_522 = arith.constant 0 : i32
      %dma_start3A_523 = tpu.memref_slice %arg10[%dma_start3A_519, %dma_start3A_520, %dma_start3A_521, %dma_start3A_522] : memref<2x4x125x32xf32, #tpu.memory_space<vmem>> -> memref<1x1x125x32xf32, #tpu.memory_space<vmem>>
      %dma_start3A_524 = tpu.memref_squeeze %dma_start3A_523 : memref<1x1x125x32xf32, #tpu.memory_space<vmem>> -> memref<125x32xf32, #tpu.memory_space<vmem>>
      %dma_start3A_525 = arith.constant 0 : i32
      %dma_start3A_526 = tpu.memref_slice %arg8[%add3A_518, %dma_start3A_525] : memref<40x125xi32, #tpu.memory_space<vmem>> -> memref<1x125xi32, #tpu.memory_space<vmem>>
      %dma_start3A_527 = tpu.memref_squeeze %dma_start3A_526 : memref<1x125xi32, #tpu.memory_space<vmem>> -> memref<125xi32, #tpu.memory_space<vmem>>
      %dma_start3A_528 = arith.constant 0 : i32
      %dma_start3A_529 = arith.constant 0 : i32
      %dma_start3A_530 = tpu.memref_slice %arg2[%dma_start3A_528, %dma_start3A_529] : memref<10000x32xf32, #tpu.memory_space<hbm>> -> memref<10000x32xf32, #tpu.memory_space<hbm>>
      tpu.enqueue_indirect_dma source(%dma_start3A_530 : memref<10000x32xf32, #tpu.memory_space<hbm>>) target(%dma_start3A_524 : memref<125x32xf32, #tpu.memory_space<vmem>>) offsets(%dma_start3A_527 : memref<125xi32, #tpu.memory_space<vmem>>) semaphore(%arg13 : memref<!tpu.dma_semaphore, #tpu.memory_space<semaphore_mem>>)
      %dma_start3A_531 = arith.constant 1 : i32
      %dma_start3A_532 = arith.constant 0 : i32
      %dma_start3A_533 = arith.constant 0 : i32
      %dma_start3A_534 = arith.constant 0 : i32
      %dma_start3A_535 = tpu.memref_slice %arg11[%dma_start3A_531, %dma_start3A_532, %dma_start3A_533, %dma_start3A_534] : memref<2x4x125x16xf32, #tpu.memory_space<vmem>> -> memref<1x1x125x16xf32, #tpu.memory_space<vmem>>
      %dma_start3A_536 = tpu.memref_squeeze %dma_start3A_535 : memref<1x1x125x16xf32, #tpu.memory_space<vmem>> -> memref<125x16xf32, #tpu.memory_space<vmem>>
      %dma_start3A_537 = arith.constant 0 : i32
      %dma_start3A_538 = tpu.memref_slice %arg9[%add3A_518, %dma_start3A_537] : memref<40x125xi32, #tpu.memory_space<vmem>> -> memref<1x125xi32, #tpu.memory_space<vmem>>
      %dma_start3A_539 = tpu.memref_squeeze %dma_start3A_538 : memref<1x125xi32, #tpu.memory_space<vmem>> -> memref<125xi32, #tpu.memory_space<vmem>>
      %dma_start3A_540 = arith.constant 0 : i32
      %dma_start3A_541 = arith.constant 0 : i32
      %dma_start3A_542 = tpu.memref_slice %arg3[%dma_start3A_540, %dma_start3A_541] : memref<10000x16xf32, #tpu.memory_space<hbm>> -> memref<10000x16xf32, #tpu.memory_space<hbm>>
      tpu.enqueue_indirect_dma source(%dma_start3A_542 : memref<10000x16xf32, #tpu.memory_space<hbm>>) target(%dma_start3A_536 : memref<125x16xf32, #tpu.memory_space<vmem>>) offsets(%dma_start3A_539 : memref<125xi32, #tpu.memory_space<vmem>>) semaphore(%arg13 : memref<!tpu.dma_semaphore, #tpu.memory_space<semaphore_mem>>)
      %mul3A_543 = arith.constant 4 : i32
      %mul3A_544 = arith.muli %add3A_248, %mul3A_543 : i32
      %add3A_545 = arith.constant 1 : i32
      %add3A_546 = arith.addi %mul3A_544, %add3A_545 : i32
      %dma_start3A_547 = arith.constant 1 : i32
      %dma_start3A_548 = arith.constant 1 : i32
      %dma_start3A_549 = arith.constant 0 : i32
      %dma_start3A_550 = arith.constant 0 : i32
      %dma_start3A_551 = tpu.memref_slice %arg10[%dma_start3A_547, %dma_start3A_548, %dma_start3A_549, %dma_start3A_550] : memref<2x4x125x32xf32, #tpu.memory_space<vmem>> -> memref<1x1x125x32xf32, #tpu.memory_space<vmem>>
      %dma_start3A_552 = tpu.memref_squeeze %dma_start3A_551 : memref<1x1x125x32xf32, #tpu.memory_space<vmem>> -> memref<125x32xf32, #tpu.memory_space<vmem>>
      %dma_start3A_553 = arith.constant 0 : i32
      %dma_start3A_554 = tpu.memref_slice %arg8[%add3A_546, %dma_start3A_553] : memref<40x125xi32, #tpu.memory_space<vmem>> -> memref<1x125xi32, #tpu.memory_space<vmem>>
      %dma_start3A_555 = tpu.memref_squeeze %dma_start3A_554 : memref<1x125xi32, #tpu.memory_space<vmem>> -> memref<125xi32, #tpu.memory_space<vmem>>
      %dma_start3A_556 = arith.constant 0 : i32
      %dma_start3A_557 = arith.constant 0 : i32
      %dma_start3A_558 = tpu.memref_slice %arg2[%dma_start3A_556, %dma_start3A_557] : memref<10000x32xf32, #tpu.memory_space<hbm>> -> memref<10000x32xf32, #tpu.memory_space<hbm>>
      tpu.enqueue_indirect_dma source(%dma_start3A_558 : memref<10000x32xf32, #tpu.memory_space<hbm>>) target(%dma_start3A_552 : memref<125x32xf32, #tpu.memory_space<vmem>>) offsets(%dma_start3A_555 : memref<125xi32, #tpu.memory_space<vmem>>) semaphore(%arg13 : memref<!tpu.dma_semaphore, #tpu.memory_space<semaphore_mem>>)
      %dma_start3A_559 = arith.constant 1 : i32
      %dma_start3A_560 = arith.constant 1 : i32
      %dma_start3A_561 = arith.constant 0 : i32
      %dma_start3A_562 = arith.constant 0 : i32
      %dma_start3A_563 = tpu.memref_slice %arg11[%dma_start3A_559, %dma_start3A_560, %dma_start3A_561, %dma_start3A_562] : memref<2x4x125x16xf32, #tpu.memory_space<vmem>> -> memref<1x1x125x16xf32, #tpu.memory_space<vmem>>
      %dma_start3A_564 = tpu.memref_squeeze %dma_start3A_563 : memref<1x1x125x16xf32, #tpu.memory_space<vmem>> -> memref<125x16xf32, #tpu.memory_space<vmem>>
      %dma_start3A_565 = arith.constant 0 : i32
      %dma_start3A_566 = tpu.memref_slice %arg9[%add3A_546, %dma_start3A_565] : memref<40x125xi32, #tpu.memory_space<vmem>> -> memref<1x125xi32, #tpu.memory_space<vmem>>
      %dma_start3A_567 = tpu.memref_squeeze %dma_start3A_566 : memref<1x125xi32, #tpu.memory_space<vmem>> -> memref<125xi32, #tpu.memory_space<vmem>>
      %dma_start3A_568 = arith.constant 0 : i32
      %dma_start3A_569 = arith.constant 0 : i32
      %dma_start3A_570 = tpu.memref_slice %arg3[%dma_start3A_568, %dma_start3A_569] : memref<10000x16xf32, #tpu.memory_space<hbm>> -> memref<10000x16xf32, #tpu.memory_space<hbm>>
      tpu.enqueue_indirect_dma source(%dma_start3A_570 : memref<10000x16xf32, #tpu.memory_space<hbm>>) target(%dma_start3A_564 : memref<125x16xf32, #tpu.memory_space<vmem>>) offsets(%dma_start3A_567 : memref<125xi32, #tpu.memory_space<vmem>>) semaphore(%arg13 : memref<!tpu.dma_semaphore, #tpu.memory_space<semaphore_mem>>)
      %mul3A_571 = arith.constant 4 : i32
      %mul3A_572 = arith.muli %add3A_248, %mul3A_571 : i32
      %add3A_573 = arith.constant 2 : i32
      %add3A_574 = arith.addi %mul3A_572, %add3A_573 : i32
      %dma_start3A_575 = arith.constant 1 : i32
      %dma_start3A_576 = arith.constant 2 : i32
      %dma_start3A_577 = arith.constant 0 : i32
      %dma_start3A_578 = arith.constant 0 : i32
      %dma_start3A_579 = tpu.memref_slice %arg10[%dma_start3A_575, %dma_start3A_576, %dma_start3A_577, %dma_start3A_578] : memref<2x4x125x32xf32, #tpu.memory_space<vmem>> -> memref<1x1x125x32xf32, #tpu.memory_space<vmem>>
      %dma_start3A_580 = tpu.memref_squeeze %dma_start3A_579 : memref<1x1x125x32xf32, #tpu.memory_space<vmem>> -> memref<125x32xf32, #tpu.memory_space<vmem>>
      %dma_start3A_581 = arith.constant 0 : i32
      %dma_start3A_582 = tpu.memref_slice %arg8[%add3A_574, %dma_start3A_581] : memref<40x125xi32, #tpu.memory_space<vmem>> -> memref<1x125xi32, #tpu.memory_space<vmem>>
      %dma_start3A_583 = tpu.memref_squeeze %dma_start3A_582 : memref<1x125xi32, #tpu.memory_space<vmem>> -> memref<125xi32, #tpu.memory_space<vmem>>
      %dma_start3A_584 = arith.constant 0 : i32
      %dma_start3A_585 = arith.constant 0 : i32
      %dma_start3A_586 = tpu.memref_slice %arg2[%dma_start3A_584, %dma_start3A_585] : memref<10000x32xf32, #tpu.memory_space<hbm>> -> memref<10000x32xf32, #tpu.memory_space<hbm>>
      tpu.enqueue_indirect_dma source(%dma_start3A_586 : memref<10000x32xf32, #tpu.memory_space<hbm>>) target(%dma_start3A_580 : memref<125x32xf32, #tpu.memory_space<vmem>>) offsets(%dma_start3A_583 : memref<125xi32, #tpu.memory_space<vmem>>) semaphore(%arg13 : memref<!tpu.dma_semaphore, #tpu.memory_space<semaphore_mem>>)
      %dma_start3A_587 = arith.constant 1 : i32
      %dma_start3A_588 = arith.constant 2 : i32
      %dma_start3A_589 = arith.constant 0 : i32
      %dma_start3A_590 = arith.constant 0 : i32
      %dma_start3A_591 = tpu.memref_slice %arg11[%dma_start3A_587, %dma_start3A_588, %dma_start3A_589, %dma_start3A_590] : memref<2x4x125x16xf32, #tpu.memory_space<vmem>> -> memref<1x1x125x16xf32, #tpu.memory_space<vmem>>
      %dma_start3A_592 = tpu.memref_squeeze %dma_start3A_591 : memref<1x1x125x16xf32, #tpu.memory_space<vmem>> -> memref<125x16xf32, #tpu.memory_space<vmem>>
      %dma_start3A_593 = arith.constant 0 : i32
      %dma_start3A_594 = tpu.memref_slice %arg9[%add3A_574, %dma_start3A_593] : memref<40x125xi32, #tpu.memory_space<vmem>> -> memref<1x125xi32, #tpu.memory_space<vmem>>
      %dma_start3A_595 = tpu.memref_squeeze %dma_start3A_594 : memref<1x125xi32, #tpu.memory_space<vmem>> -> memref<125xi32, #tpu.memory_space<vmem>>
      %dma_start3A_596 = arith.constant 0 : i32
      %dma_start3A_597 = arith.constant 0 : i32
      %dma_start3A_598 = tpu.memref_slice %arg3[%dma_start3A_596, %dma_start3A_597] : memref<10000x16xf32, #tpu.memory_space<hbm>> -> memref<10000x16xf32, #tpu.memory_space<hbm>>
      tpu.enqueue_indirect_dma source(%dma_start3A_598 : memref<10000x16xf32, #tpu.memory_space<hbm>>) target(%dma_start3A_592 : memref<125x16xf32, #tpu.memory_space<vmem>>) offsets(%dma_start3A_595 : memref<125xi32, #tpu.memory_space<vmem>>) semaphore(%arg13 : memref<!tpu.dma_semaphore, #tpu.memory_space<semaphore_mem>>)
      %mul3A_599 = arith.constant 4 : i32
      %mul3A_600 = arith.muli %add3A_248, %mul3A_599 : i32
      %add3A_601 = arith.constant 3 : i32
      %add3A_602 = arith.addi %mul3A_600, %add3A_601 : i32
      %dma_start3A_603 = arith.constant 1 : i32
      %dma_start3A_604 = arith.constant 3 : i32
      %dma_start3A_605 = arith.constant 0 : i32
      %dma_start3A_606 = arith.constant 0 : i32
      %dma_start3A_607 = tpu.memref_slice %arg10[%dma_start3A_603, %dma_start3A_604, %dma_start3A_605, %dma_start3A_606] : memref<2x4x125x32xf32, #tpu.memory_space<vmem>> -> memref<1x1x125x32xf32, #tpu.memory_space<vmem>>
      %dma_start3A_608 = tpu.memref_squeeze %dma_start3A_607 : memref<1x1x125x32xf32, #tpu.memory_space<vmem>> -> memref<125x32xf32, #tpu.memory_space<vmem>>
      %dma_start3A_609 = arith.constant 0 : i32
      %dma_start3A_610 = tpu.memref_slice %arg8[%add3A_602, %dma_start3A_609] : memref<40x125xi32, #tpu.memory_space<vmem>> -> memref<1x125xi32, #tpu.memory_space<vmem>>
      %dma_start3A_611 = tpu.memref_squeeze %dma_start3A_610 : memref<1x125xi32, #tpu.memory_space<vmem>> -> memref<125xi32, #tpu.memory_space<vmem>>
      %dma_start3A_612 = arith.constant 0 : i32
      %dma_start3A_613 = arith.constant 0 : i32
      %dma_start3A_614 = tpu.memref_slice %arg2[%dma_start3A_612, %dma_start3A_613] : memref<10000x32xf32, #tpu.memory_space<hbm>> -> memref<10000x32xf32, #tpu.memory_space<hbm>>
      tpu.enqueue_indirect_dma source(%dma_start3A_614 : memref<10000x32xf32, #tpu.memory_space<hbm>>) target(%dma_start3A_608 : memref<125x32xf32, #tpu.memory_space<vmem>>) offsets(%dma_start3A_611 : memref<125xi32, #tpu.memory_space<vmem>>) semaphore(%arg13 : memref<!tpu.dma_semaphore, #tpu.memory_space<semaphore_mem>>)
      %dma_start3A_615 = arith.constant 1 : i32
      %dma_start3A_616 = arith.constant 3 : i32
      %dma_start3A_617 = arith.constant 0 : i32
      %dma_start3A_618 = arith.constant 0 : i32
      %dma_start3A_619 = tpu.memref_slice %arg11[%dma_start3A_615, %dma_start3A_616, %dma_start3A_617, %dma_start3A_618] : memref<2x4x125x16xf32, #tpu.memory_space<vmem>> -> memref<1x1x125x16xf32, #tpu.memory_space<vmem>>
      %dma_start3A_620 = tpu.memref_squeeze %dma_start3A_619 : memref<1x1x125x16xf32, #tpu.memory_space<vmem>> -> memref<125x16xf32, #tpu.memory_space<vmem>>
      %dma_start3A_621 = arith.constant 0 : i32
      %dma_start3A_622 = tpu.memref_slice %arg9[%add3A_602, %dma_start3A_621] : memref<40x125xi32, #tpu.memory_space<vmem>> -> memref<1x125xi32, #tpu.memory_space<vmem>>
      %dma_start3A_623 = tpu.memref_squeeze %dma_start3A_622 : memref<1x125xi32, #tpu.memory_space<vmem>> -> memref<125xi32, #tpu.memory_space<vmem>>
      %dma_start3A_624 = arith.constant 0 : i32
      %dma_start3A_625 = arith.constant 0 : i32
      %dma_start3A_626 = tpu.memref_slice %arg3[%dma_start3A_624, %dma_start3A_625] : memref<10000x16xf32, #tpu.memory_space<hbm>> -> memref<10000x16xf32, #tpu.memory_space<hbm>>
      tpu.enqueue_indirect_dma source(%dma_start3A_626 : memref<10000x16xf32, #tpu.memory_space<hbm>>) target(%dma_start3A_620 : memref<125x16xf32, #tpu.memory_space<vmem>>) offsets(%dma_start3A_623 : memref<125xi32, #tpu.memory_space<vmem>>) semaphore(%arg13 : memref<!tpu.dma_semaphore, #tpu.memory_space<semaphore_mem>>)
      %mul3A_627 = arith.constant 4 : i32
      %mul3A_628 = arith.muli %mul3A_244, %mul3A_627 : i32
      %add3A_629 = arith.constant 0 : i32
      %add3A_630 = arith.addi %mul3A_628, %add3A_629 : i32
      %mul3A_631 = arith.constant 125 : i32
      %mul3A_632 = arith.muli %add3A_630, %mul3A_631 : i32
      %add3A_633 = arith.addi %mul3A_6, %mul3A_632 : i32
      %dma_wait3A_634 = arith.constant 0 : i32
      %dma_wait3A_635 = arith.constant 0 : i32
      %dma_wait3A_636 = arith.constant 0 : i32
      %dma_wait3A_637 = arith.constant 0 : i32
      %dma_wait3A_638 = tpu.memref_slice %arg10[%dma_wait3A_634, %dma_wait3A_635, %dma_wait3A_636, %dma_wait3A_637] : memref<2x4x125x32xf32, #tpu.memory_space<vmem>> -> memref<1x1x125x32xf32, #tpu.memory_space<vmem>>
      %dma_wait3A_639 = tpu.memref_squeeze %dma_wait3A_638 : memref<1x1x125x32xf32, #tpu.memory_space<vmem>> -> memref<125x32xf32, #tpu.memory_space<vmem>>
      %dma_wait3A_640 = arith.constant 0 : i32
      %dma_wait3A_641 = tpu.memref_slice %arg6[%add3A_633, %dma_wait3A_640] : memref<160000x32xf32, #tpu.memory_space<hbm>> -> memref<125x32xf32, #tpu.memory_space<hbm>>
      %dma_wait3A_642 = arith.constant 0 : i32
      %dma_wait3A_643 = tpu.memref_slice %arg6[%add3A_633, %dma_wait3A_642] : memref<160000x32xf32, #tpu.memory_space<hbm>> -> memref<125x32xf32, #tpu.memory_space<hbm>>
      %dma_wait3A_644 = arith.constant 0 : i32
      %dma_wait3A_645 = arith.constant 0 : i32
      %dma_wait3A_646 = tpu.memref_slice %arg10[%dma_wait3A_634, %dma_wait3A_635, %dma_wait3A_644, %dma_wait3A_645] : memref<2x4x125x32xf32, #tpu.memory_space<vmem>> -> memref<1x1x125x32xf32, #tpu.memory_space<vmem>>
      %dma_wait3A_647 = tpu.memref_squeeze %dma_wait3A_646 : memref<1x1x125x32xf32, #tpu.memory_space<vmem>> -> memref<125x32xf32, #tpu.memory_space<vmem>>
      tpu.wait_dma2 semaphore(%arg14 : memref<!tpu.dma_semaphore, #tpu.memory_space<semaphore_mem>>) src(%dma_wait3A_647 : memref<125x32xf32, #tpu.memory_space<vmem>>) dst(%dma_wait3A_643 : memref<125x32xf32, #tpu.memory_space<hbm>>)
      %mul3A_648 = arith.constant 125 : i32
      %mul3A_649 = arith.muli %add3A_630, %mul3A_648 : i32
      %add3A_650 = arith.addi %mul3A_6, %mul3A_649 : i32
      %dma_wait3A_651 = arith.constant 0 : i32
      %dma_wait3A_652 = arith.constant 0 : i32
      %dma_wait3A_653 = arith.constant 0 : i32
      %dma_wait3A_654 = arith.constant 0 : i32
      %dma_wait3A_655 = tpu.memref_slice %arg11[%dma_wait3A_651, %dma_wait3A_652, %dma_wait3A_653, %dma_wait3A_654] : memref<2x4x125x16xf32, #tpu.memory_space<vmem>> -> memref<1x1x125x16xf32, #tpu.memory_space<vmem>>
      %dma_wait3A_656 = tpu.memref_squeeze %dma_wait3A_655 : memref<1x1x125x16xf32, #tpu.memory_space<vmem>> -> memref<125x16xf32, #tpu.memory_space<vmem>>
      %dma_wait3A_657 = arith.constant 0 : i32
      %dma_wait3A_658 = tpu.memref_slice %arg7[%add3A_650, %dma_wait3A_657] : memref<160000x16xf32, #tpu.memory_space<hbm>> -> memref<125x16xf32, #tpu.memory_space<hbm>>
      %dma_wait3A_659 = arith.constant 0 : i32
      %dma_wait3A_660 = tpu.memref_slice %arg7[%add3A_650, %dma_wait3A_659] : memref<160000x16xf32, #tpu.memory_space<hbm>> -> memref<125x16xf32, #tpu.memory_space<hbm>>
      %dma_wait3A_661 = arith.constant 0 : i32
      %dma_wait3A_662 = arith.constant 0 : i32
      %dma_wait3A_663 = tpu.memref_slice %arg11[%dma_wait3A_651, %dma_wait3A_652, %dma_wait3A_661, %dma_wait3A_662] : memref<2x4x125x16xf32, #tpu.memory_space<vmem>> -> memref<1x1x125x16xf32, #tpu.memory_space<vmem>>
      %dma_wait3A_664 = tpu.memref_squeeze %dma_wait3A_663 : memref<1x1x125x16xf32, #tpu.memory_space<vmem>> -> memref<125x16xf32, #tpu.memory_space<vmem>>
      tpu.wait_dma2 semaphore(%arg14 : memref<!tpu.dma_semaphore, #tpu.memory_space<semaphore_mem>>) src(%dma_wait3A_664 : memref<125x16xf32, #tpu.memory_space<vmem>>) dst(%dma_wait3A_660 : memref<125x16xf32, #tpu.memory_space<hbm>>)
      %mul3A_665 = arith.constant 4 : i32
      %mul3A_666 = arith.muli %mul3A_244, %mul3A_665 : i32
      %add3A_667 = arith.constant 1 : i32
      %add3A_668 = arith.addi %mul3A_666, %add3A_667 : i32
      %mul3A_669 = arith.constant 125 : i32
      %mul3A_670 = arith.muli %add3A_668, %mul3A_669 : i32
      %add3A_671 = arith.addi %mul3A_6, %mul3A_670 : i32
      %dma_wait3A_672 = arith.constant 0 : i32
      %dma_wait3A_673 = arith.constant 1 : i32
      %dma_wait3A_674 = arith.constant 0 : i32
      %dma_wait3A_675 = arith.constant 0 : i32
      %dma_wait3A_676 = tpu.memref_slice %arg10[%dma_wait3A_672, %dma_wait3A_673, %dma_wait3A_674, %dma_wait3A_675] : memref<2x4x125x32xf32, #tpu.memory_space<vmem>> -> memref<1x1x125x32xf32, #tpu.memory_space<vmem>>
      %dma_wait3A_677 = tpu.memref_squeeze %dma_wait3A_676 : memref<1x1x125x32xf32, #tpu.memory_space<vmem>> -> memref<125x32xf32, #tpu.memory_space<vmem>>
      %dma_wait3A_678 = arith.constant 0 : i32
      %dma_wait3A_679 = tpu.memref_slice %arg6[%add3A_671, %dma_wait3A_678] : memref<160000x32xf32, #tpu.memory_space<hbm>> -> memref<125x32xf32, #tpu.memory_space<hbm>>
      %dma_wait3A_680 = arith.constant 0 : i32
      %dma_wait3A_681 = tpu.memref_slice %arg6[%add3A_671, %dma_wait3A_680] : memref<160000x32xf32, #tpu.memory_space<hbm>> -> memref<125x32xf32, #tpu.memory_space<hbm>>
      %dma_wait3A_682 = arith.constant 0 : i32
      %dma_wait3A_683 = arith.constant 0 : i32
      %dma_wait3A_684 = tpu.memref_slice %arg10[%dma_wait3A_672, %dma_wait3A_673, %dma_wait3A_682, %dma_wait3A_683] : memref<2x4x125x32xf32, #tpu.memory_space<vmem>> -> memref<1x1x125x32xf32, #tpu.memory_space<vmem>>
      %dma_wait3A_685 = tpu.memref_squeeze %dma_wait3A_684 : memref<1x1x125x32xf32, #tpu.memory_space<vmem>> -> memref<125x32xf32, #tpu.memory_space<vmem>>
      tpu.wait_dma2 semaphore(%arg14 : memref<!tpu.dma_semaphore, #tpu.memory_space<semaphore_mem>>) src(%dma_wait3A_685 : memref<125x32xf32, #tpu.memory_space<vmem>>) dst(%dma_wait3A_681 : memref<125x32xf32, #tpu.memory_space<hbm>>)
      %mul3A_686 = arith.constant 125 : i32
      %mul3A_687 = arith.muli %add3A_668, %mul3A_686 : i32
      %add3A_688 = arith.addi %mul3A_6, %mul3A_687 : i32
      %dma_wait3A_689 = arith.constant 0 : i32
      %dma_wait3A_690 = arith.constant 1 : i32
      %dma_wait3A_691 = arith.constant 0 : i32
      %dma_wait3A_692 = arith.constant 0 : i32
      %dma_wait3A_693 = tpu.memref_slice %arg11[%dma_wait3A_689, %dma_wait3A_690, %dma_wait3A_691, %dma_wait3A_692] : memref<2x4x125x16xf32, #tpu.memory_space<vmem>> -> memref<1x1x125x16xf32, #tpu.memory_space<vmem>>
      %dma_wait3A_694 = tpu.memref_squeeze %dma_wait3A_693 : memref<1x1x125x16xf32, #tpu.memory_space<vmem>> -> memref<125x16xf32, #tpu.memory_space<vmem>>
      %dma_wait3A_695 = arith.constant 0 : i32
      %dma_wait3A_696 = tpu.memref_slice %arg7[%add3A_688, %dma_wait3A_695] : memref<160000x16xf32, #tpu.memory_space<hbm>> -> memref<125x16xf32, #tpu.memory_space<hbm>>
      %dma_wait3A_697 = arith.constant 0 : i32
      %dma_wait3A_698 = tpu.memref_slice %arg7[%add3A_688, %dma_wait3A_697] : memref<160000x16xf32, #tpu.memory_space<hbm>> -> memref<125x16xf32, #tpu.memory_space<hbm>>
      %dma_wait3A_699 = arith.constant 0 : i32
      %dma_wait3A_700 = arith.constant 0 : i32
      %dma_wait3A_701 = tpu.memref_slice %arg11[%dma_wait3A_689, %dma_wait3A_690, %dma_wait3A_699, %dma_wait3A_700] : memref<2x4x125x16xf32, #tpu.memory_space<vmem>> -> memref<1x1x125x16xf32, #tpu.memory_space<vmem>>
      %dma_wait3A_702 = tpu.memref_squeeze %dma_wait3A_701 : memref<1x1x125x16xf32, #tpu.memory_space<vmem>> -> memref<125x16xf32, #tpu.memory_space<vmem>>
      tpu.wait_dma2 semaphore(%arg14 : memref<!tpu.dma_semaphore, #tpu.memory_space<semaphore_mem>>) src(%dma_wait3A_702 : memref<125x16xf32, #tpu.memory_space<vmem>>) dst(%dma_wait3A_698 : memref<125x16xf32, #tpu.memory_space<hbm>>)
      %mul3A_703 = arith.constant 4 : i32
      %mul3A_704 = arith.muli %mul3A_244, %mul3A_703 : i32
      %add3A_705 = arith.constant 2 : i32
      %add3A_706 = arith.addi %mul3A_704, %add3A_705 : i32
      %mul3A_707 = arith.constant 125 : i32
      %mul3A_708 = arith.muli %add3A_706, %mul3A_707 : i32
      %add3A_709 = arith.addi %mul3A_6, %mul3A_708 : i32
      %dma_wait3A_710 = arith.constant 0 : i32
      %dma_wait3A_711 = arith.constant 2 : i32
      %dma_wait3A_712 = arith.constant 0 : i32
      %dma_wait3A_713 = arith.constant 0 : i32
      %dma_wait3A_714 = tpu.memref_slice %arg10[%dma_wait3A_710, %dma_wait3A_711, %dma_wait3A_712, %dma_wait3A_713] : memref<2x4x125x32xf32, #tpu.memory_space<vmem>> -> memref<1x1x125x32xf32, #tpu.memory_space<vmem>>
      %dma_wait3A_715 = tpu.memref_squeeze %dma_wait3A_714 : memref<1x1x125x32xf32, #tpu.memory_space<vmem>> -> memref<125x32xf32, #tpu.memory_space<vmem>>
      %dma_wait3A_716 = arith.constant 0 : i32
      %dma_wait3A_717 = tpu.memref_slice %arg6[%add3A_709, %dma_wait3A_716] : memref<160000x32xf32, #tpu.memory_space<hbm>> -> memref<125x32xf32, #tpu.memory_space<hbm>>
      %dma_wait3A_718 = arith.constant 0 : i32
      %dma_wait3A_719 = tpu.memref_slice %arg6[%add3A_709, %dma_wait3A_718] : memref<160000x32xf32, #tpu.memory_space<hbm>> -> memref<125x32xf32, #tpu.memory_space<hbm>>
      %dma_wait3A_720 = arith.constant 0 : i32
      %dma_wait3A_721 = arith.constant 0 : i32
      %dma_wait3A_722 = tpu.memref_slice %arg10[%dma_wait3A_710, %dma_wait3A_711, %dma_wait3A_720, %dma_wait3A_721] : memref<2x4x125x32xf32, #tpu.memory_space<vmem>> -> memref<1x1x125x32xf32, #tpu.memory_space<vmem>>
      %dma_wait3A_723 = tpu.memref_squeeze %dma_wait3A_722 : memref<1x1x125x32xf32, #tpu.memory_space<vmem>> -> memref<125x32xf32, #tpu.memory_space<vmem>>
      tpu.wait_dma2 semaphore(%arg14 : memref<!tpu.dma_semaphore, #tpu.memory_space<semaphore_mem>>) src(%dma_wait3A_723 : memref<125x32xf32, #tpu.memory_space<vmem>>) dst(%dma_wait3A_719 : memref<125x32xf32, #tpu.memory_space<hbm>>)
      %mul3A_724 = arith.constant 125 : i32
      %mul3A_725 = arith.muli %add3A_706, %mul3A_724 : i32
      %add3A_726 = arith.addi %mul3A_6, %mul3A_725 : i32
      %dma_wait3A_727 = arith.constant 0 : i32
      %dma_wait3A_728 = arith.constant 2 : i32
      %dma_wait3A_729 = arith.constant 0 : i32
      %dma_wait3A_730 = arith.constant 0 : i32
      %dma_wait3A_731 = tpu.memref_slice %arg11[%dma_wait3A_727, %dma_wait3A_728, %dma_wait3A_729, %dma_wait3A_730] : memref<2x4x125x16xf32, #tpu.memory_space<vmem>> -> memref<1x1x125x16xf32, #tpu.memory_space<vmem>>
      %dma_wait3A_732 = tpu.memref_squeeze %dma_wait3A_731 : memref<1x1x125x16xf32, #tpu.memory_space<vmem>> -> memref<125x16xf32, #tpu.memory_space<vmem>>
      %dma_wait3A_733 = arith.constant 0 : i32
      %dma_wait3A_734 = tpu.memref_slice %arg7[%add3A_726, %dma_wait3A_733] : memref<160000x16xf32, #tpu.memory_space<hbm>> -> memref<125x16xf32, #tpu.memory_space<hbm>>
      %dma_wait3A_735 = arith.constant 0 : i32
      %dma_wait3A_736 = tpu.memref_slice %arg7[%add3A_726, %dma_wait3A_735] : memref<160000x16xf32, #tpu.memory_space<hbm>> -> memref<125x16xf32, #tpu.memory_space<hbm>>
      %dma_wait3A_737 = arith.constant 0 : i32
      %dma_wait3A_738 = arith.constant 0 : i32
      %dma_wait3A_739 = tpu.memref_slice %arg11[%dma_wait3A_727, %dma_wait3A_728, %dma_wait3A_737, %dma_wait3A_738] : memref<2x4x125x16xf32, #tpu.memory_space<vmem>> -> memref<1x1x125x16xf32, #tpu.memory_space<vmem>>
      %dma_wait3A_740 = tpu.memref_squeeze %dma_wait3A_739 : memref<1x1x125x16xf32, #tpu.memory_space<vmem>> -> memref<125x16xf32, #tpu.memory_space<vmem>>
      tpu.wait_dma2 semaphore(%arg14 : memref<!tpu.dma_semaphore, #tpu.memory_space<semaphore_mem>>) src(%dma_wait3A_740 : memref<125x16xf32, #tpu.memory_space<vmem>>) dst(%dma_wait3A_736 : memref<125x16xf32, #tpu.memory_space<hbm>>)
      %mul3A_741 = arith.constant 4 : i32
      %mul3A_742 = arith.muli %mul3A_244, %mul3A_741 : i32
      %add3A_743 = arith.constant 3 : i32
      %add3A_744 = arith.addi %mul3A_742, %add3A_743 : i32
      %mul3A_745 = arith.constant 125 : i32
      %mul3A_746 = arith.muli %add3A_744, %mul3A_745 : i32
      %add3A_747 = arith.addi %mul3A_6, %mul3A_746 : i32
      %dma_wait3A_748 = arith.constant 0 : i32
      %dma_wait3A_749 = arith.constant 3 : i32
      %dma_wait3A_750 = arith.constant 0 : i32
      %dma_wait3A_751 = arith.constant 0 : i32
      %dma_wait3A_752 = tpu.memref_slice %arg10[%dma_wait3A_748, %dma_wait3A_749, %dma_wait3A_750, %dma_wait3A_751] : memref<2x4x125x32xf32, #tpu.memory_space<vmem>> -> memref<1x1x125x32xf32, #tpu.memory_space<vmem>>
      %dma_wait3A_753 = tpu.memref_squeeze %dma_wait3A_752 : memref<1x1x125x32xf32, #tpu.memory_space<vmem>> -> memref<125x32xf32, #tpu.memory_space<vmem>>
      %dma_wait3A_754 = arith.constant 0 : i32
      %dma_wait3A_755 = tpu.memref_slice %arg6[%add3A_747, %dma_wait3A_754] : memref<160000x32xf32, #tpu.memory_space<hbm>> -> memref<125x32xf32, #tpu.memory_space<hbm>>
      %dma_wait3A_756 = arith.constant 0 : i32
      %dma_wait3A_757 = tpu.memref_slice %arg6[%add3A_747, %dma_wait3A_756] : memref<160000x32xf32, #tpu.memory_space<hbm>> -> memref<125x32xf32, #tpu.memory_space<hbm>>
      %dma_wait3A_758 = arith.constant 0 : i32
      %dma_wait3A_759 = arith.constant 0 : i32
      %dma_wait3A_760 = tpu.memref_slice %arg10[%dma_wait3A_748, %dma_wait3A_749, %dma_wait3A_758, %dma_wait3A_759] : memref<2x4x125x32xf32, #tpu.memory_space<vmem>> -> memref<1x1x125x32xf32, #tpu.memory_space<vmem>>
      %dma_wait3A_761 = tpu.memref_squeeze %dma_wait3A_760 : memref<1x1x125x32xf32, #tpu.memory_space<vmem>> -> memref<125x32xf32, #tpu.memory_space<vmem>>
      tpu.wait_dma2 semaphore(%arg14 : memref<!tpu.dma_semaphore, #tpu.memory_space<semaphore_mem>>) src(%dma_wait3A_761 : memref<125x32xf32, #tpu.memory_space<vmem>>) dst(%dma_wait3A_757 : memref<125x32xf32, #tpu.memory_space<hbm>>)
      %mul3A_762 = arith.constant 125 : i32
      %mul3A_763 = arith.muli %add3A_744, %mul3A_762 : i32
      %add3A_764 = arith.addi %mul3A_6, %mul3A_763 : i32
      %dma_wait3A_765 = arith.constant 0 : i32
      %dma_wait3A_766 = arith.constant 3 : i32
      %dma_wait3A_767 = arith.constant 0 : i32
      %dma_wait3A_768 = arith.constant 0 : i32
      %dma_wait3A_769 = tpu.memref_slice %arg11[%dma_wait3A_765, %dma_wait3A_766, %dma_wait3A_767, %dma_wait3A_768] : memref<2x4x125x16xf32, #tpu.memory_space<vmem>> -> memref<1x1x125x16xf32, #tpu.memory_space<vmem>>
      %dma_wait3A_770 = tpu.memref_squeeze %dma_wait3A_769 : memref<1x1x125x16xf32, #tpu.memory_space<vmem>> -> memref<125x16xf32, #tpu.memory_space<vmem>>
      %dma_wait3A_771 = arith.constant 0 : i32
      %dma_wait3A_772 = tpu.memref_slice %arg7[%add3A_764, %dma_wait3A_771] : memref<160000x16xf32, #tpu.memory_space<hbm>> -> memref<125x16xf32, #tpu.memory_space<hbm>>
      %dma_wait3A_773 = arith.constant 0 : i32
      %dma_wait3A_774 = tpu.memref_slice %arg7[%add3A_764, %dma_wait3A_773] : memref<160000x16xf32, #tpu.memory_space<hbm>> -> memref<125x16xf32, #tpu.memory_space<hbm>>
      %dma_wait3A_775 = arith.constant 0 : i32
      %dma_wait3A_776 = arith.constant 0 : i32
      %dma_wait3A_777 = tpu.memref_slice %arg11[%dma_wait3A_765, %dma_wait3A_766, %dma_wait3A_775, %dma_wait3A_776] : memref<2x4x125x16xf32, #tpu.memory_space<vmem>> -> memref<1x1x125x16xf32, #tpu.memory_space<vmem>>
      %dma_wait3A_778 = tpu.memref_squeeze %dma_wait3A_777 : memref<1x1x125x16xf32, #tpu.memory_space<vmem>> -> memref<125x16xf32, #tpu.memory_space<vmem>>
      tpu.wait_dma2 semaphore(%arg14 : memref<!tpu.dma_semaphore, #tpu.memory_space<semaphore_mem>>) src(%dma_wait3A_778 : memref<125x16xf32, #tpu.memory_space<vmem>>) dst(%dma_wait3A_774 : memref<125x16xf32, #tpu.memory_space<hbm>>)
      %add3A_779 = arith.constant 1 : i32
      %add3A_780 = arith.addi %scan3A_242, %add3A_779 : i32
      %lt3A = arith.constant 5 : i32
      %lt3A_781 = arith.cmpi slt, %add3A_780, %lt3A : i32
      %convert_element_type3A_782 = arith.extui %lt3A_781 : i1 to i32
      %cond3A_783 = arith.constant 0 : i32
      %cond3A_784 = arith.cmpi ne, %convert_element_type3A_782, %cond3A_783 : i32
      scf.if %cond3A_784 {
        %add3A_1049 = arith.constant 2 : i32
        %add3A_1050 = arith.addi %mul3A_244, %add3A_1049 : i32
        %mul3A_1051 = arith.constant 4 : i32
        %mul3A_1052 = arith.muli %add3A_1050, %mul3A_1051 : i32
        %add3A_1053 = arith.constant 0 : i32
        %add3A_1054 = arith.addi %mul3A_1052, %add3A_1053 : i32
        %dma_start3A_1055 = arith.constant 0 : i32
        %dma_start3A_1056 = arith.constant 0 : i32
        %dma_start3A_1057 = arith.constant 0 : i32
        %dma_start3A_1058 = arith.constant 0 : i32
        %dma_start3A_1059 = tpu.memref_slice %arg10[%dma_start3A_1055, %dma_start3A_1056, %dma_start3A_1057, %dma_start3A_1058] : memref<2x4x125x32xf32, #tpu.memory_space<vmem>> -> memref<1x1x125x32xf32, #tpu.memory_space<vmem>>
        %dma_start3A_1060 = tpu.memref_squeeze %dma_start3A_1059 : memref<1x1x125x32xf32, #tpu.memory_space<vmem>> -> memref<125x32xf32, #tpu.memory_space<vmem>>
        %dma_start3A_1061 = arith.constant 0 : i32
        %dma_start3A_1062 = tpu.memref_slice %arg8[%add3A_1054, %dma_start3A_1061] : memref<40x125xi32, #tpu.memory_space<vmem>> -> memref<1x125xi32, #tpu.memory_space<vmem>>
        %dma_start3A_1063 = tpu.memref_squeeze %dma_start3A_1062 : memref<1x125xi32, #tpu.memory_space<vmem>> -> memref<125xi32, #tpu.memory_space<vmem>>
        %dma_start3A_1064 = arith.constant 0 : i32
        %dma_start3A_1065 = arith.constant 0 : i32
        %dma_start3A_1066 = tpu.memref_slice %arg2[%dma_start3A_1064, %dma_start3A_1065] : memref<10000x32xf32, #tpu.memory_space<hbm>> -> memref<10000x32xf32, #tpu.memory_space<hbm>>
        tpu.enqueue_indirect_dma source(%dma_start3A_1066 : memref<10000x32xf32, #tpu.memory_space<hbm>>) target(%dma_start3A_1060 : memref<125x32xf32, #tpu.memory_space<vmem>>) offsets(%dma_start3A_1063 : memref<125xi32, #tpu.memory_space<vmem>>) semaphore(%arg12 : memref<!tpu.dma_semaphore, #tpu.memory_space<semaphore_mem>>)
        %dma_start3A_1067 = arith.constant 0 : i32
        %dma_start3A_1068 = arith.constant 0 : i32
        %dma_start3A_1069 = arith.constant 0 : i32
        %dma_start3A_1070 = arith.constant 0 : i32
        %dma_start3A_1071 = tpu.memref_slice %arg11[%dma_start3A_1067, %dma_start3A_1068, %dma_start3A_1069, %dma_start3A_1070] : memref<2x4x125x16xf32, #tpu.memory_space<vmem>> -> memref<1x1x125x16xf32, #tpu.memory_space<vmem>>
        %dma_start3A_1072 = tpu.memref_squeeze %dma_start3A_1071 : memref<1x1x125x16xf32, #tpu.memory_space<vmem>> -> memref<125x16xf32, #tpu.memory_space<vmem>>
        %dma_start3A_1073 = arith.constant 0 : i32
        %dma_start3A_1074 = tpu.memref_slice %arg9[%add3A_1054, %dma_start3A_1073] : memref<40x125xi32, #tpu.memory_space<vmem>> -> memref<1x125xi32, #tpu.memory_space<vmem>>
        %dma_start3A_1075 = tpu.memref_squeeze %dma_start3A_1074 : memref<1x125xi32, #tpu.memory_space<vmem>> -> memref<125xi32, #tpu.memory_space<vmem>>
        %dma_start3A_1076 = arith.constant 0 : i32
        %dma_start3A_1077 = arith.constant 0 : i32
        %dma_start3A_1078 = tpu.memref_slice %arg3[%dma_start3A_1076, %dma_start3A_1077] : memref<10000x16xf32, #tpu.memory_space<hbm>> -> memref<10000x16xf32, #tpu.memory_space<hbm>>
        tpu.enqueue_indirect_dma source(%dma_start3A_1078 : memref<10000x16xf32, #tpu.memory_space<hbm>>) target(%dma_start3A_1072 : memref<125x16xf32, #tpu.memory_space<vmem>>) offsets(%dma_start3A_1075 : memref<125xi32, #tpu.memory_space<vmem>>) semaphore(%arg12 : memref<!tpu.dma_semaphore, #tpu.memory_space<semaphore_mem>>)
        %mul3A_1079 = arith.constant 4 : i32
        %mul3A_1080 = arith.muli %add3A_1050, %mul3A_1079 : i32
        %add3A_1081 = arith.constant 1 : i32
        %add3A_1082 = arith.addi %mul3A_1080, %add3A_1081 : i32
        %dma_start3A_1083 = arith.constant 0 : i32
        %dma_start3A_1084 = arith.constant 1 : i32
        %dma_start3A_1085 = arith.constant 0 : i32
        %dma_start3A_1086 = arith.constant 0 : i32
        %dma_start3A_1087 = tpu.memref_slice %arg10[%dma_start3A_1083, %dma_start3A_1084, %dma_start3A_1085, %dma_start3A_1086] : memref<2x4x125x32xf32, #tpu.memory_space<vmem>> -> memref<1x1x125x32xf32, #tpu.memory_space<vmem>>
        %dma_start3A_1088 = tpu.memref_squeeze %dma_start3A_1087 : memref<1x1x125x32xf32, #tpu.memory_space<vmem>> -> memref<125x32xf32, #tpu.memory_space<vmem>>
        %dma_start3A_1089 = arith.constant 0 : i32
        %dma_start3A_1090 = tpu.memref_slice %arg8[%add3A_1082, %dma_start3A_1089] : memref<40x125xi32, #tpu.memory_space<vmem>> -> memref<1x125xi32, #tpu.memory_space<vmem>>
        %dma_start3A_1091 = tpu.memref_squeeze %dma_start3A_1090 : memref<1x125xi32, #tpu.memory_space<vmem>> -> memref<125xi32, #tpu.memory_space<vmem>>
        %dma_start3A_1092 = arith.constant 0 : i32
        %dma_start3A_1093 = arith.constant 0 : i32
        %dma_start3A_1094 = tpu.memref_slice %arg2[%dma_start3A_1092, %dma_start3A_1093] : memref<10000x32xf32, #tpu.memory_space<hbm>> -> memref<10000x32xf32, #tpu.memory_space<hbm>>
        tpu.enqueue_indirect_dma source(%dma_start3A_1094 : memref<10000x32xf32, #tpu.memory_space<hbm>>) target(%dma_start3A_1088 : memref<125x32xf32, #tpu.memory_space<vmem>>) offsets(%dma_start3A_1091 : memref<125xi32, #tpu.memory_space<vmem>>) semaphore(%arg12 : memref<!tpu.dma_semaphore, #tpu.memory_space<semaphore_mem>>)
        %dma_start3A_1095 = arith.constant 0 : i32
        %dma_start3A_1096 = arith.constant 1 : i32
        %dma_start3A_1097 = arith.constant 0 : i32
        %dma_start3A_1098 = arith.constant 0 : i32
        %dma_start3A_1099 = tpu.memref_slice %arg11[%dma_start3A_1095, %dma_start3A_1096, %dma_start3A_1097, %dma_start3A_1098] : memref<2x4x125x16xf32, #tpu.memory_space<vmem>> -> memref<1x1x125x16xf32, #tpu.memory_space<vmem>>
        %dma_start3A_1100 = tpu.memref_squeeze %dma_start3A_1099 : memref<1x1x125x16xf32, #tpu.memory_space<vmem>> -> memref<125x16xf32, #tpu.memory_space<vmem>>
        %dma_start3A_1101 = arith.constant 0 : i32
        %dma_start3A_1102 = tpu.memref_slice %arg9[%add3A_1082, %dma_start3A_1101] : memref<40x125xi32, #tpu.memory_space<vmem>> -> memref<1x125xi32, #tpu.memory_space<vmem>>
        %dma_start3A_1103 = tpu.memref_squeeze %dma_start3A_1102 : memref<1x125xi32, #tpu.memory_space<vmem>> -> memref<125xi32, #tpu.memory_space<vmem>>
        %dma_start3A_1104 = arith.constant 0 : i32
        %dma_start3A_1105 = arith.constant 0 : i32
        %dma_start3A_1106 = tpu.memref_slice %arg3[%dma_start3A_1104, %dma_start3A_1105] : memref<10000x16xf32, #tpu.memory_space<hbm>> -> memref<10000x16xf32, #tpu.memory_space<hbm>>
        tpu.enqueue_indirect_dma source(%dma_start3A_1106 : memref<10000x16xf32, #tpu.memory_space<hbm>>) target(%dma_start3A_1100 : memref<125x16xf32, #tpu.memory_space<vmem>>) offsets(%dma_start3A_1103 : memref<125xi32, #tpu.memory_space<vmem>>) semaphore(%arg12 : memref<!tpu.dma_semaphore, #tpu.memory_space<semaphore_mem>>)
        %mul3A_1107 = arith.constant 4 : i32
        %mul3A_1108 = arith.muli %add3A_1050, %mul3A_1107 : i32
        %add3A_1109 = arith.constant 2 : i32
        %add3A_1110 = arith.addi %mul3A_1108, %add3A_1109 : i32
        %dma_start3A_1111 = arith.constant 0 : i32
        %dma_start3A_1112 = arith.constant 2 : i32
        %dma_start3A_1113 = arith.constant 0 : i32
        %dma_start3A_1114 = arith.constant 0 : i32
        %dma_start3A_1115 = tpu.memref_slice %arg10[%dma_start3A_1111, %dma_start3A_1112, %dma_start3A_1113, %dma_start3A_1114] : memref<2x4x125x32xf32, #tpu.memory_space<vmem>> -> memref<1x1x125x32xf32, #tpu.memory_space<vmem>>
        %dma_start3A_1116 = tpu.memref_squeeze %dma_start3A_1115 : memref<1x1x125x32xf32, #tpu.memory_space<vmem>> -> memref<125x32xf32, #tpu.memory_space<vmem>>
        %dma_start3A_1117 = arith.constant 0 : i32
        %dma_start3A_1118 = tpu.memref_slice %arg8[%add3A_1110, %dma_start3A_1117] : memref<40x125xi32, #tpu.memory_space<vmem>> -> memref<1x125xi32, #tpu.memory_space<vmem>>
        %dma_start3A_1119 = tpu.memref_squeeze %dma_start3A_1118 : memref<1x125xi32, #tpu.memory_space<vmem>> -> memref<125xi32, #tpu.memory_space<vmem>>
        %dma_start3A_1120 = arith.constant 0 : i32
        %dma_start3A_1121 = arith.constant 0 : i32
        %dma_start3A_1122 = tpu.memref_slice %arg2[%dma_start3A_1120, %dma_start3A_1121] : memref<10000x32xf32, #tpu.memory_space<hbm>> -> memref<10000x32xf32, #tpu.memory_space<hbm>>
        tpu.enqueue_indirect_dma source(%dma_start3A_1122 : memref<10000x32xf32, #tpu.memory_space<hbm>>) target(%dma_start3A_1116 : memref<125x32xf32, #tpu.memory_space<vmem>>) offsets(%dma_start3A_1119 : memref<125xi32, #tpu.memory_space<vmem>>) semaphore(%arg12 : memref<!tpu.dma_semaphore, #tpu.memory_space<semaphore_mem>>)
        %dma_start3A_1123 = arith.constant 0 : i32
        %dma_start3A_1124 = arith.constant 2 : i32
        %dma_start3A_1125 = arith.constant 0 : i32
        %dma_start3A_1126 = arith.constant 0 : i32
        %dma_start3A_1127 = tpu.memref_slice %arg11[%dma_start3A_1123, %dma_start3A_1124, %dma_start3A_1125, %dma_start3A_1126] : memref<2x4x125x16xf32, #tpu.memory_space<vmem>> -> memref<1x1x125x16xf32, #tpu.memory_space<vmem>>
        %dma_start3A_1128 = tpu.memref_squeeze %dma_start3A_1127 : memref<1x1x125x16xf32, #tpu.memory_space<vmem>> -> memref<125x16xf32, #tpu.memory_space<vmem>>
        %dma_start3A_1129 = arith.constant 0 : i32
        %dma_start3A_1130 = tpu.memref_slice %arg9[%add3A_1110, %dma_start3A_1129] : memref<40x125xi32, #tpu.memory_space<vmem>> -> memref<1x125xi32, #tpu.memory_space<vmem>>
        %dma_start3A_1131 = tpu.memref_squeeze %dma_start3A_1130 : memref<1x125xi32, #tpu.memory_space<vmem>> -> memref<125xi32, #tpu.memory_space<vmem>>
        %dma_start3A_1132 = arith.constant 0 : i32
        %dma_start3A_1133 = arith.constant 0 : i32
        %dma_start3A_1134 = tpu.memref_slice %arg3[%dma_start3A_1132, %dma_start3A_1133] : memref<10000x16xf32, #tpu.memory_space<hbm>> -> memref<10000x16xf32, #tpu.memory_space<hbm>>
        tpu.enqueue_indirect_dma source(%dma_start3A_1134 : memref<10000x16xf32, #tpu.memory_space<hbm>>) target(%dma_start3A_1128 : memref<125x16xf32, #tpu.memory_space<vmem>>) offsets(%dma_start3A_1131 : memref<125xi32, #tpu.memory_space<vmem>>) semaphore(%arg12 : memref<!tpu.dma_semaphore, #tpu.memory_space<semaphore_mem>>)
        %mul3A_1135 = arith.constant 4 : i32
        %mul3A_1136 = arith.muli %add3A_1050, %mul3A_1135 : i32
        %add3A_1137 = arith.constant 3 : i32
        %add3A_1138 = arith.addi %mul3A_1136, %add3A_1137 : i32
        %dma_start3A_1139 = arith.constant 0 : i32
        %dma_start3A_1140 = arith.constant 3 : i32
        %dma_start3A_1141 = arith.constant 0 : i32
        %dma_start3A_1142 = arith.constant 0 : i32
        %dma_start3A_1143 = tpu.memref_slice %arg10[%dma_start3A_1139, %dma_start3A_1140, %dma_start3A_1141, %dma_start3A_1142] : memref<2x4x125x32xf32, #tpu.memory_space<vmem>> -> memref<1x1x125x32xf32, #tpu.memory_space<vmem>>
        %dma_start3A_1144 = tpu.memref_squeeze %dma_start3A_1143 : memref<1x1x125x32xf32, #tpu.memory_space<vmem>> -> memref<125x32xf32, #tpu.memory_space<vmem>>
        %dma_start3A_1145 = arith.constant 0 : i32
        %dma_start3A_1146 = tpu.memref_slice %arg8[%add3A_1138, %dma_start3A_1145] : memref<40x125xi32, #tpu.memory_space<vmem>> -> memref<1x125xi32, #tpu.memory_space<vmem>>
        %dma_start3A_1147 = tpu.memref_squeeze %dma_start3A_1146 : memref<1x125xi32, #tpu.memory_space<vmem>> -> memref<125xi32, #tpu.memory_space<vmem>>
        %dma_start3A_1148 = arith.constant 0 : i32
        %dma_start3A_1149 = arith.constant 0 : i32
        %dma_start3A_1150 = tpu.memref_slice %arg2[%dma_start3A_1148, %dma_start3A_1149] : memref<10000x32xf32, #tpu.memory_space<hbm>> -> memref<10000x32xf32, #tpu.memory_space<hbm>>
        tpu.enqueue_indirect_dma source(%dma_start3A_1150 : memref<10000x32xf32, #tpu.memory_space<hbm>>) target(%dma_start3A_1144 : memref<125x32xf32, #tpu.memory_space<vmem>>) offsets(%dma_start3A_1147 : memref<125xi32, #tpu.memory_space<vmem>>) semaphore(%arg12 : memref<!tpu.dma_semaphore, #tpu.memory_space<semaphore_mem>>)
        %dma_start3A_1151 = arith.constant 0 : i32
        %dma_start3A_1152 = arith.constant 3 : i32
        %dma_start3A_1153 = arith.constant 0 : i32
        %dma_start3A_1154 = arith.constant 0 : i32
        %dma_start3A_1155 = tpu.memref_slice %arg11[%dma_start3A_1151, %dma_start3A_1152, %dma_start3A_1153, %dma_start3A_1154] : memref<2x4x125x16xf32, #tpu.memory_space<vmem>> -> memref<1x1x125x16xf32, #tpu.memory_space<vmem>>
        %dma_start3A_1156 = tpu.memref_squeeze %dma_start3A_1155 : memref<1x1x125x16xf32, #tpu.memory_space<vmem>> -> memref<125x16xf32, #tpu.memory_space<vmem>>
        %dma_start3A_1157 = arith.constant 0 : i32
        %dma_start3A_1158 = tpu.memref_slice %arg9[%add3A_1138, %dma_start3A_1157] : memref<40x125xi32, #tpu.memory_space<vmem>> -> memref<1x125xi32, #tpu.memory_space<vmem>>
        %dma_start3A_1159 = tpu.memref_squeeze %dma_start3A_1158 : memref<1x125xi32, #tpu.memory_space<vmem>> -> memref<125xi32, #tpu.memory_space<vmem>>
        %dma_start3A_1160 = arith.constant 0 : i32
        %dma_start3A_1161 = arith.constant 0 : i32
        %dma_start3A_1162 = tpu.memref_slice %arg3[%dma_start3A_1160, %dma_start3A_1161] : memref<10000x16xf32, #tpu.memory_space<hbm>> -> memref<10000x16xf32, #tpu.memory_space<hbm>>
        tpu.enqueue_indirect_dma source(%dma_start3A_1162 : memref<10000x16xf32, #tpu.memory_space<hbm>>) target(%dma_start3A_1156 : memref<125x16xf32, #tpu.memory_space<vmem>>) offsets(%dma_start3A_1159 : memref<125xi32, #tpu.memory_space<vmem>>) semaphore(%arg12 : memref<!tpu.dma_semaphore, #tpu.memory_space<semaphore_mem>>)
      } else {
      }
      %mul3A_785 = arith.constant 4 : i32
      %mul3A_786 = arith.muli %add3A_248, %mul3A_785 : i32
      %add3A_787 = arith.constant 0 : i32
      %add3A_788 = arith.addi %mul3A_786, %add3A_787 : i32
      %dma_wait3A_789 = arith.constant 1 : i32
      %dma_wait3A_790 = arith.constant 0 : i32
      %dma_wait3A_791 = arith.constant 0 : i32
      %dma_wait3A_792 = arith.constant 0 : i32
      %dma_wait3A_793 = tpu.memref_slice %arg10[%dma_wait3A_789, %dma_wait3A_790, %dma_wait3A_791, %dma_wait3A_792] : memref<2x4x125x32xf32, #tpu.memory_space<vmem>> -> memref<1x1x125x32xf32, #tpu.memory_space<vmem>>
      %dma_wait3A_794 = tpu.memref_squeeze %dma_wait3A_793 : memref<1x1x125x32xf32, #tpu.memory_space<vmem>> -> memref<125x32xf32, #tpu.memory_space<vmem>>
      %dma_wait3A_795 = arith.constant 0 : i32
      %dma_wait3A_796 = tpu.memref_slice %arg8[%add3A_788, %dma_wait3A_795] : memref<40x125xi32, #tpu.memory_space<vmem>> -> memref<1x125xi32, #tpu.memory_space<vmem>>
      %dma_wait3A_797 = tpu.memref_squeeze %dma_wait3A_796 : memref<1x125xi32, #tpu.memory_space<vmem>> -> memref<125xi32, #tpu.memory_space<vmem>>
      %dma_wait3A_798 = arith.constant 0 : i32
      %dma_wait3A_799 = arith.constant 0 : i32
      %dma_wait3A_800 = tpu.memref_slice %arg2[%dma_wait3A_798, %dma_wait3A_799] : memref<10000x32xf32, #tpu.memory_space<hbm>> -> memref<10000x32xf32, #tpu.memory_space<hbm>>
      tpu.wait_indirect_dma semaphore(%arg13 : memref<!tpu.dma_semaphore, #tpu.memory_space<semaphore_mem>>) src(%dma_wait3A_800 : memref<10000x32xf32, #tpu.memory_space<hbm>>) dst(%dma_wait3A_794 : memref<125x32xf32, #tpu.memory_space<vmem>>)
      %dma_wait3A_801 = arith.constant 1 : i32
      %dma_wait3A_802 = arith.constant 0 : i32
      %dma_wait3A_803 = arith.constant 0 : i32
      %dma_wait3A_804 = arith.constant 0 : i32
      %dma_wait3A_805 = tpu.memref_slice %arg11[%dma_wait3A_801, %dma_wait3A_802, %dma_wait3A_803, %dma_wait3A_804] : memref<2x4x125x16xf32, #tpu.memory_space<vmem>> -> memref<1x1x125x16xf32, #tpu.memory_space<vmem>>
      %dma_wait3A_806 = tpu.memref_squeeze %dma_wait3A_805 : memref<1x1x125x16xf32, #tpu.memory_space<vmem>> -> memref<125x16xf32, #tpu.memory_space<vmem>>
      %dma_wait3A_807 = arith.constant 0 : i32
      %dma_wait3A_808 = tpu.memref_slice %arg9[%add3A_788, %dma_wait3A_807] : memref<40x125xi32, #tpu.memory_space<vmem>> -> memref<1x125xi32, #tpu.memory_space<vmem>>
      %dma_wait3A_809 = tpu.memref_squeeze %dma_wait3A_808 : memref<1x125xi32, #tpu.memory_space<vmem>> -> memref<125xi32, #tpu.memory_space<vmem>>
      %dma_wait3A_810 = arith.constant 0 : i32
      %dma_wait3A_811 = arith.constant 0 : i32
      %dma_wait3A_812 = tpu.memref_slice %arg3[%dma_wait3A_810, %dma_wait3A_811] : memref<10000x16xf32, #tpu.memory_space<hbm>> -> memref<10000x16xf32, #tpu.memory_space<hbm>>
      tpu.wait_indirect_dma semaphore(%arg13 : memref<!tpu.dma_semaphore, #tpu.memory_space<semaphore_mem>>) src(%dma_wait3A_812 : memref<10000x16xf32, #tpu.memory_space<hbm>>) dst(%dma_wait3A_806 : memref<125x16xf32, #tpu.memory_space<vmem>>)
      %mul3A_813 = arith.constant 4 : i32
      %mul3A_814 = arith.muli %add3A_248, %mul3A_813 : i32
      %add3A_815 = arith.constant 1 : i32
      %add3A_816 = arith.addi %mul3A_814, %add3A_815 : i32
      %dma_wait3A_817 = arith.constant 1 : i32
      %dma_wait3A_818 = arith.constant 1 : i32
      %dma_wait3A_819 = arith.constant 0 : i32
      %dma_wait3A_820 = arith.constant 0 : i32
      %dma_wait3A_821 = tpu.memref_slice %arg10[%dma_wait3A_817, %dma_wait3A_818, %dma_wait3A_819, %dma_wait3A_820] : memref<2x4x125x32xf32, #tpu.memory_space<vmem>> -> memref<1x1x125x32xf32, #tpu.memory_space<vmem>>
      %dma_wait3A_822 = tpu.memref_squeeze %dma_wait3A_821 : memref<1x1x125x32xf32, #tpu.memory_space<vmem>> -> memref<125x32xf32, #tpu.memory_space<vmem>>
      %dma_wait3A_823 = arith.constant 0 : i32
      %dma_wait3A_824 = tpu.memref_slice %arg8[%add3A_816, %dma_wait3A_823] : memref<40x125xi32, #tpu.memory_space<vmem>> -> memref<1x125xi32, #tpu.memory_space<vmem>>
      %dma_wait3A_825 = tpu.memref_squeeze %dma_wait3A_824 : memref<1x125xi32, #tpu.memory_space<vmem>> -> memref<125xi32, #tpu.memory_space<vmem>>
      %dma_wait3A_826 = arith.constant 0 : i32
      %dma_wait3A_827 = arith.constant 0 : i32
      %dma_wait3A_828 = tpu.memref_slice %arg2[%dma_wait3A_826, %dma_wait3A_827] : memref<10000x32xf32, #tpu.memory_space<hbm>> -> memref<10000x32xf32, #tpu.memory_space<hbm>>
      tpu.wait_indirect_dma semaphore(%arg13 : memref<!tpu.dma_semaphore, #tpu.memory_space<semaphore_mem>>) src(%dma_wait3A_828 : memref<10000x32xf32, #tpu.memory_space<hbm>>) dst(%dma_wait3A_822 : memref<125x32xf32, #tpu.memory_space<vmem>>)
      %dma_wait3A_829 = arith.constant 1 : i32
      %dma_wait3A_830 = arith.constant 1 : i32
      %dma_wait3A_831 = arith.constant 0 : i32
      %dma_wait3A_832 = arith.constant 0 : i32
      %dma_wait3A_833 = tpu.memref_slice %arg11[%dma_wait3A_829, %dma_wait3A_830, %dma_wait3A_831, %dma_wait3A_832] : memref<2x4x125x16xf32, #tpu.memory_space<vmem>> -> memref<1x1x125x16xf32, #tpu.memory_space<vmem>>
      %dma_wait3A_834 = tpu.memref_squeeze %dma_wait3A_833 : memref<1x1x125x16xf32, #tpu.memory_space<vmem>> -> memref<125x16xf32, #tpu.memory_space<vmem>>
      %dma_wait3A_835 = arith.constant 0 : i32
      %dma_wait3A_836 = tpu.memref_slice %arg9[%add3A_816, %dma_wait3A_835] : memref<40x125xi32, #tpu.memory_space<vmem>> -> memref<1x125xi32, #tpu.memory_space<vmem>>
      %dma_wait3A_837 = tpu.memref_squeeze %dma_wait3A_836 : memref<1x125xi32, #tpu.memory_space<vmem>> -> memref<125xi32, #tpu.memory_space<vmem>>
      %dma_wait3A_838 = arith.constant 0 : i32
      %dma_wait3A_839 = arith.constant 0 : i32
      %dma_wait3A_840 = tpu.memref_slice %arg3[%dma_wait3A_838, %dma_wait3A_839] : memref<10000x16xf32, #tpu.memory_space<hbm>> -> memref<10000x16xf32, #tpu.memory_space<hbm>>
      tpu.wait_indirect_dma semaphore(%arg13 : memref<!tpu.dma_semaphore, #tpu.memory_space<semaphore_mem>>) src(%dma_wait3A_840 : memref<10000x16xf32, #tpu.memory_space<hbm>>) dst(%dma_wait3A_834 : memref<125x16xf32, #tpu.memory_space<vmem>>)
      %mul3A_841 = arith.constant 4 : i32
      %mul3A_842 = arith.muli %add3A_248, %mul3A_841 : i32
      %add3A_843 = arith.constant 2 : i32
      %add3A_844 = arith.addi %mul3A_842, %add3A_843 : i32
      %dma_wait3A_845 = arith.constant 1 : i32
      %dma_wait3A_846 = arith.constant 2 : i32
      %dma_wait3A_847 = arith.constant 0 : i32
      %dma_wait3A_848 = arith.constant 0 : i32
      %dma_wait3A_849 = tpu.memref_slice %arg10[%dma_wait3A_845, %dma_wait3A_846, %dma_wait3A_847, %dma_wait3A_848] : memref<2x4x125x32xf32, #tpu.memory_space<vmem>> -> memref<1x1x125x32xf32, #tpu.memory_space<vmem>>
      %dma_wait3A_850 = tpu.memref_squeeze %dma_wait3A_849 : memref<1x1x125x32xf32, #tpu.memory_space<vmem>> -> memref<125x32xf32, #tpu.memory_space<vmem>>
      %dma_wait3A_851 = arith.constant 0 : i32
      %dma_wait3A_852 = tpu.memref_slice %arg8[%add3A_844, %dma_wait3A_851] : memref<40x125xi32, #tpu.memory_space<vmem>> -> memref<1x125xi32, #tpu.memory_space<vmem>>
      %dma_wait3A_853 = tpu.memref_squeeze %dma_wait3A_852 : memref<1x125xi32, #tpu.memory_space<vmem>> -> memref<125xi32, #tpu.memory_space<vmem>>
      %dma_wait3A_854 = arith.constant 0 : i32
      %dma_wait3A_855 = arith.constant 0 : i32
      %dma_wait3A_856 = tpu.memref_slice %arg2[%dma_wait3A_854, %dma_wait3A_855] : memref<10000x32xf32, #tpu.memory_space<hbm>> -> memref<10000x32xf32, #tpu.memory_space<hbm>>
      tpu.wait_indirect_dma semaphore(%arg13 : memref<!tpu.dma_semaphore, #tpu.memory_space<semaphore_mem>>) src(%dma_wait3A_856 : memref<10000x32xf32, #tpu.memory_space<hbm>>) dst(%dma_wait3A_850 : memref<125x32xf32, #tpu.memory_space<vmem>>)
      %dma_wait3A_857 = arith.constant 1 : i32
      %dma_wait3A_858 = arith.constant 2 : i32
      %dma_wait3A_859 = arith.constant 0 : i32
      %dma_wait3A_860 = arith.constant 0 : i32
      %dma_wait3A_861 = tpu.memref_slice %arg11[%dma_wait3A_857, %dma_wait3A_858, %dma_wait3A_859, %dma_wait3A_860] : memref<2x4x125x16xf32, #tpu.memory_space<vmem>> -> memref<1x1x125x16xf32, #tpu.memory_space<vmem>>
      %dma_wait3A_862 = tpu.memref_squeeze %dma_wait3A_861 : memref<1x1x125x16xf32, #tpu.memory_space<vmem>> -> memref<125x16xf32, #tpu.memory_space<vmem>>
      %dma_wait3A_863 = arith.constant 0 : i32
      %dma_wait3A_864 = tpu.memref_slice %arg9[%add3A_844, %dma_wait3A_863] : memref<40x125xi32, #tpu.memory_space<vmem>> -> memref<1x125xi32, #tpu.memory_space<vmem>>
      %dma_wait3A_865 = tpu.memref_squeeze %dma_wait3A_864 : memref<1x125xi32, #tpu.memory_space<vmem>> -> memref<125xi32, #tpu.memory_space<vmem>>
      %dma_wait3A_866 = arith.constant 0 : i32
      %dma_wait3A_867 = arith.constant 0 : i32
      %dma_wait3A_868 = tpu.memref_slice %arg3[%dma_wait3A_866, %dma_wait3A_867] : memref<10000x16xf32, #tpu.memory_space<hbm>> -> memref<10000x16xf32, #tpu.memory_space<hbm>>
      tpu.wait_indirect_dma semaphore(%arg13 : memref<!tpu.dma_semaphore, #tpu.memory_space<semaphore_mem>>) src(%dma_wait3A_868 : memref<10000x16xf32, #tpu.memory_space<hbm>>) dst(%dma_wait3A_862 : memref<125x16xf32, #tpu.memory_space<vmem>>)
      %mul3A_869 = arith.constant 4 : i32
      %mul3A_870 = arith.muli %add3A_248, %mul3A_869 : i32
      %add3A_871 = arith.constant 3 : i32
      %add3A_872 = arith.addi %mul3A_870, %add3A_871 : i32
      %dma_wait3A_873 = arith.constant 1 : i32
      %dma_wait3A_874 = arith.constant 3 : i32
      %dma_wait3A_875 = arith.constant 0 : i32
      %dma_wait3A_876 = arith.constant 0 : i32
      %dma_wait3A_877 = tpu.memref_slice %arg10[%dma_wait3A_873, %dma_wait3A_874, %dma_wait3A_875, %dma_wait3A_876] : memref<2x4x125x32xf32, #tpu.memory_space<vmem>> -> memref<1x1x125x32xf32, #tpu.memory_space<vmem>>
      %dma_wait3A_878 = tpu.memref_squeeze %dma_wait3A_877 : memref<1x1x125x32xf32, #tpu.memory_space<vmem>> -> memref<125x32xf32, #tpu.memory_space<vmem>>
      %dma_wait3A_879 = arith.constant 0 : i32
      %dma_wait3A_880 = tpu.memref_slice %arg8[%add3A_872, %dma_wait3A_879] : memref<40x125xi32, #tpu.memory_space<vmem>> -> memref<1x125xi32, #tpu.memory_space<vmem>>
      %dma_wait3A_881 = tpu.memref_squeeze %dma_wait3A_880 : memref<1x125xi32, #tpu.memory_space<vmem>> -> memref<125xi32, #tpu.memory_space<vmem>>
      %dma_wait3A_882 = arith.constant 0 : i32
      %dma_wait3A_883 = arith.constant 0 : i32
      %dma_wait3A_884 = tpu.memref_slice %arg2[%dma_wait3A_882, %dma_wait3A_883] : memref<10000x32xf32, #tpu.memory_space<hbm>> -> memref<10000x32xf32, #tpu.memory_space<hbm>>
      tpu.wait_indirect_dma semaphore(%arg13 : memref<!tpu.dma_semaphore, #tpu.memory_space<semaphore_mem>>) src(%dma_wait3A_884 : memref<10000x32xf32, #tpu.memory_space<hbm>>) dst(%dma_wait3A_878 : memref<125x32xf32, #tpu.memory_space<vmem>>)
      %dma_wait3A_885 = arith.constant 1 : i32
      %dma_wait3A_886 = arith.constant 3 : i32
      %dma_wait3A_887 = arith.constant 0 : i32
      %dma_wait3A_888 = arith.constant 0 : i32
      %dma_wait3A_889 = tpu.memref_slice %arg11[%dma_wait3A_885, %dma_wait3A_886, %dma_wait3A_887, %dma_wait3A_888] : memref<2x4x125x16xf32, #tpu.memory_space<vmem>> -> memref<1x1x125x16xf32, #tpu.memory_space<vmem>>
      %dma_wait3A_890 = tpu.memref_squeeze %dma_wait3A_889 : memref<1x1x125x16xf32, #tpu.memory_space<vmem>> -> memref<125x16xf32, #tpu.memory_space<vmem>>
      %dma_wait3A_891 = arith.constant 0 : i32
      %dma_wait3A_892 = tpu.memref_slice %arg9[%add3A_872, %dma_wait3A_891] : memref<40x125xi32, #tpu.memory_space<vmem>> -> memref<1x125xi32, #tpu.memory_space<vmem>>
      %dma_wait3A_893 = tpu.memref_squeeze %dma_wait3A_892 : memref<1x125xi32, #tpu.memory_space<vmem>> -> memref<125xi32, #tpu.memory_space<vmem>>
      %dma_wait3A_894 = arith.constant 0 : i32
      %dma_wait3A_895 = arith.constant 0 : i32
      %dma_wait3A_896 = tpu.memref_slice %arg3[%dma_wait3A_894, %dma_wait3A_895] : memref<10000x16xf32, #tpu.memory_space<hbm>> -> memref<10000x16xf32, #tpu.memory_space<hbm>>
      tpu.wait_indirect_dma semaphore(%arg13 : memref<!tpu.dma_semaphore, #tpu.memory_space<semaphore_mem>>) src(%dma_wait3A_896 : memref<10000x16xf32, #tpu.memory_space<hbm>>) dst(%dma_wait3A_890 : memref<125x16xf32, #tpu.memory_space<vmem>>)
      %mul3A_897 = arith.constant 4 : i32
      %mul3A_898 = arith.muli %add3A_248, %mul3A_897 : i32
      %add3A_899 = arith.constant 0 : i32
      %add3A_900 = arith.addi %mul3A_898, %add3A_899 : i32
      %mul3A_901 = arith.constant 125 : i32
      %mul3A_902 = arith.muli %add3A_900, %mul3A_901 : i32
      %add3A_903 = arith.addi %mul3A_6, %mul3A_902 : i32
      %dma_start3A_904 = arith.constant 1 : i32
      %dma_start3A_905 = arith.constant 0 : i32
      %dma_start3A_906 = arith.constant 0 : i32
      %dma_start3A_907 = arith.constant 0 : i32
      %dma_start3A_908 = tpu.memref_slice %arg10[%dma_start3A_904, %dma_start3A_905, %dma_start3A_906, %dma_start3A_907] : memref<2x4x125x32xf32, #tpu.memory_space<vmem>> -> memref<1x1x125x32xf32, #tpu.memory_space<vmem>>
      %dma_start3A_909 = tpu.memref_squeeze %dma_start3A_908 : memref<1x1x125x32xf32, #tpu.memory_space<vmem>> -> memref<125x32xf32, #tpu.memory_space<vmem>>
      %dma_start3A_910 = arith.constant 0 : i32
      %dma_start3A_911 = tpu.memref_slice %arg6[%add3A_903, %dma_start3A_910] : memref<160000x32xf32, #tpu.memory_space<hbm>> -> memref<125x32xf32, #tpu.memory_space<hbm>>
      %dma_start3A_912 = arith.constant 0 : i32
      %dma_start3A_913 = tpu.memref_slice %arg6[%add3A_903, %dma_start3A_912] : memref<160000x32xf32, #tpu.memory_space<hbm>> -> memref<125x32xf32, #tpu.memory_space<hbm>>
      %dma_start3A_914 = arith.constant 0 : i32
      %dma_start3A_915 = arith.constant 0 : i32
      %dma_start3A_916 = tpu.memref_slice %arg10[%dma_start3A_904, %dma_start3A_905, %dma_start3A_914, %dma_start3A_915] : memref<2x4x125x32xf32, #tpu.memory_space<vmem>> -> memref<1x1x125x32xf32, #tpu.memory_space<vmem>>
      %dma_start3A_917 = tpu.memref_squeeze %dma_start3A_916 : memref<1x1x125x32xf32, #tpu.memory_space<vmem>> -> memref<125x32xf32, #tpu.memory_space<vmem>>
      tpu.enqueue_dma source(%dma_start3A_917 : memref<125x32xf32, #tpu.memory_space<vmem>>) target(%dma_start3A_913 : memref<125x32xf32, #tpu.memory_space<hbm>>) target_semaphore(%arg15 : memref<!tpu.dma_semaphore, #tpu.memory_space<semaphore_mem>>)
      %mul3A_918 = arith.constant 125 : i32
      %mul3A_919 = arith.muli %add3A_900, %mul3A_918 : i32
      %add3A_920 = arith.addi %mul3A_6, %mul3A_919 : i32
      %dma_start3A_921 = arith.constant 1 : i32
      %dma_start3A_922 = arith.constant 0 : i32
      %dma_start3A_923 = arith.constant 0 : i32
      %dma_start3A_924 = arith.constant 0 : i32
      %dma_start3A_925 = tpu.memref_slice %arg11[%dma_start3A_921, %dma_start3A_922, %dma_start3A_923, %dma_start3A_924] : memref<2x4x125x16xf32, #tpu.memory_space<vmem>> -> memref<1x1x125x16xf32, #tpu.memory_space<vmem>>
      %dma_start3A_926 = tpu.memref_squeeze %dma_start3A_925 : memref<1x1x125x16xf32, #tpu.memory_space<vmem>> -> memref<125x16xf32, #tpu.memory_space<vmem>>
      %dma_start3A_927 = arith.constant 0 : i32
      %dma_start3A_928 = tpu.memref_slice %arg7[%add3A_920, %dma_start3A_927] : memref<160000x16xf32, #tpu.memory_space<hbm>> -> memref<125x16xf32, #tpu.memory_space<hbm>>
      %dma_start3A_929 = arith.constant 0 : i32
      %dma_start3A_930 = tpu.memref_slice %arg7[%add3A_920, %dma_start3A_929] : memref<160000x16xf32, #tpu.memory_space<hbm>> -> memref<125x16xf32, #tpu.memory_space<hbm>>
      %dma_start3A_931 = arith.constant 0 : i32
      %dma_start3A_932 = arith.constant 0 : i32
      %dma_start3A_933 = tpu.memref_slice %arg11[%dma_start3A_921, %dma_start3A_922, %dma_start3A_931, %dma_start3A_932] : memref<2x4x125x16xf32, #tpu.memory_space<vmem>> -> memref<1x1x125x16xf32, #tpu.memory_space<vmem>>
      %dma_start3A_934 = tpu.memref_squeeze %dma_start3A_933 : memref<1x1x125x16xf32, #tpu.memory_space<vmem>> -> memref<125x16xf32, #tpu.memory_space<vmem>>
      tpu.enqueue_dma source(%dma_start3A_934 : memref<125x16xf32, #tpu.memory_space<vmem>>) target(%dma_start3A_930 : memref<125x16xf32, #tpu.memory_space<hbm>>) target_semaphore(%arg15 : memref<!tpu.dma_semaphore, #tpu.memory_space<semaphore_mem>>)
      %mul3A_935 = arith.constant 4 : i32
      %mul3A_936 = arith.muli %add3A_248, %mul3A_935 : i32
      %add3A_937 = arith.constant 1 : i32
      %add3A_938 = arith.addi %mul3A_936, %add3A_937 : i32
      %mul3A_939 = arith.constant 125 : i32
      %mul3A_940 = arith.muli %add3A_938, %mul3A_939 : i32
      %add3A_941 = arith.addi %mul3A_6, %mul3A_940 : i32
      %dma_start3A_942 = arith.constant 1 : i32
      %dma_start3A_943 = arith.constant 1 : i32
      %dma_start3A_944 = arith.constant 0 : i32
      %dma_start3A_945 = arith.constant 0 : i32
      %dma_start3A_946 = tpu.memref_slice %arg10[%dma_start3A_942, %dma_start3A_943, %dma_start3A_944, %dma_start3A_945] : memref<2x4x125x32xf32, #tpu.memory_space<vmem>> -> memref<1x1x125x32xf32, #tpu.memory_space<vmem>>
      %dma_start3A_947 = tpu.memref_squeeze %dma_start3A_946 : memref<1x1x125x32xf32, #tpu.memory_space<vmem>> -> memref<125x32xf32, #tpu.memory_space<vmem>>
      %dma_start3A_948 = arith.constant 0 : i32
      %dma_start3A_949 = tpu.memref_slice %arg6[%add3A_941, %dma_start3A_948] : memref<160000x32xf32, #tpu.memory_space<hbm>> -> memref<125x32xf32, #tpu.memory_space<hbm>>
      %dma_start3A_950 = arith.constant 0 : i32
      %dma_start3A_951 = tpu.memref_slice %arg6[%add3A_941, %dma_start3A_950] : memref<160000x32xf32, #tpu.memory_space<hbm>> -> memref<125x32xf32, #tpu.memory_space<hbm>>
      %dma_start3A_952 = arith.constant 0 : i32
      %dma_start3A_953 = arith.constant 0 : i32
      %dma_start3A_954 = tpu.memref_slice %arg10[%dma_start3A_942, %dma_start3A_943, %dma_start3A_952, %dma_start3A_953] : memref<2x4x125x32xf32, #tpu.memory_space<vmem>> -> memref<1x1x125x32xf32, #tpu.memory_space<vmem>>
      %dma_start3A_955 = tpu.memref_squeeze %dma_start3A_954 : memref<1x1x125x32xf32, #tpu.memory_space<vmem>> -> memref<125x32xf32, #tpu.memory_space<vmem>>
      tpu.enqueue_dma source(%dma_start3A_955 : memref<125x32xf32, #tpu.memory_space<vmem>>) target(%dma_start3A_951 : memref<125x32xf32, #tpu.memory_space<hbm>>) target_semaphore(%arg15 : memref<!tpu.dma_semaphore, #tpu.memory_space<semaphore_mem>>)
      %mul3A_956 = arith.constant 125 : i32
      %mul3A_957 = arith.muli %add3A_938, %mul3A_956 : i32
      %add3A_958 = arith.addi %mul3A_6, %mul3A_957 : i32
      %dma_start3A_959 = arith.constant 1 : i32
      %dma_start3A_960 = arith.constant 1 : i32
      %dma_start3A_961 = arith.constant 0 : i32
      %dma_start3A_962 = arith.constant 0 : i32
      %dma_start3A_963 = tpu.memref_slice %arg11[%dma_start3A_959, %dma_start3A_960, %dma_start3A_961, %dma_start3A_962] : memref<2x4x125x16xf32, #tpu.memory_space<vmem>> -> memref<1x1x125x16xf32, #tpu.memory_space<vmem>>
      %dma_start3A_964 = tpu.memref_squeeze %dma_start3A_963 : memref<1x1x125x16xf32, #tpu.memory_space<vmem>> -> memref<125x16xf32, #tpu.memory_space<vmem>>
      %dma_start3A_965 = arith.constant 0 : i32
      %dma_start3A_966 = tpu.memref_slice %arg7[%add3A_958, %dma_start3A_965] : memref<160000x16xf32, #tpu.memory_space<hbm>> -> memref<125x16xf32, #tpu.memory_space<hbm>>
      %dma_start3A_967 = arith.constant 0 : i32
      %dma_start3A_968 = tpu.memref_slice %arg7[%add3A_958, %dma_start3A_967] : memref<160000x16xf32, #tpu.memory_space<hbm>> -> memref<125x16xf32, #tpu.memory_space<hbm>>
      %dma_start3A_969 = arith.constant 0 : i32
      %dma_start3A_970 = arith.constant 0 : i32
      %dma_start3A_971 = tpu.memref_slice %arg11[%dma_start3A_959, %dma_start3A_960, %dma_start3A_969, %dma_start3A_970] : memref<2x4x125x16xf32, #tpu.memory_space<vmem>> -> memref<1x1x125x16xf32, #tpu.memory_space<vmem>>
      %dma_start3A_972 = tpu.memref_squeeze %dma_start3A_971 : memref<1x1x125x16xf32, #tpu.memory_space<vmem>> -> memref<125x16xf32, #tpu.memory_space<vmem>>
      tpu.enqueue_dma source(%dma_start3A_972 : memref<125x16xf32, #tpu.memory_space<vmem>>) target(%dma_start3A_968 : memref<125x16xf32, #tpu.memory_space<hbm>>) target_semaphore(%arg15 : memref<!tpu.dma_semaphore, #tpu.memory_space<semaphore_mem>>)
      %mul3A_973 = arith.constant 4 : i32
      %mul3A_974 = arith.muli %add3A_248, %mul3A_973 : i32
      %add3A_975 = arith.constant 2 : i32
      %add3A_976 = arith.addi %mul3A_974, %add3A_975 : i32
      %mul3A_977 = arith.constant 125 : i32
      %mul3A_978 = arith.muli %add3A_976, %mul3A_977 : i32
      %add3A_979 = arith.addi %mul3A_6, %mul3A_978 : i32
      %dma_start3A_980 = arith.constant 1 : i32
      %dma_start3A_981 = arith.constant 2 : i32
      %dma_start3A_982 = arith.constant 0 : i32
      %dma_start3A_983 = arith.constant 0 : i32
      %dma_start3A_984 = tpu.memref_slice %arg10[%dma_start3A_980, %dma_start3A_981, %dma_start3A_982, %dma_start3A_983] : memref<2x4x125x32xf32, #tpu.memory_space<vmem>> -> memref<1x1x125x32xf32, #tpu.memory_space<vmem>>
      %dma_start3A_985 = tpu.memref_squeeze %dma_start3A_984 : memref<1x1x125x32xf32, #tpu.memory_space<vmem>> -> memref<125x32xf32, #tpu.memory_space<vmem>>
      %dma_start3A_986 = arith.constant 0 : i32
      %dma_start3A_987 = tpu.memref_slice %arg6[%add3A_979, %dma_start3A_986] : memref<160000x32xf32, #tpu.memory_space<hbm>> -> memref<125x32xf32, #tpu.memory_space<hbm>>
      %dma_start3A_988 = arith.constant 0 : i32
      %dma_start3A_989 = tpu.memref_slice %arg6[%add3A_979, %dma_start3A_988] : memref<160000x32xf32, #tpu.memory_space<hbm>> -> memref<125x32xf32, #tpu.memory_space<hbm>>
      %dma_start3A_990 = arith.constant 0 : i32
      %dma_start3A_991 = arith.constant 0 : i32
      %dma_start3A_992 = tpu.memref_slice %arg10[%dma_start3A_980, %dma_start3A_981, %dma_start3A_990, %dma_start3A_991] : memref<2x4x125x32xf32, #tpu.memory_space<vmem>> -> memref<1x1x125x32xf32, #tpu.memory_space<vmem>>
      %dma_start3A_993 = tpu.memref_squeeze %dma_start3A_992 : memref<1x1x125x32xf32, #tpu.memory_space<vmem>> -> memref<125x32xf32, #tpu.memory_space<vmem>>
      tpu.enqueue_dma source(%dma_start3A_993 : memref<125x32xf32, #tpu.memory_space<vmem>>) target(%dma_start3A_989 : memref<125x32xf32, #tpu.memory_space<hbm>>) target_semaphore(%arg15 : memref<!tpu.dma_semaphore, #tpu.memory_space<semaphore_mem>>)
      %mul3A_994 = arith.constant 125 : i32
      %mul3A_995 = arith.muli %add3A_976, %mul3A_994 : i32
      %add3A_996 = arith.addi %mul3A_6, %mul3A_995 : i32
      %dma_start3A_997 = arith.constant 1 : i32
      %dma_start3A_998 = arith.constant 2 : i32
      %dma_start3A_999 = arith.constant 0 : i32
      %dma_start3A_1000 = arith.constant 0 : i32
      %dma_start3A_1001 = tpu.memref_slice %arg11[%dma_start3A_997, %dma_start3A_998, %dma_start3A_999, %dma_start3A_1000] : memref<2x4x125x16xf32, #tpu.memory_space<vmem>> -> memref<1x1x125x16xf32, #tpu.memory_space<vmem>>
      %dma_start3A_1002 = tpu.memref_squeeze %dma_start3A_1001 : memref<1x1x125x16xf32, #tpu.memory_space<vmem>> -> memref<125x16xf32, #tpu.memory_space<vmem>>
      %dma_start3A_1003 = arith.constant 0 : i32
      %dma_start3A_1004 = tpu.memref_slice %arg7[%add3A_996, %dma_start3A_1003] : memref<160000x16xf32, #tpu.memory_space<hbm>> -> memref<125x16xf32, #tpu.memory_space<hbm>>
      %dma_start3A_1005 = arith.constant 0 : i32
      %dma_start3A_1006 = tpu.memref_slice %arg7[%add3A_996, %dma_start3A_1005] : memref<160000x16xf32, #tpu.memory_space<hbm>> -> memref<125x16xf32, #tpu.memory_space<hbm>>
      %dma_start3A_1007 = arith.constant 0 : i32
      %dma_start3A_1008 = arith.constant 0 : i32
      %dma_start3A_1009 = tpu.memref_slice %arg11[%dma_start3A_997, %dma_start3A_998, %dma_start3A_1007, %dma_start3A_1008] : memref<2x4x125x16xf32, #tpu.memory_space<vmem>> -> memref<1x1x125x16xf32, #tpu.memory_space<vmem>>
      %dma_start3A_1010 = tpu.memref_squeeze %dma_start3A_1009 : memref<1x1x125x16xf32, #tpu.memory_space<vmem>> -> memref<125x16xf32, #tpu.memory_space<vmem>>
      tpu.enqueue_dma source(%dma_start3A_1010 : memref<125x16xf32, #tpu.memory_space<vmem>>) target(%dma_start3A_1006 : memref<125x16xf32, #tpu.memory_space<hbm>>) target_semaphore(%arg15 : memref<!tpu.dma_semaphore, #tpu.memory_space<semaphore_mem>>)
      %mul3A_1011 = arith.constant 4 : i32
      %mul3A_1012 = arith.muli %add3A_248, %mul3A_1011 : i32
      %add3A_1013 = arith.constant 3 : i32
      %add3A_1014 = arith.addi %mul3A_1012, %add3A_1013 : i32
      %mul3A_1015 = arith.constant 125 : i32
      %mul3A_1016 = arith.muli %add3A_1014, %mul3A_1015 : i32
      %add3A_1017 = arith.addi %mul3A_6, %mul3A_1016 : i32
      %dma_start3A_1018 = arith.constant 1 : i32
      %dma_start3A_1019 = arith.constant 3 : i32
      %dma_start3A_1020 = arith.constant 0 : i32
      %dma_start3A_1021 = arith.constant 0 : i32
      %dma_start3A_1022 = tpu.memref_slice %arg10[%dma_start3A_1018, %dma_start3A_1019, %dma_start3A_1020, %dma_start3A_1021] : memref<2x4x125x32xf32, #tpu.memory_space<vmem>> -> memref<1x1x125x32xf32, #tpu.memory_space<vmem>>
      %dma_start3A_1023 = tpu.memref_squeeze %dma_start3A_1022 : memref<1x1x125x32xf32, #tpu.memory_space<vmem>> -> memref<125x32xf32, #tpu.memory_space<vmem>>
      %dma_start3A_1024 = arith.constant 0 : i32
      %dma_start3A_1025 = tpu.memref_slice %arg6[%add3A_1017, %dma_start3A_1024] : memref<160000x32xf32, #tpu.memory_space<hbm>> -> memref<125x32xf32, #tpu.memory_space<hbm>>
      %dma_start3A_1026 = arith.constant 0 : i32
      %dma_start3A_1027 = tpu.memref_slice %arg6[%add3A_1017, %dma_start3A_1026] : memref<160000x32xf32, #tpu.memory_space<hbm>> -> memref<125x32xf32, #tpu.memory_space<hbm>>
      %dma_start3A_1028 = arith.constant 0 : i32
      %dma_start3A_1029 = arith.constant 0 : i32
      %dma_start3A_1030 = tpu.memref_slice %arg10[%dma_start3A_1018, %dma_start3A_1019, %dma_start3A_1028, %dma_start3A_1029] : memref<2x4x125x32xf32, #tpu.memory_space<vmem>> -> memref<1x1x125x32xf32, #tpu.memory_space<vmem>>
      %dma_start3A_1031 = tpu.memref_squeeze %dma_start3A_1030 : memref<1x1x125x32xf32, #tpu.memory_space<vmem>> -> memref<125x32xf32, #tpu.memory_space<vmem>>
      tpu.enqueue_dma source(%dma_start3A_1031 : memref<125x32xf32, #tpu.memory_space<vmem>>) target(%dma_start3A_1027 : memref<125x32xf32, #tpu.memory_space<hbm>>) target_semaphore(%arg15 : memref<!tpu.dma_semaphore, #tpu.memory_space<semaphore_mem>>)
      %mul3A_1032 = arith.constant 125 : i32
      %mul3A_1033 = arith.muli %add3A_1014, %mul3A_1032 : i32
      %add3A_1034 = arith.addi %mul3A_6, %mul3A_1033 : i32
      %dma_start3A_1035 = arith.constant 1 : i32
      %dma_start3A_1036 = arith.constant 3 : i32
      %dma_start3A_1037 = arith.constant 0 : i32
      %dma_start3A_1038 = arith.constant 0 : i32
      %dma_start3A_1039 = tpu.memref_slice %arg11[%dma_start3A_1035, %dma_start3A_1036, %dma_start3A_1037, %dma_start3A_1038] : memref<2x4x125x16xf32, #tpu.memory_space<vmem>> -> memref<1x1x125x16xf32, #tpu.memory_space<vmem>>
      %dma_start3A_1040 = tpu.memref_squeeze %dma_start3A_1039 : memref<1x1x125x16xf32, #tpu.memory_space<vmem>> -> memref<125x16xf32, #tpu.memory_space<vmem>>
      %dma_start3A_1041 = arith.constant 0 : i32
      %dma_start3A_1042 = tpu.memref_slice %arg7[%add3A_1034, %dma_start3A_1041] : memref<160000x16xf32, #tpu.memory_space<hbm>> -> memref<125x16xf32, #tpu.memory_space<hbm>>
      %dma_start3A_1043 = arith.constant 0 : i32
      %dma_start3A_1044 = tpu.memref_slice %arg7[%add3A_1034, %dma_start3A_1043] : memref<160000x16xf32, #tpu.memory_space<hbm>> -> memref<125x16xf32, #tpu.memory_space<hbm>>
      %dma_start3A_1045 = arith.constant 0 : i32
      %dma_start3A_1046 = arith.constant 0 : i32
      %dma_start3A_1047 = tpu.memref_slice %arg11[%dma_start3A_1035, %dma_start3A_1036, %dma_start3A_1045, %dma_start3A_1046] : memref<2x4x125x16xf32, #tpu.memory_space<vmem>> -> memref<1x1x125x16xf32, #tpu.memory_space<vmem>>
      %dma_start3A_1048 = tpu.memref_squeeze %dma_start3A_1047 : memref<1x1x125x16xf32, #tpu.memory_space<vmem>> -> memref<125x16xf32, #tpu.memory_space<vmem>>
      tpu.enqueue_dma source(%dma_start3A_1048 : memref<125x16xf32, #tpu.memory_space<vmem>>) target(%dma_start3A_1044 : memref<125x16xf32, #tpu.memory_space<hbm>>) target_semaphore(%arg15 : memref<!tpu.dma_semaphore, #tpu.memory_space<semaphore_mem>>)
    }
    %scan3A_114 = arith.constant 5 : i32
    %add3A_115 = arith.constant 4500 : i32
    %add3A_116 = arith.addi %mul3A_6, %add3A_115 : i32
    %dma_wait3A = arith.constant 1 : i32
    %dma_wait3A_117 = arith.constant 0 : i32
    %dma_wait3A_118 = arith.constant 0 : i32
    %dma_wait3A_119 = arith.constant 0 : i32
    %dma_wait3A_120 = tpu.memref_slice %arg10[%dma_wait3A, %dma_wait3A_117, %dma_wait3A_118, %dma_wait3A_119] : memref<2x4x125x32xf32, #tpu.memory_space<vmem>> -> memref<1x1x125x32xf32, #tpu.memory_space<vmem>>
    %dma_wait3A_121 = tpu.memref_squeeze %dma_wait3A_120 : memref<1x1x125x32xf32, #tpu.memory_space<vmem>> -> memref<125x32xf32, #tpu.memory_space<vmem>>
    %dma_wait3A_122 = arith.constant 0 : i32
    %dma_wait3A_123 = tpu.memref_slice %arg6[%add3A_116, %dma_wait3A_122] : memref<160000x32xf32, #tpu.memory_space<hbm>> -> memref<125x32xf32, #tpu.memory_space<hbm>>
    %dma_wait3A_124 = arith.constant 0 : i32
    %dma_wait3A_125 = tpu.memref_slice %arg6[%add3A_116, %dma_wait3A_124] : memref<160000x32xf32, #tpu.memory_space<hbm>> -> memref<125x32xf32, #tpu.memory_space<hbm>>
    %dma_wait3A_126 = arith.constant 0 : i32
    %dma_wait3A_127 = arith.constant 0 : i32
    %dma_wait3A_128 = tpu.memref_slice %arg10[%dma_wait3A, %dma_wait3A_117, %dma_wait3A_126, %dma_wait3A_127] : memref<2x4x125x32xf32, #tpu.memory_space<vmem>> -> memref<1x1x125x32xf32, #tpu.memory_space<vmem>>
    %dma_wait3A_129 = tpu.memref_squeeze %dma_wait3A_128 : memref<1x1x125x32xf32, #tpu.memory_space<vmem>> -> memref<125x32xf32, #tpu.memory_space<vmem>>
    tpu.wait_dma2 semaphore(%arg15 : memref<!tpu.dma_semaphore, #tpu.memory_space<semaphore_mem>>) src(%dma_wait3A_129 : memref<125x32xf32, #tpu.memory_space<vmem>>) dst(%dma_wait3A_125 : memref<125x32xf32, #tpu.memory_space<hbm>>)
    %add3A_130 = arith.constant 4500 : i32
    %add3A_131 = arith.addi %mul3A_6, %add3A_130 : i32
    %dma_wait3A_132 = arith.constant 1 : i32
    %dma_wait3A_133 = arith.constant 0 : i32
    %dma_wait3A_134 = arith.constant 0 : i32
    %dma_wait3A_135 = arith.constant 0 : i32
    %dma_wait3A_136 = tpu.memref_slice %arg11[%dma_wait3A_132, %dma_wait3A_133, %dma_wait3A_134, %dma_wait3A_135] : memref<2x4x125x16xf32, #tpu.memory_space<vmem>> -> memref<1x1x125x16xf32, #tpu.memory_space<vmem>>
    %dma_wait3A_137 = tpu.memref_squeeze %dma_wait3A_136 : memref<1x1x125x16xf32, #tpu.memory_space<vmem>> -> memref<125x16xf32, #tpu.memory_space<vmem>>
    %dma_wait3A_138 = arith.constant 0 : i32
    %dma_wait3A_139 = tpu.memref_slice %arg7[%add3A_131, %dma_wait3A_138] : memref<160000x16xf32, #tpu.memory_space<hbm>> -> memref<125x16xf32, #tpu.memory_space<hbm>>
    %dma_wait3A_140 = arith.constant 0 : i32
    %dma_wait3A_141 = tpu.memref_slice %arg7[%add3A_131, %dma_wait3A_140] : memref<160000x16xf32, #tpu.memory_space<hbm>> -> memref<125x16xf32, #tpu.memory_space<hbm>>
    %dma_wait3A_142 = arith.constant 0 : i32
    %dma_wait3A_143 = arith.constant 0 : i32
    %dma_wait3A_144 = tpu.memref_slice %arg11[%dma_wait3A_132, %dma_wait3A_133, %dma_wait3A_142, %dma_wait3A_143] : memref<2x4x125x16xf32, #tpu.memory_space<vmem>> -> memref<1x1x125x16xf32, #tpu.memory_space<vmem>>
    %dma_wait3A_145 = tpu.memref_squeeze %dma_wait3A_144 : memref<1x1x125x16xf32, #tpu.memory_space<vmem>> -> memref<125x16xf32, #tpu.memory_space<vmem>>
    tpu.wait_dma2 semaphore(%arg15 : memref<!tpu.dma_semaphore, #tpu.memory_space<semaphore_mem>>) src(%dma_wait3A_145 : memref<125x16xf32, #tpu.memory_space<vmem>>) dst(%dma_wait3A_141 : memref<125x16xf32, #tpu.memory_space<hbm>>)
    %add3A_146 = arith.constant 4625 : i32
    %add3A_147 = arith.addi %mul3A_6, %add3A_146 : i32
    %dma_wait3A_148 = arith.constant 1 : i32
    %dma_wait3A_149 = arith.constant 1 : i32
    %dma_wait3A_150 = arith.constant 0 : i32
    %dma_wait3A_151 = arith.constant 0 : i32
    %dma_wait3A_152 = tpu.memref_slice %arg10[%dma_wait3A_148, %dma_wait3A_149, %dma_wait3A_150, %dma_wait3A_151] : memref<2x4x125x32xf32, #tpu.memory_space<vmem>> -> memref<1x1x125x32xf32, #tpu.memory_space<vmem>>
    %dma_wait3A_153 = tpu.memref_squeeze %dma_wait3A_152 : memref<1x1x125x32xf32, #tpu.memory_space<vmem>> -> memref<125x32xf32, #tpu.memory_space<vmem>>
    %dma_wait3A_154 = arith.constant 0 : i32
    %dma_wait3A_155 = tpu.memref_slice %arg6[%add3A_147, %dma_wait3A_154] : memref<160000x32xf32, #tpu.memory_space<hbm>> -> memref<125x32xf32, #tpu.memory_space<hbm>>
    %dma_wait3A_156 = arith.constant 0 : i32
    %dma_wait3A_157 = tpu.memref_slice %arg6[%add3A_147, %dma_wait3A_156] : memref<160000x32xf32, #tpu.memory_space<hbm>> -> memref<125x32xf32, #tpu.memory_space<hbm>>
    %dma_wait3A_158 = arith.constant 0 : i32
    %dma_wait3A_159 = arith.constant 0 : i32
    %dma_wait3A_160 = tpu.memref_slice %arg10[%dma_wait3A_148, %dma_wait3A_149, %dma_wait3A_158, %dma_wait3A_159] : memref<2x4x125x32xf32, #tpu.memory_space<vmem>> -> memref<1x1x125x32xf32, #tpu.memory_space<vmem>>
    %dma_wait3A_161 = tpu.memref_squeeze %dma_wait3A_160 : memref<1x1x125x32xf32, #tpu.memory_space<vmem>> -> memref<125x32xf32, #tpu.memory_space<vmem>>
    tpu.wait_dma2 semaphore(%arg15 : memref<!tpu.dma_semaphore, #tpu.memory_space<semaphore_mem>>) src(%dma_wait3A_161 : memref<125x32xf32, #tpu.memory_space<vmem>>) dst(%dma_wait3A_157 : memref<125x32xf32, #tpu.memory_space<hbm>>)
    %add3A_162 = arith.constant 4625 : i32
    %add3A_163 = arith.addi %mul3A_6, %add3A_162 : i32
    %dma_wait3A_164 = arith.constant 1 : i32
    %dma_wait3A_165 = arith.constant 1 : i32
    %dma_wait3A_166 = arith.constant 0 : i32
    %dma_wait3A_167 = arith.constant 0 : i32
    %dma_wait3A_168 = tpu.memref_slice %arg11[%dma_wait3A_164, %dma_wait3A_165, %dma_wait3A_166, %dma_wait3A_167] : memref<2x4x125x16xf32, #tpu.memory_space<vmem>> -> memref<1x1x125x16xf32, #tpu.memory_space<vmem>>
    %dma_wait3A_169 = tpu.memref_squeeze %dma_wait3A_168 : memref<1x1x125x16xf32, #tpu.memory_space<vmem>> -> memref<125x16xf32, #tpu.memory_space<vmem>>
    %dma_wait3A_170 = arith.constant 0 : i32
    %dma_wait3A_171 = tpu.memref_slice %arg7[%add3A_163, %dma_wait3A_170] : memref<160000x16xf32, #tpu.memory_space<hbm>> -> memref<125x16xf32, #tpu.memory_space<hbm>>
    %dma_wait3A_172 = arith.constant 0 : i32
    %dma_wait3A_173 = tpu.memref_slice %arg7[%add3A_163, %dma_wait3A_172] : memref<160000x16xf32, #tpu.memory_space<hbm>> -> memref<125x16xf32, #tpu.memory_space<hbm>>
    %dma_wait3A_174 = arith.constant 0 : i32
    %dma_wait3A_175 = arith.constant 0 : i32
    %dma_wait3A_176 = tpu.memref_slice %arg11[%dma_wait3A_164, %dma_wait3A_165, %dma_wait3A_174, %dma_wait3A_175] : memref<2x4x125x16xf32, #tpu.memory_space<vmem>> -> memref<1x1x125x16xf32, #tpu.memory_space<vmem>>
    %dma_wait3A_177 = tpu.memref_squeeze %dma_wait3A_176 : memref<1x1x125x16xf32, #tpu.memory_space<vmem>> -> memref<125x16xf32, #tpu.memory_space<vmem>>
    tpu.wait_dma2 semaphore(%arg15 : memref<!tpu.dma_semaphore, #tpu.memory_space<semaphore_mem>>) src(%dma_wait3A_177 : memref<125x16xf32, #tpu.memory_space<vmem>>) dst(%dma_wait3A_173 : memref<125x16xf32, #tpu.memory_space<hbm>>)
    %add3A_178 = arith.constant 4750 : i32
    %add3A_179 = arith.addi %mul3A_6, %add3A_178 : i32
    %dma_wait3A_180 = arith.constant 1 : i32
    %dma_wait3A_181 = arith.constant 2 : i32
    %dma_wait3A_182 = arith.constant 0 : i32
    %dma_wait3A_183 = arith.constant 0 : i32
    %dma_wait3A_184 = tpu.memref_slice %arg10[%dma_wait3A_180, %dma_wait3A_181, %dma_wait3A_182, %dma_wait3A_183] : memref<2x4x125x32xf32, #tpu.memory_space<vmem>> -> memref<1x1x125x32xf32, #tpu.memory_space<vmem>>
    %dma_wait3A_185 = tpu.memref_squeeze %dma_wait3A_184 : memref<1x1x125x32xf32, #tpu.memory_space<vmem>> -> memref<125x32xf32, #tpu.memory_space<vmem>>
    %dma_wait3A_186 = arith.constant 0 : i32
    %dma_wait3A_187 = tpu.memref_slice %arg6[%add3A_179, %dma_wait3A_186] : memref<160000x32xf32, #tpu.memory_space<hbm>> -> memref<125x32xf32, #tpu.memory_space<hbm>>
    %dma_wait3A_188 = arith.constant 0 : i32
    %dma_wait3A_189 = tpu.memref_slice %arg6[%add3A_179, %dma_wait3A_188] : memref<160000x32xf32, #tpu.memory_space<hbm>> -> memref<125x32xf32, #tpu.memory_space<hbm>>
    %dma_wait3A_190 = arith.constant 0 : i32
    %dma_wait3A_191 = arith.constant 0 : i32
    %dma_wait3A_192 = tpu.memref_slice %arg10[%dma_wait3A_180, %dma_wait3A_181, %dma_wait3A_190, %dma_wait3A_191] : memref<2x4x125x32xf32, #tpu.memory_space<vmem>> -> memref<1x1x125x32xf32, #tpu.memory_space<vmem>>
    %dma_wait3A_193 = tpu.memref_squeeze %dma_wait3A_192 : memref<1x1x125x32xf32, #tpu.memory_space<vmem>> -> memref<125x32xf32, #tpu.memory_space<vmem>>
    tpu.wait_dma2 semaphore(%arg15 : memref<!tpu.dma_semaphore, #tpu.memory_space<semaphore_mem>>) src(%dma_wait3A_193 : memref<125x32xf32, #tpu.memory_space<vmem>>) dst(%dma_wait3A_189 : memref<125x32xf32, #tpu.memory_space<hbm>>)
    %add3A_194 = arith.constant 4750 : i32
    %add3A_195 = arith.addi %mul3A_6, %add3A_194 : i32
    %dma_wait3A_196 = arith.constant 1 : i32
    %dma_wait3A_197 = arith.constant 2 : i32
    %dma_wait3A_198 = arith.constant 0 : i32
    %dma_wait3A_199 = arith.constant 0 : i32
    %dma_wait3A_200 = tpu.memref_slice %arg11[%dma_wait3A_196, %dma_wait3A_197, %dma_wait3A_198, %dma_wait3A_199] : memref<2x4x125x16xf32, #tpu.memory_space<vmem>> -> memref<1x1x125x16xf32, #tpu.memory_space<vmem>>
    %dma_wait3A_201 = tpu.memref_squeeze %dma_wait3A_200 : memref<1x1x125x16xf32, #tpu.memory_space<vmem>> -> memref<125x16xf32, #tpu.memory_space<vmem>>
    %dma_wait3A_202 = arith.constant 0 : i32
    %dma_wait3A_203 = tpu.memref_slice %arg7[%add3A_195, %dma_wait3A_202] : memref<160000x16xf32, #tpu.memory_space<hbm>> -> memref<125x16xf32, #tpu.memory_space<hbm>>
    %dma_wait3A_204 = arith.constant 0 : i32
    %dma_wait3A_205 = tpu.memref_slice %arg7[%add3A_195, %dma_wait3A_204] : memref<160000x16xf32, #tpu.memory_space<hbm>> -> memref<125x16xf32, #tpu.memory_space<hbm>>
    %dma_wait3A_206 = arith.constant 0 : i32
    %dma_wait3A_207 = arith.constant 0 : i32
    %dma_wait3A_208 = tpu.memref_slice %arg11[%dma_wait3A_196, %dma_wait3A_197, %dma_wait3A_206, %dma_wait3A_207] : memref<2x4x125x16xf32, #tpu.memory_space<vmem>> -> memref<1x1x125x16xf32, #tpu.memory_space<vmem>>
    %dma_wait3A_209 = tpu.memref_squeeze %dma_wait3A_208 : memref<1x1x125x16xf32, #tpu.memory_space<vmem>> -> memref<125x16xf32, #tpu.memory_space<vmem>>
    tpu.wait_dma2 semaphore(%arg15 : memref<!tpu.dma_semaphore, #tpu.memory_space<semaphore_mem>>) src(%dma_wait3A_209 : memref<125x16xf32, #tpu.memory_space<vmem>>) dst(%dma_wait3A_205 : memref<125x16xf32, #tpu.memory_space<hbm>>)
    %add3A_210 = arith.constant 4875 : i32
    %add3A_211 = arith.addi %mul3A_6, %add3A_210 : i32
    %dma_wait3A_212 = arith.constant 1 : i32
    %dma_wait3A_213 = arith.constant 3 : i32
    %dma_wait3A_214 = arith.constant 0 : i32
    %dma_wait3A_215 = arith.constant 0 : i32
    %dma_wait3A_216 = tpu.memref_slice %arg10[%dma_wait3A_212, %dma_wait3A_213, %dma_wait3A_214, %dma_wait3A_215] : memref<2x4x125x32xf32, #tpu.memory_space<vmem>> -> memref<1x1x125x32xf32, #tpu.memory_space<vmem>>
    %dma_wait3A_217 = tpu.memref_squeeze %dma_wait3A_216 : memref<1x1x125x32xf32, #tpu.memory_space<vmem>> -> memref<125x32xf32, #tpu.memory_space<vmem>>
    %dma_wait3A_218 = arith.constant 0 : i32
    %dma_wait3A_219 = tpu.memref_slice %arg6[%add3A_211, %dma_wait3A_218] : memref<160000x32xf32, #tpu.memory_space<hbm>> -> memref<125x32xf32, #tpu.memory_space<hbm>>
    %dma_wait3A_220 = arith.constant 0 : i32
    %dma_wait3A_221 = tpu.memref_slice %arg6[%add3A_211, %dma_wait3A_220] : memref<160000x32xf32, #tpu.memory_space<hbm>> -> memref<125x32xf32, #tpu.memory_space<hbm>>
    %dma_wait3A_222 = arith.constant 0 : i32
    %dma_wait3A_223 = arith.constant 0 : i32
    %dma_wait3A_224 = tpu.memref_slice %arg10[%dma_wait3A_212, %dma_wait3A_213, %dma_wait3A_222, %dma_wait3A_223] : memref<2x4x125x32xf32, #tpu.memory_space<vmem>> -> memref<1x1x125x32xf32, #tpu.memory_space<vmem>>
    %dma_wait3A_225 = tpu.memref_squeeze %dma_wait3A_224 : memref<1x1x125x32xf32, #tpu.memory_space<vmem>> -> memref<125x32xf32, #tpu.memory_space<vmem>>
    tpu.wait_dma2 semaphore(%arg15 : memref<!tpu.dma_semaphore, #tpu.memory_space<semaphore_mem>>) src(%dma_wait3A_225 : memref<125x32xf32, #tpu.memory_space<vmem>>) dst(%dma_wait3A_221 : memref<125x32xf32, #tpu.memory_space<hbm>>)
    %add3A_226 = arith.constant 4875 : i32
    %add3A_227 = arith.addi %mul3A_6, %add3A_226 : i32
    %dma_wait3A_228 = arith.constant 1 : i32
    %dma_wait3A_229 = arith.constant 3 : i32
    %dma_wait3A_230 = arith.constant 0 : i32
    %dma_wait3A_231 = arith.constant 0 : i32
    %dma_wait3A_232 = tpu.memref_slice %arg11[%dma_wait3A_228, %dma_wait3A_229, %dma_wait3A_230, %dma_wait3A_231] : memref<2x4x125x16xf32, #tpu.memory_space<vmem>> -> memref<1x1x125x16xf32, #tpu.memory_space<vmem>>
    %dma_wait3A_233 = tpu.memref_squeeze %dma_wait3A_232 : memref<1x1x125x16xf32, #tpu.memory_space<vmem>> -> memref<125x16xf32, #tpu.memory_space<vmem>>
    %dma_wait3A_234 = arith.constant 0 : i32
    %dma_wait3A_235 = tpu.memref_slice %arg7[%add3A_227, %dma_wait3A_234] : memref<160000x16xf32, #tpu.memory_space<hbm>> -> memref<125x16xf32, #tpu.memory_space<hbm>>
    %dma_wait3A_236 = arith.constant 0 : i32
    %dma_wait3A_237 = tpu.memref_slice %arg7[%add3A_227, %dma_wait3A_236] : memref<160000x16xf32, #tpu.memory_space<hbm>> -> memref<125x16xf32, #tpu.memory_space<hbm>>
    %dma_wait3A_238 = arith.constant 0 : i32
    %dma_wait3A_239 = arith.constant 0 : i32
    %dma_wait3A_240 = tpu.memref_slice %arg11[%dma_wait3A_228, %dma_wait3A_229, %dma_wait3A_238, %dma_wait3A_239] : memref<2x4x125x16xf32, #tpu.memory_space<vmem>> -> memref<1x1x125x16xf32, #tpu.memory_space<vmem>>
    %dma_wait3A_241 = tpu.memref_squeeze %dma_wait3A_240 : memref<1x1x125x16xf32, #tpu.memory_space<vmem>> -> memref<125x16xf32, #tpu.memory_space<vmem>>
    tpu.wait_dma2 semaphore(%arg15 : memref<!tpu.dma_semaphore, #tpu.memory_space<semaphore_mem>>) src(%dma_wait3A_241 : memref<125x16xf32, #tpu.memory_space<vmem>>) dst(%dma_wait3A_237 : memref<125x16xf32, #tpu.memory_space<hbm>>)
    return
  }
}

#map = affine_map<(d0, d1) -> (0, 0)>
#map1 = affine_map<(d0, d1) -> (0, 0, 0)>
module attributes {stable_mosaic.version = 14 : i64} {
  func.func @_sc_scatter(%arg0: i32, %arg1: i32, %arg2: memref<160000x32xf32, #tpu.memory_space<hbm>>, %arg3: memref<1280x125xi32, #tpu.memory_space<hbm>>, %arg4: memref<625x32xf32, #tpu.memory_space<hbm>>, %arg5: memref<2x10000x32xf32, #tpu.memory_space<hbm>>, %arg6: memref<40x125xi32, #tpu.memory_space<vmem>>, %arg7: memref<2x125x32xf32, #tpu.memory_space<vmem>>, %arg8: memref<625x32xf32, #tpu.memory_space<vmem>>, %arg9: memref<10000x32xf32, #tpu.memory_space<vmem_shared>>, %arg10: memref<!tpu.dma_semaphore, #tpu.memory_space<semaphore_mem>>, %arg11: memref<!tpu.dma_semaphore, #tpu.memory_space<semaphore_mem>>) attributes {dimension_semantics = [#tpu.dimension_semantics<core_parallel>, #tpu.dimension_semantics<subcore_parallel>], iteration_bounds = array<i64: 2, 16>, scalar_prefetch = 0 : i64, scratch_operands = 6 : i64, tpu.core_type = #tpu.core_type<sc_vector_subcore>, window_params = [{transform_indices = #map}, {transform_indices = #map}, {transform_indices = #map}, {transform_indices = #map1}]} {
    %mul3A = arith.constant 2 : i32
    %mul3A_0 = arith.muli %arg1, %mul3A : i32
    %add3A = arith.addi %mul3A_0, %arg0 : i32
    "tpu.region"() ({
      %run_scoped3A = tpu.sem_alloc : memref<!tpu.dma_semaphore, #tpu.memory_space<semaphore_mem>>
      tpu.enqueue_dma source(%arg4 : memref<625x32xf32, #tpu.memory_space<hbm>>) target(%arg8 : memref<625x32xf32, #tpu.memory_space<vmem>>) target_semaphore(%run_scoped3A : memref<!tpu.dma_semaphore, #tpu.memory_space<semaphore_mem>>)
      tpu.wait_dma2 semaphore(%run_scoped3A : memref<!tpu.dma_semaphore, #tpu.memory_space<semaphore_mem>>) src(%arg4 : memref<625x32xf32, #tpu.memory_space<hbm>>) dst(%arg8 : memref<625x32xf32, #tpu.memory_space<vmem>>)
      tpu.yield
    }) : () -> ()
    %mul3A_1 = arith.constant 625 : i32
    %mul3A_2 = arith.muli %arg1, %mul3A_1 : i32
    "tpu.region"() ({
      %run_scoped3A = tpu.sem_alloc : memref<!tpu.dma_semaphore, #tpu.memory_space<semaphore_mem>>
      %dma_start3A_31 = arith.constant 0 : i32
      %dma_start3A_32 = tpu.memref_slice %arg9[%mul3A_2, %dma_start3A_31] : memref<10000x32xf32, #tpu.memory_space<vmem_shared>> -> memref<625x32xf32, #tpu.memory_space<vmem_shared>>
      %dma_start3A_33 = arith.constant 0 : i32
      %dma_start3A_34 = tpu.memref_slice %arg9[%mul3A_2, %dma_start3A_33] : memref<10000x32xf32, #tpu.memory_space<vmem_shared>> -> memref<625x32xf32, #tpu.memory_space<vmem_shared>>
      tpu.enqueue_dma source(%arg8 : memref<625x32xf32, #tpu.memory_space<vmem>>) target(%dma_start3A_34 : memref<625x32xf32, #tpu.memory_space<vmem_shared>>) target_semaphore(%run_scoped3A : memref<!tpu.dma_semaphore, #tpu.memory_space<semaphore_mem>>)
      %dma_wait3A = arith.constant 0 : i32
      %dma_wait3A_35 = tpu.memref_slice %arg9[%mul3A_2, %dma_wait3A] : memref<10000x32xf32, #tpu.memory_space<vmem_shared>> -> memref<625x32xf32, #tpu.memory_space<vmem_shared>>
      %dma_wait3A_36 = arith.constant 0 : i32
      %dma_wait3A_37 = tpu.memref_slice %arg9[%mul3A_2, %dma_wait3A_36] : memref<10000x32xf32, #tpu.memory_space<vmem_shared>> -> memref<625x32xf32, #tpu.memory_space<vmem_shared>>
      tpu.wait_dma2 semaphore(%run_scoped3A : memref<!tpu.dma_semaphore, #tpu.memory_space<semaphore_mem>>) src(%arg8 : memref<625x32xf32, #tpu.memory_space<vmem>>) dst(%dma_wait3A_37 : memref<625x32xf32, #tpu.memory_space<vmem_shared>>)
      tpu.yield
    }) : () -> ()
    %barrier3A = arith.constant 0 : index
    tpu.barrier barrier_id(%barrier3A)
    %mul3A_3 = arith.constant 40 : i32
    %mul3A_4 = arith.muli %add3A, %mul3A_3 : i32
    "tpu.region"() ({
      %run_scoped3A = tpu.sem_alloc : memref<!tpu.dma_semaphore, #tpu.memory_space<semaphore_mem>>
      %dma_start3A_31 = arith.constant 0 : i32
      %dma_start3A_32 = tpu.memref_slice %arg3[%mul3A_4, %dma_start3A_31] : memref<1280x125xi32, #tpu.memory_space<hbm>> -> memref<40x125xi32, #tpu.memory_space<hbm>>
      %dma_start3A_33 = arith.constant 0 : i32
      %dma_start3A_34 = tpu.memref_slice %arg3[%mul3A_4, %dma_start3A_33] : memref<1280x125xi32, #tpu.memory_space<hbm>> -> memref<40x125xi32, #tpu.memory_space<hbm>>
      tpu.enqueue_dma source(%dma_start3A_34 : memref<40x125xi32, #tpu.memory_space<hbm>>) target(%arg6 : memref<40x125xi32, #tpu.memory_space<vmem>>) target_semaphore(%run_scoped3A : memref<!tpu.dma_semaphore, #tpu.memory_space<semaphore_mem>>)
      %dma_wait3A = arith.constant 0 : i32
      %dma_wait3A_35 = tpu.memref_slice %arg3[%mul3A_4, %dma_wait3A] : memref<1280x125xi32, #tpu.memory_space<hbm>> -> memref<40x125xi32, #tpu.memory_space<hbm>>
      %dma_wait3A_36 = arith.constant 0 : i32
      %dma_wait3A_37 = tpu.memref_slice %arg3[%mul3A_4, %dma_wait3A_36] : memref<1280x125xi32, #tpu.memory_space<hbm>> -> memref<40x125xi32, #tpu.memory_space<hbm>>
      tpu.wait_dma2 semaphore(%run_scoped3A : memref<!tpu.dma_semaphore, #tpu.memory_space<semaphore_mem>>) src(%dma_wait3A_37 : memref<40x125xi32, #tpu.memory_space<hbm>>) dst(%arg6 : memref<40x125xi32, #tpu.memory_space<vmem>>)
      tpu.yield
    }) : () -> ()
    %mul3A_5 = arith.constant 5000 : i32
    %mul3A_6 = arith.muli %add3A, %mul3A_5 : i32
    %add3A_7 = arith.constant 0 : i32
    %add3A_8 = arith.addi %mul3A_6, %add3A_7 : i32
    %dma_start3A = arith.constant 0 : i32
    %dma_start3A_9 = arith.constant 0 : i32
    %dma_start3A_10 = arith.constant 0 : i32
    %dma_start3A_11 = tpu.memref_slice %arg7[%dma_start3A, %dma_start3A_9, %dma_start3A_10] : memref<2x125x32xf32, #tpu.memory_space<vmem>> -> memref<1x125x32xf32, #tpu.memory_space<vmem>>
    %dma_start3A_12 = tpu.memref_squeeze %dma_start3A_11 : memref<1x125x32xf32, #tpu.memory_space<vmem>> -> memref<125x32xf32, #tpu.memory_space<vmem>>
    %dma_start3A_13 = arith.constant 0 : i32
    %dma_start3A_14 = tpu.memref_slice %arg2[%add3A_8, %dma_start3A_13] : memref<160000x32xf32, #tpu.memory_space<hbm>> -> memref<125x32xf32, #tpu.memory_space<hbm>>
    %dma_start3A_15 = arith.constant 0 : i32
    %dma_start3A_16 = arith.constant 0 : i32
    %dma_start3A_17 = tpu.memref_slice %arg7[%dma_start3A, %dma_start3A_15, %dma_start3A_16] : memref<2x125x32xf32, #tpu.memory_space<vmem>> -> memref<1x125x32xf32, #tpu.memory_space<vmem>>
    %dma_start3A_18 = tpu.memref_squeeze %dma_start3A_17 : memref<1x125x32xf32, #tpu.memory_space<vmem>> -> memref<125x32xf32, #tpu.memory_space<vmem>>
    %dma_start3A_19 = arith.constant 0 : i32
    %dma_start3A_20 = tpu.memref_slice %arg2[%add3A_8, %dma_start3A_19] : memref<160000x32xf32, #tpu.memory_space<hbm>> -> memref<125x32xf32, #tpu.memory_space<hbm>>
    tpu.enqueue_dma source(%dma_start3A_20 : memref<125x32xf32, #tpu.memory_space<hbm>>) target(%dma_start3A_18 : memref<125x32xf32, #tpu.memory_space<vmem>>) target_semaphore(%arg10 : memref<!tpu.dma_semaphore, #tpu.memory_space<semaphore_mem>>)
    %scan3A = arith.constant 0 : i32
    %scan3A_21 = arith.constant 0 : i32
    %scan3A_22 = arith.constant 20 : i32
    %scan3A_23 = arith.addi %scan3A_21, %scan3A_22 : i32
    %scan3A_24 = arith.constant 1 : i32
    scf.for %scan3A_31 = %scan3A_21 to %scan3A_23 step %scan3A_24  : i32 {
      %mul3A_32 = arith.constant 2 : i32
      %mul3A_33 = arith.muli %mul3A_32, %scan3A_31 : i32
      %mul3A_34 = arith.constant 2 : i32
      %mul3A_35 = arith.muli %mul3A_34, %scan3A_31 : i32
      %add3A_36 = arith.constant 1 : i32
      %add3A_37 = arith.addi %mul3A_35, %add3A_36 : i32
      %mul3A_38 = arith.constant 125 : i32
      %mul3A_39 = arith.muli %mul3A_33, %mul3A_38 : i32
      %add3A_40 = arith.addi %mul3A_6, %mul3A_39 : i32
      %dma_wait3A = arith.constant 0 : i32
      %dma_wait3A_41 = arith.constant 0 : i32
      %dma_wait3A_42 = arith.constant 0 : i32
      %dma_wait3A_43 = tpu.memref_slice %arg7[%dma_wait3A, %dma_wait3A_41, %dma_wait3A_42] : memref<2x125x32xf32, #tpu.memory_space<vmem>> -> memref<1x125x32xf32, #tpu.memory_space<vmem>>
      %dma_wait3A_44 = tpu.memref_squeeze %dma_wait3A_43 : memref<1x125x32xf32, #tpu.memory_space<vmem>> -> memref<125x32xf32, #tpu.memory_space<vmem>>
      %dma_wait3A_45 = arith.constant 0 : i32
      %dma_wait3A_46 = tpu.memref_slice %arg2[%add3A_40, %dma_wait3A_45] : memref<160000x32xf32, #tpu.memory_space<hbm>> -> memref<125x32xf32, #tpu.memory_space<hbm>>
      %dma_wait3A_47 = arith.constant 0 : i32
      %dma_wait3A_48 = arith.constant 0 : i32
      %dma_wait3A_49 = tpu.memref_slice %arg7[%dma_wait3A, %dma_wait3A_47, %dma_wait3A_48] : memref<2x125x32xf32, #tpu.memory_space<vmem>> -> memref<1x125x32xf32, #tpu.memory_space<vmem>>
      %dma_wait3A_50 = tpu.memref_squeeze %dma_wait3A_49 : memref<1x125x32xf32, #tpu.memory_space<vmem>> -> memref<125x32xf32, #tpu.memory_space<vmem>>
      %dma_wait3A_51 = arith.constant 0 : i32
      %dma_wait3A_52 = tpu.memref_slice %arg2[%add3A_40, %dma_wait3A_51] : memref<160000x32xf32, #tpu.memory_space<hbm>> -> memref<125x32xf32, #tpu.memory_space<hbm>>
      tpu.wait_dma2 semaphore(%arg10 : memref<!tpu.dma_semaphore, #tpu.memory_space<semaphore_mem>>) src(%dma_wait3A_52 : memref<125x32xf32, #tpu.memory_space<hbm>>) dst(%dma_wait3A_50 : memref<125x32xf32, #tpu.memory_space<vmem>>)
      %mul3A_53 = arith.constant 125 : i32
      %mul3A_54 = arith.muli %add3A_37, %mul3A_53 : i32
      %add3A_55 = arith.addi %mul3A_6, %mul3A_54 : i32
      %dma_start3A_56 = arith.constant 1 : i32
      %dma_start3A_57 = arith.constant 0 : i32
      %dma_start3A_58 = arith.constant 0 : i32
      %dma_start3A_59 = tpu.memref_slice %arg7[%dma_start3A_56, %dma_start3A_57, %dma_start3A_58] : memref<2x125x32xf32, #tpu.memory_space<vmem>> -> memref<1x125x32xf32, #tpu.memory_space<vmem>>
      %dma_start3A_60 = tpu.memref_squeeze %dma_start3A_59 : memref<1x125x32xf32, #tpu.memory_space<vmem>> -> memref<125x32xf32, #tpu.memory_space<vmem>>
      %dma_start3A_61 = arith.constant 0 : i32
      %dma_start3A_62 = tpu.memref_slice %arg2[%add3A_55, %dma_start3A_61] : memref<160000x32xf32, #tpu.memory_space<hbm>> -> memref<125x32xf32, #tpu.memory_space<hbm>>
      %dma_start3A_63 = arith.constant 0 : i32
      %dma_start3A_64 = arith.constant 0 : i32
      %dma_start3A_65 = tpu.memref_slice %arg7[%dma_start3A_56, %dma_start3A_63, %dma_start3A_64] : memref<2x125x32xf32, #tpu.memory_space<vmem>> -> memref<1x125x32xf32, #tpu.memory_space<vmem>>
      %dma_start3A_66 = tpu.memref_squeeze %dma_start3A_65 : memref<1x125x32xf32, #tpu.memory_space<vmem>> -> memref<125x32xf32, #tpu.memory_space<vmem>>
      %dma_start3A_67 = arith.constant 0 : i32
      %dma_start3A_68 = tpu.memref_slice %arg2[%add3A_55, %dma_start3A_67] : memref<160000x32xf32, #tpu.memory_space<hbm>> -> memref<125x32xf32, #tpu.memory_space<hbm>>
      tpu.enqueue_dma source(%dma_start3A_68 : memref<125x32xf32, #tpu.memory_space<hbm>>) target(%dma_start3A_66 : memref<125x32xf32, #tpu.memory_space<vmem>>) target_semaphore(%arg11 : memref<!tpu.dma_semaphore, #tpu.memory_space<semaphore_mem>>)
      %run_scoped3A = arith.constant 0 : i32
      "tpu.region"() ({
        %run_scoped3A_90 = tpu.sem_alloc : memref<!tpu.dma_semaphore, #tpu.memory_space<semaphore_mem>>
        %dma_start3A_91 = arith.constant 0 : i32
        %dma_start3A_92 = arith.constant 0 : i32
        %dma_start3A_93 = tpu.memref_slice %arg7[%run_scoped3A, %dma_start3A_91, %dma_start3A_92] : memref<2x125x32xf32, #tpu.memory_space<vmem>> -> memref<1x125x32xf32, #tpu.memory_space<vmem>>
        %dma_start3A_94 = tpu.memref_squeeze %dma_start3A_93 : memref<1x125x32xf32, #tpu.memory_space<vmem>> -> memref<125x32xf32, #tpu.memory_space<vmem>>
        %dma_start3A_95 = arith.constant 0 : i32
        %dma_start3A_96 = tpu.memref_slice %arg6[%mul3A_33, %dma_start3A_95] : memref<40x125xi32, #tpu.memory_space<vmem>> -> memref<1x125xi32, #tpu.memory_space<vmem>>
        %dma_start3A_97 = tpu.memref_squeeze %dma_start3A_96 : memref<1x125xi32, #tpu.memory_space<vmem>> -> memref<125xi32, #tpu.memory_space<vmem>>
        %dma_start3A_98 = arith.constant 0 : i32
        %dma_start3A_99 = arith.constant 0 : i32
        %dma_start3A_100 = tpu.memref_slice %arg9[%dma_start3A_98, %dma_start3A_99] : memref<10000x32xf32, #tpu.memory_space<vmem_shared>> -> memref<10000x32xf32, #tpu.memory_space<vmem_shared>>
        tpu.enqueue_indirect_dma source(%dma_start3A_94 : memref<125x32xf32, #tpu.memory_space<vmem>>) target(%dma_start3A_100 : memref<10000x32xf32, #tpu.memory_space<vmem_shared>>) offsets(%dma_start3A_97 : memref<125xi32, #tpu.memory_space<vmem>>) semaphore(%run_scoped3A_90 : memref<!tpu.dma_semaphore, #tpu.memory_space<semaphore_mem>>) {add = true}
        %dma_wait3A_101 = arith.constant 0 : i32
        %dma_wait3A_102 = arith.constant 0 : i32
        %dma_wait3A_103 = tpu.memref_slice %arg7[%run_scoped3A, %dma_wait3A_101, %dma_wait3A_102] : memref<2x125x32xf32, #tpu.memory_space<vmem>> -> memref<1x125x32xf32, #tpu.memory_space<vmem>>
        %dma_wait3A_104 = tpu.memref_squeeze %dma_wait3A_103 : memref<1x125x32xf32, #tpu.memory_space<vmem>> -> memref<125x32xf32, #tpu.memory_space<vmem>>
        %dma_wait3A_105 = arith.constant 0 : i32
        %dma_wait3A_106 = tpu.memref_slice %arg6[%mul3A_33, %dma_wait3A_105] : memref<40x125xi32, #tpu.memory_space<vmem>> -> memref<1x125xi32, #tpu.memory_space<vmem>>
        %dma_wait3A_107 = tpu.memref_squeeze %dma_wait3A_106 : memref<1x125xi32, #tpu.memory_space<vmem>> -> memref<125xi32, #tpu.memory_space<vmem>>
        %dma_wait3A_108 = arith.constant 0 : i32
        %dma_wait3A_109 = arith.constant 0 : i32
        %dma_wait3A_110 = tpu.memref_slice %arg9[%dma_wait3A_108, %dma_wait3A_109] : memref<10000x32xf32, #tpu.memory_space<vmem_shared>> -> memref<10000x32xf32, #tpu.memory_space<vmem_shared>>
        tpu.wait_indirect_dma semaphore(%run_scoped3A_90 : memref<!tpu.dma_semaphore, #tpu.memory_space<semaphore_mem>>) src(%dma_wait3A_104 : memref<125x32xf32, #tpu.memory_space<vmem>>) dst(%dma_wait3A_110 : memref<10000x32xf32, #tpu.memory_space<vmem_shared>>)
        tpu.yield
      }) : () -> ()
      %mul3A_69 = arith.constant 125 : i32
      %mul3A_70 = arith.muli %add3A_37, %mul3A_69 : i32
      %add3A_71 = arith.addi %mul3A_6, %mul3A_70 : i32
      %dma_wait3A_72 = arith.constant 1 : i32
      %dma_wait3A_73 = arith.constant 0 : i32
      %dma_wait3A_74 = arith.constant 0 : i32
      %dma_wait3A_75 = tpu.memref_slice %arg7[%dma_wait3A_72, %dma_wait3A_73, %dma_wait3A_74] : memref<2x125x32xf32, #tpu.memory_space<vmem>> -> memref<1x125x32xf32, #tpu.memory_space<vmem>>
      %dma_wait3A_76 = tpu.memref_squeeze %dma_wait3A_75 : memref<1x125x32xf32, #tpu.memory_space<vmem>> -> memref<125x32xf32, #tpu.memory_space<vmem>>
      %dma_wait3A_77 = arith.constant 0 : i32
      %dma_wait3A_78 = tpu.memref_slice %arg2[%add3A_71, %dma_wait3A_77] : memref<160000x32xf32, #tpu.memory_space<hbm>> -> memref<125x32xf32, #tpu.memory_space<hbm>>
      %dma_wait3A_79 = arith.constant 0 : i32
      %dma_wait3A_80 = arith.constant 0 : i32
      %dma_wait3A_81 = tpu.memref_slice %arg7[%dma_wait3A_72, %dma_wait3A_79, %dma_wait3A_80] : memref<2x125x32xf32, #tpu.memory_space<vmem>> -> memref<1x125x32xf32, #tpu.memory_space<vmem>>
      %dma_wait3A_82 = tpu.memref_squeeze %dma_wait3A_81 : memref<1x125x32xf32, #tpu.memory_space<vmem>> -> memref<125x32xf32, #tpu.memory_space<vmem>>
      %dma_wait3A_83 = arith.constant 0 : i32
      %dma_wait3A_84 = tpu.memref_slice %arg2[%add3A_71, %dma_wait3A_83] : memref<160000x32xf32, #tpu.memory_space<hbm>> -> memref<125x32xf32, #tpu.memory_space<hbm>>
      tpu.wait_dma2 semaphore(%arg11 : memref<!tpu.dma_semaphore, #tpu.memory_space<semaphore_mem>>) src(%dma_wait3A_84 : memref<125x32xf32, #tpu.memory_space<hbm>>) dst(%dma_wait3A_82 : memref<125x32xf32, #tpu.memory_space<vmem>>)
      %add3A_85 = arith.constant 1 : i32
      %add3A_86 = arith.addi %scan3A_31, %add3A_85 : i32
      %lt3A = arith.constant 20 : i32
      %lt3A_87 = arith.cmpi slt, %add3A_86, %lt3A : i32
      %convert_element_type3A = arith.extui %lt3A_87 : i1 to i32
      %cond3A = arith.constant 0 : i32
      %cond3A_88 = arith.cmpi ne, %convert_element_type3A, %cond3A : i32
      scf.if %cond3A_88 {
        %add3A_90 = arith.constant 2 : i32
        %add3A_91 = arith.addi %mul3A_33, %add3A_90 : i32
        %mul3A_92 = arith.constant 125 : i32
        %mul3A_93 = arith.muli %add3A_91, %mul3A_92 : i32
        %add3A_94 = arith.addi %mul3A_6, %mul3A_93 : i32
        %dma_start3A_95 = arith.constant 0 : i32
        %dma_start3A_96 = arith.constant 0 : i32
        %dma_start3A_97 = arith.constant 0 : i32
        %dma_start3A_98 = tpu.memref_slice %arg7[%dma_start3A_95, %dma_start3A_96, %dma_start3A_97] : memref<2x125x32xf32, #tpu.memory_space<vmem>> -> memref<1x125x32xf32, #tpu.memory_space<vmem>>
        %dma_start3A_99 = tpu.memref_squeeze %dma_start3A_98 : memref<1x125x32xf32, #tpu.memory_space<vmem>> -> memref<125x32xf32, #tpu.memory_space<vmem>>
        %dma_start3A_100 = arith.constant 0 : i32
        %dma_start3A_101 = tpu.memref_slice %arg2[%add3A_94, %dma_start3A_100] : memref<160000x32xf32, #tpu.memory_space<hbm>> -> memref<125x32xf32, #tpu.memory_space<hbm>>
        %dma_start3A_102 = arith.constant 0 : i32
        %dma_start3A_103 = arith.constant 0 : i32
        %dma_start3A_104 = tpu.memref_slice %arg7[%dma_start3A_95, %dma_start3A_102, %dma_start3A_103] : memref<2x125x32xf32, #tpu.memory_space<vmem>> -> memref<1x125x32xf32, #tpu.memory_space<vmem>>
        %dma_start3A_105 = tpu.memref_squeeze %dma_start3A_104 : memref<1x125x32xf32, #tpu.memory_space<vmem>> -> memref<125x32xf32, #tpu.memory_space<vmem>>
        %dma_start3A_106 = arith.constant 0 : i32
        %dma_start3A_107 = tpu.memref_slice %arg2[%add3A_94, %dma_start3A_106] : memref<160000x32xf32, #tpu.memory_space<hbm>> -> memref<125x32xf32, #tpu.memory_space<hbm>>
        tpu.enqueue_dma source(%dma_start3A_107 : memref<125x32xf32, #tpu.memory_space<hbm>>) target(%dma_start3A_105 : memref<125x32xf32, #tpu.memory_space<vmem>>) target_semaphore(%arg10 : memref<!tpu.dma_semaphore, #tpu.memory_space<semaphore_mem>>)
      } else {
      }
      %run_scoped3A_89 = arith.constant 1 : i32
      "tpu.region"() ({
        %run_scoped3A_90 = tpu.sem_alloc : memref<!tpu.dma_semaphore, #tpu.memory_space<semaphore_mem>>
        %dma_start3A_91 = arith.constant 0 : i32
        %dma_start3A_92 = arith.constant 0 : i32
        %dma_start3A_93 = tpu.memref_slice %arg7[%run_scoped3A_89, %dma_start3A_91, %dma_start3A_92] : memref<2x125x32xf32, #tpu.memory_space<vmem>> -> memref<1x125x32xf32, #tpu.memory_space<vmem>>
        %dma_start3A_94 = tpu.memref_squeeze %dma_start3A_93 : memref<1x125x32xf32, #tpu.memory_space<vmem>> -> memref<125x32xf32, #tpu.memory_space<vmem>>
        %dma_start3A_95 = arith.constant 0 : i32
        %dma_start3A_96 = tpu.memref_slice %arg6[%add3A_37, %dma_start3A_95] : memref<40x125xi32, #tpu.memory_space<vmem>> -> memref<1x125xi32, #tpu.memory_space<vmem>>
        %dma_start3A_97 = tpu.memref_squeeze %dma_start3A_96 : memref<1x125xi32, #tpu.memory_space<vmem>> -> memref<125xi32, #tpu.memory_space<vmem>>
        %dma_start3A_98 = arith.constant 0 : i32
        %dma_start3A_99 = arith.constant 0 : i32
        %dma_start3A_100 = tpu.memref_slice %arg9[%dma_start3A_98, %dma_start3A_99] : memref<10000x32xf32, #tpu.memory_space<vmem_shared>> -> memref<10000x32xf32, #tpu.memory_space<vmem_shared>>
        tpu.enqueue_indirect_dma source(%dma_start3A_94 : memref<125x32xf32, #tpu.memory_space<vmem>>) target(%dma_start3A_100 : memref<10000x32xf32, #tpu.memory_space<vmem_shared>>) offsets(%dma_start3A_97 : memref<125xi32, #tpu.memory_space<vmem>>) semaphore(%run_scoped3A_90 : memref<!tpu.dma_semaphore, #tpu.memory_space<semaphore_mem>>) {add = true}
        %dma_wait3A_101 = arith.constant 0 : i32
        %dma_wait3A_102 = arith.constant 0 : i32
        %dma_wait3A_103 = tpu.memref_slice %arg7[%run_scoped3A_89, %dma_wait3A_101, %dma_wait3A_102] : memref<2x125x32xf32, #tpu.memory_space<vmem>> -> memref<1x125x32xf32, #tpu.memory_space<vmem>>
        %dma_wait3A_104 = tpu.memref_squeeze %dma_wait3A_103 : memref<1x125x32xf32, #tpu.memory_space<vmem>> -> memref<125x32xf32, #tpu.memory_space<vmem>>
        %dma_wait3A_105 = arith.constant 0 : i32
        %dma_wait3A_106 = tpu.memref_slice %arg6[%add3A_37, %dma_wait3A_105] : memref<40x125xi32, #tpu.memory_space<vmem>> -> memref<1x125xi32, #tpu.memory_space<vmem>>
        %dma_wait3A_107 = tpu.memref_squeeze %dma_wait3A_106 : memref<1x125xi32, #tpu.memory_space<vmem>> -> memref<125xi32, #tpu.memory_space<vmem>>
        %dma_wait3A_108 = arith.constant 0 : i32
        %dma_wait3A_109 = arith.constant 0 : i32
        %dma_wait3A_110 = tpu.memref_slice %arg9[%dma_wait3A_108, %dma_wait3A_109] : memref<10000x32xf32, #tpu.memory_space<vmem_shared>> -> memref<10000x32xf32, #tpu.memory_space<vmem_shared>>
        tpu.wait_indirect_dma semaphore(%run_scoped3A_90 : memref<!tpu.dma_semaphore, #tpu.memory_space<semaphore_mem>>) src(%dma_wait3A_104 : memref<125x32xf32, #tpu.memory_space<vmem>>) dst(%dma_wait3A_110 : memref<10000x32xf32, #tpu.memory_space<vmem_shared>>)
        tpu.yield
      }) : () -> ()
    }
    %scan3A_25 = arith.constant 20 : i32
    %barrier3A_26 = arith.constant 0 : index
    tpu.barrier barrier_id(%barrier3A_26)
    %mul3A_27 = arith.constant 625 : i32
    %mul3A_28 = arith.muli %arg1, %mul3A_27 : i32
    "tpu.region"() ({
      %run_scoped3A = tpu.sem_alloc : memref<!tpu.dma_semaphore, #tpu.memory_space<semaphore_mem>>
      %dma_start3A_31 = arith.constant 0 : i32
      %dma_start3A_32 = tpu.memref_slice %arg9[%mul3A_28, %dma_start3A_31] : memref<10000x32xf32, #tpu.memory_space<vmem_shared>> -> memref<625x32xf32, #tpu.memory_space<vmem_shared>>
      %dma_start3A_33 = arith.constant 0 : i32
      %dma_start3A_34 = tpu.memref_slice %arg9[%mul3A_28, %dma_start3A_33] : memref<10000x32xf32, #tpu.memory_space<vmem_shared>> -> memref<625x32xf32, #tpu.memory_space<vmem_shared>>
      tpu.enqueue_dma source(%dma_start3A_34 : memref<625x32xf32, #tpu.memory_space<vmem_shared>>) target(%arg8 : memref<625x32xf32, #tpu.memory_space<vmem>>) target_semaphore(%run_scoped3A : memref<!tpu.dma_semaphore, #tpu.memory_space<semaphore_mem>>)
      %dma_wait3A = arith.constant 0 : i32
      %dma_wait3A_35 = tpu.memref_slice %arg9[%mul3A_28, %dma_wait3A] : memref<10000x32xf32, #tpu.memory_space<vmem_shared>> -> memref<625x32xf32, #tpu.memory_space<vmem_shared>>
      %dma_wait3A_36 = arith.constant 0 : i32
      %dma_wait3A_37 = tpu.memref_slice %arg9[%mul3A_28, %dma_wait3A_36] : memref<10000x32xf32, #tpu.memory_space<vmem_shared>> -> memref<625x32xf32, #tpu.memory_space<vmem_shared>>
      tpu.wait_dma2 semaphore(%run_scoped3A : memref<!tpu.dma_semaphore, #tpu.memory_space<semaphore_mem>>) src(%dma_wait3A_37 : memref<625x32xf32, #tpu.memory_space<vmem_shared>>) dst(%arg8 : memref<625x32xf32, #tpu.memory_space<vmem>>)
      tpu.yield
    }) : () -> ()
    %mul3A_29 = arith.constant 625 : i32
    %mul3A_30 = arith.muli %arg1, %mul3A_29 : i32
    "tpu.region"() ({
      %run_scoped3A = tpu.sem_alloc : memref<!tpu.dma_semaphore, #tpu.memory_space<semaphore_mem>>
      %dma_start3A_31 = arith.constant 0 : i32
      %dma_start3A_32 = tpu.memref_slice %arg5[%arg0, %mul3A_30, %dma_start3A_31] : memref<2x10000x32xf32, #tpu.memory_space<hbm>> -> memref<1x625x32xf32, #tpu.memory_space<hbm>>
      %dma_start3A_33 = tpu.memref_squeeze %dma_start3A_32 : memref<1x625x32xf32, #tpu.memory_space<hbm>> -> memref<625x32xf32, #tpu.memory_space<hbm>>
      %dma_start3A_34 = arith.constant 0 : i32
      %dma_start3A_35 = tpu.memref_slice %arg5[%arg0, %mul3A_30, %dma_start3A_34] : memref<2x10000x32xf32, #tpu.memory_space<hbm>> -> memref<1x625x32xf32, #tpu.memory_space<hbm>>
      %dma_start3A_36 = tpu.memref_squeeze %dma_start3A_35 : memref<1x625x32xf32, #tpu.memory_space<hbm>> -> memref<625x32xf32, #tpu.memory_space<hbm>>
      tpu.enqueue_dma source(%arg8 : memref<625x32xf32, #tpu.memory_space<vmem>>) target(%dma_start3A_36 : memref<625x32xf32, #tpu.memory_space<hbm>>) target_semaphore(%run_scoped3A : memref<!tpu.dma_semaphore, #tpu.memory_space<semaphore_mem>>)
      %dma_wait3A = arith.constant 0 : i32
      %dma_wait3A_37 = tpu.memref_slice %arg5[%arg0, %mul3A_30, %dma_wait3A] : memref<2x10000x32xf32, #tpu.memory_space<hbm>> -> memref<1x625x32xf32, #tpu.memory_space<hbm>>
      %dma_wait3A_38 = tpu.memref_squeeze %dma_wait3A_37 : memref<1x625x32xf32, #tpu.memory_space<hbm>> -> memref<625x32xf32, #tpu.memory_space<hbm>>
      %dma_wait3A_39 = arith.constant 0 : i32
      %dma_wait3A_40 = tpu.memref_slice %arg5[%arg0, %mul3A_30, %dma_wait3A_39] : memref<2x10000x32xf32, #tpu.memory_space<hbm>> -> memref<1x625x32xf32, #tpu.memory_space<hbm>>
      %dma_wait3A_41 = tpu.memref_squeeze %dma_wait3A_40 : memref<1x625x32xf32, #tpu.memory_space<hbm>> -> memref<625x32xf32, #tpu.memory_space<hbm>>
      tpu.wait_dma2 semaphore(%run_scoped3A : memref<!tpu.dma_semaphore, #tpu.memory_space<semaphore_mem>>) src(%arg8 : memref<625x32xf32, #tpu.memory_space<vmem>>) dst(%dma_wait3A_41 : memref<625x32xf32, #tpu.memory_space<hbm>>)
      tpu.yield
    }) : () -> ()
    return
  }
}

module attributes {stable_mosaic.version = 14 : i64} {
  func.func @_node_proj_body(%arg0: memref<10000x32xf32, #tpu.memory_space<vmem>>, %arg1: memref<32x16xf32, #tpu.memory_space<vmem>>, %arg2: memref<10000x16xf32, #tpu.memory_space<vmem>>) attributes {dimension_semantics = [], scalar_prefetch = 0 : i64, scratch_operands = 0 : i64, tpu.core_type = #tpu.core_type<tc>} {
    %get3A = arith.constant 0 : index
    %get3A_0 = arith.constant 0 : index
    %get3A_1 = vector.load %arg0[%get3A, %get3A_0] : memref<10000x32xf32, #tpu.memory_space<vmem>>, vector<10000x32xf32>
    %get3A_2 = arith.constant 0 : index
    %get3A_3 = arith.constant 0 : index
    %get3A_4 = vector.load %arg1[%get3A_2, %get3A_3] : memref<32x16xf32, #tpu.memory_space<vmem>>, vector<32x16xf32>
    %dot_general3A = arith.constant dense<0.000000e+00> : vector<10000x16xf32>
    %dot_general3A_5 = tpu.matmul %get3A_1, %get3A_4, %dot_general3A {dimension_numbers = #tpu.dot_dimension_numbers<[1], [0], [0], [1], [0, 0, 1, 1], [], []>, transpose_lhs_hint = false} : vector<10000x32xf32>, vector<32x16xf32>, vector<10000x16xf32> -> vector<10000x16xf32>
    %swap3A = arith.constant 0 : index
    %swap3A_6 = arith.constant 0 : index
    %swap3A_7 = vector.load %arg2[%swap3A, %swap3A_6] : memref<10000x16xf32, #tpu.memory_space<vmem>>, vector<10000x16xf32>
    tpu.vector_store %arg2[%swap3A, %swap3A_6], %dot_general3A_5 {strides = array<i32>} : memref<10000x16xf32, #tpu.memory_space<vmem>>, vector<10000x16xf32>,
    return
  }
}

module attributes {stable_mosaic.version = 14 : i64} {
  func.func @_edge_body(%arg0: i32, %arg1: memref<800x128xf32, #tpu.memory_space<vmem>>, %arg2: memref<400x128xf32, #tpu.memory_space<vmem>>, %arg3: memref<16x3200xf32, #tpu.memory_space<vmem>>, %arg4: memref<1x3200xf32, #tpu.memory_space<vmem>>, %arg5: memref<16x32xbf16, #tpu.memory_space<vmem>>, %arg6: memref<32x512xbf16, #tpu.memory_space<vmem>>, %arg7: memref<16x32xbf16, #tpu.memory_space<vmem>>, %arg8: memref<32x512xbf16, #tpu.memory_space<vmem>>, %arg9: memref<512x16xbf16, #tpu.memory_space<vmem>>, %arg10: memref<1x1xf32, #tpu.memory_space<vmem>>, %arg11: memref<800x128xf32, #tpu.memory_space<vmem>>) attributes {dimension_semantics = [#tpu.dimension_semantics<arbitrary>], iteration_bounds = array<i64: 50>, scalar_prefetch = 0 : i64, scratch_operands = 0 : i64, tpu.core_type = #tpu.core_type<tc>, window_params = [{transform_indices = @transform_0, window_bounds = array<i64: 800, 128>}, {transform_indices = @transform_1, window_bounds = array<i64: 400, 128>}, {transform_indices = @transform_2, window_bounds = array<i64: 16, 3200>}, {transform_indices = @transform_3, window_bounds = array<i64: 1, 3200>}, {pipeline_mode = #tpu.pipeline_mode<synchronous>, transform_indices = @transform_4, window_bounds = array<i64: 16, 32>}, {pipeline_mode = #tpu.pipeline_mode<synchronous>, transform_indices = @transform_5, window_bounds = array<i64: 32, 512>}, {pipeline_mode = #tpu.pipeline_mode<synchronous>, transform_indices = @transform_6, window_bounds = array<i64: 16, 32>}, {pipeline_mode = #tpu.pipeline_mode<synchronous>, transform_indices = @transform_7, window_bounds = array<i64: 32, 512>}, {pipeline_mode = #tpu.pipeline_mode<synchronous>, transform_indices = @transform_8, window_bounds = array<i64: 512, 16>}, {pipeline_mode = #tpu.pipeline_mode<synchronous>, transform_indices = @transform_9, window_bounds = array<i64: 1, 1>}, {transform_indices = @transform_10, window_bounds = array<i64: 800, 128>}]} {
    %get3A = arith.constant 0 : index
    %get3A_0 = arith.constant 0 : index
    %get3A_1 = vector.load %arg1[%get3A, %get3A_0] : memref<800x128xf32, #tpu.memory_space<vmem>>, vector<800x128xf32>
    %slice3A = vector.extract_strided_slice %get3A_1 {offsets = [0, 0], sizes = [800, 32], strides = [1, 1]} : vector<800x128xf32> to vector<800x32xf32>
    %slice3A_2 = vector.extract_strided_slice %get3A_1 {offsets = [0, 32], sizes = [800, 32], strides = [1, 1]} : vector<800x128xf32> to vector<800x32xf32>
    %slice3A_3 = vector.extract_strided_slice %get3A_1 {offsets = [0, 64], sizes = [800, 32], strides = [1, 1]} : vector<800x128xf32> to vector<800x32xf32>
    %slice3A_4 = vector.extract_strided_slice %get3A_1 {offsets = [0, 96], sizes = [800, 32], strides = [1, 1]} : vector<800x128xf32> to vector<800x32xf32>
    %concatenate3A = tpu.concatenate %slice3A, %slice3A_2, %slice3A_3, %slice3A_4 in 0 : vector<800x32xf32>, vector<800x32xf32>, vector<800x32xf32>, vector<800x32xf32> -> vector<3200x32xf32>
    %get3A_5 = arith.constant 0 : index
    %get3A_6 = arith.constant 0 : index
    %get3A_7 = vector.load %arg2[%get3A_5, %get3A_6] : memref<400x128xf32, #tpu.memory_space<vmem>>, vector<400x128xf32>
    %slice3A_8 = vector.extract_strided_slice %get3A_7 {offsets = [0, 0], sizes = [400, 16], strides = [1, 1]} : vector<400x128xf32> to vector<400x16xf32>
    %slice3A_9 = vector.extract_strided_slice %get3A_7 {offsets = [0, 16], sizes = [400, 16], strides = [1, 1]} : vector<400x128xf32> to vector<400x16xf32>
    %slice3A_10 = vector.extract_strided_slice %get3A_7 {offsets = [0, 32], sizes = [400, 16], strides = [1, 1]} : vector<400x128xf32> to vector<400x16xf32>
    %slice3A_11 = vector.extract_strided_slice %get3A_7 {offsets = [0, 48], sizes = [400, 16], strides = [1, 1]} : vector<400x128xf32> to vector<400x16xf32>
    %slice3A_12 = vector.extract_strided_slice %get3A_7 {offsets = [0, 64], sizes = [400, 16], strides = [1, 1]} : vector<400x128xf32> to vector<400x16xf32>
    %slice3A_13 = vector.extract_strided_slice %get3A_7 {offsets = [0, 80], sizes = [400, 16], strides = [1, 1]} : vector<400x128xf32> to vector<400x16xf32>
    %slice3A_14 = vector.extract_strided_slice %get3A_7 {offsets = [0, 96], sizes = [400, 16], strides = [1, 1]} : vector<400x128xf32> to vector<400x16xf32>
    %slice3A_15 = vector.extract_strided_slice %get3A_7 {offsets = [0, 112], sizes = [400, 16], strides = [1, 1]} : vector<400x128xf32> to vector<400x16xf32>
    %concatenate3A_16 = tpu.concatenate %slice3A_8, %slice3A_9, %slice3A_10, %slice3A_11, %slice3A_12, %slice3A_13, %slice3A_14, %slice3A_15 in 0 : vector<400x16xf32>, vector<400x16xf32>, vector<400x16xf32>, vector<400x16xf32>, vector<400x16xf32>, vector<400x16xf32>, vector<400x16xf32>, vector<400x16xf32> -> vector<3200x16xf32>
    %get3A_17 = arith.constant 0 : index
    %get3A_18 = arith.constant 0 : index
    %get3A_19 = vector.load %arg4[%get3A_17, %get3A_18] : memref<1x3200xf32, #tpu.memory_space<vmem>>, vector<1x3200xf32>
    %get3A_20 = arith.constant 0 : index
    %get3A_21 = arith.constant 0 : index
    %get3A_22 = vector.load %arg10[%get3A_20, %get3A_21] : memref<1x1xf32, #tpu.memory_space<vmem>>, vector<1x1xf32>
    %dot_general3A = arith.constant dense<0.000000e+00> : vector<3200x1xf32>
    %dot_general3A_23 = tpu.matmul %get3A_19, %get3A_22, %dot_general3A {dimension_numbers = #tpu.dot_dimension_numbers<[0], [0], [1], [1], [0, 1, 1, 1], [], []>, transpose_lhs_hint = false} : vector<1x3200xf32>, vector<1x1xf32>, vector<3200x1xf32> -> vector<3200x1xf32>
    %mul3A = vector.broadcast %dot_general3A_23 : vector<3200x1xf32> to vector<3200x32xf32>
    %mul3A_24 = arith.mulf %concatenate3A, %mul3A : vector<3200x32xf32>
    %convert_element_type3A = arith.truncf %mul3A_24 : vector<3200x32xf32> to vector<3200x32xbf16>
    %tile3A = tpu.concatenate %convert_element_type3A, %convert_element_type3A, %convert_element_type3A, %convert_element_type3A, %convert_element_type3A, %convert_element_type3A, %convert_element_type3A, %convert_element_type3A, %convert_element_type3A, %convert_element_type3A, %convert_element_type3A, %convert_element_type3A, %convert_element_type3A, %convert_element_type3A, %convert_element_type3A, %convert_element_type3A in 1 : vector<3200x32xbf16>, vector<3200x32xbf16>, vector<3200x32xbf16>, vector<3200x32xbf16>, vector<3200x32xbf16>, vector<3200x32xbf16>, vector<3200x32xbf16>, vector<3200x32xbf16>, vector<3200x32xbf16>, vector<3200x32xbf16>, vector<3200x32xbf16>, vector<3200x32xbf16>, vector<3200x32xbf16>, vector<3200x32xbf16>, vector<3200x32xbf16>, vector<3200x32xbf16> -> vector<3200x512xbf16>
    %get3A_25 = arith.constant 0 : index
    %get3A_26 = arith.constant 0 : index
    %get3A_27 = vector.load %arg3[%get3A_25, %get3A_26] : memref<16x3200xf32, #tpu.memory_space<vmem>>, vector<16x3200xf32>
    %convert_element_type3A_28 = arith.truncf %get3A_27 : vector<16x3200xf32> to vector<16x3200xbf16>
    %get3A_29 = arith.constant 0 : index
    %get3A_30 = arith.constant 0 : index
    %get3A_31 = vector.load %arg9[%get3A_29, %get3A_30] : memref<512x16xbf16, #tpu.memory_space<vmem>>, vector<512x16xbf16>
    %get3A_32 = arith.constant 0 : index
    %get3A_33 = arith.constant 0 : index
    %get3A_34 = vector.load %arg5[%get3A_32, %get3A_33] : memref<16x32xbf16, #tpu.memory_space<vmem>>, vector<16x32xbf16>
    %dot_general3A_35 = arith.constant dense<0.000000e+00> : vector<3200x32xf32>
    %dot_general3A_36 = tpu.matmul %convert_element_type3A_28, %get3A_34, %dot_general3A_35 {dimension_numbers = #tpu.dot_dimension_numbers<[0], [0], [1], [1], [0, 1, 1, 1], [], []>, transpose_lhs_hint = false} : vector<16x3200xbf16>, vector<16x32xbf16>, vector<3200x32xf32> -> vector<3200x32xf32>
    %mul3A_37 = arith.constant 2.500000e-01 : f32
    %mul3A_38 = vector.broadcast %mul3A_37 : f32 to vector<3200x32xf32>
    %mul3A_39 = arith.mulf %dot_general3A_36, %mul3A_38 : vector<3200x32xf32>
    %logistic3A = arith.negf %mul3A_39 : vector<3200x32xf32>
    %logistic3A_40 = math.exp %logistic3A : vector<3200x32xf32>
    %logistic3A_41 = arith.constant 1.000000e+00 : f32
    %logistic3A_42 = vector.broadcast %logistic3A_41 : f32 to vector<3200x32xf32>
    %logistic3A_43 = arith.addf %logistic3A_42, %logistic3A_40 : vector<3200x32xf32>
    %logistic3A_44 = arith.divf %logistic3A_42, %logistic3A_43 : vector<3200x32xf32>
    %mul3A_45 = arith.mulf %mul3A_39, %logistic3A_44 : vector<3200x32xf32>
    %convert_element_type3A_46 = arith.truncf %mul3A_45 : vector<3200x32xf32> to vector<3200x32xbf16>
    %get3A_47 = arith.constant 0 : index
    %get3A_48 = arith.constant 0 : index
    %get3A_49 = vector.load %arg6[%get3A_47, %get3A_48] : memref<32x512xbf16, #tpu.memory_space<vmem>>, vector<32x512xbf16>
    %dot_general3A_50 = arith.constant dense<0.000000e+00> : vector<3200x512xf32>
    %dot_general3A_51 = tpu.matmul %convert_element_type3A_46, %get3A_49, %dot_general3A_50 {dimension_numbers = #tpu.dot_dimension_numbers<[1], [0], [0], [1], [0, 0, 1, 1], [], []>, transpose_lhs_hint = false} : vector<3200x32xbf16>, vector<32x512xbf16>, vector<3200x512xf32> -> vector<3200x512xf32>
    %convert_element_type3A_52 = arith.truncf %dot_general3A_51 : vector<3200x512xf32> to vector<3200x512xbf16>
    %mul3A_53 = arith.mulf %tile3A, %convert_element_type3A_52 : vector<3200x512xbf16>
    %dot_general3A_54 = arith.constant dense<0.000000e+00> : vector<3200x16xf32>
    %dot_general3A_55 = tpu.matmul %mul3A_53, %get3A_31, %dot_general3A_54 {dimension_numbers = #tpu.dot_dimension_numbers<[1], [0], [0], [1], [0, 0, 1, 1], [], []>, transpose_lhs_hint = false} : vector<3200x512xbf16>, vector<512x16xbf16>, vector<3200x16xf32> -> vector<3200x16xf32>
    %mul3A_56 = arith.constant 3.125000e-02 : f32
    %mul3A_57 = vector.broadcast %mul3A_56 : f32 to vector<3200x16xf32>
    %mul3A_58 = arith.mulf %dot_general3A_55, %mul3A_57 : vector<3200x16xf32>
    %get3A_59 = arith.constant 0 : index
    %get3A_60 = arith.constant 0 : index
    %get3A_61 = vector.load %arg7[%get3A_59, %get3A_60] : memref<16x32xbf16, #tpu.memory_space<vmem>>, vector<16x32xbf16>
    %dot_general3A_62 = arith.constant dense<0.000000e+00> : vector<3200x32xf32>
    %dot_general3A_63 = tpu.matmul %convert_element_type3A_28, %get3A_61, %dot_general3A_62 {dimension_numbers = #tpu.dot_dimension_numbers<[0], [0], [1], [1], [0, 1, 1, 1], [], []>, transpose_lhs_hint = false} : vector<16x3200xbf16>, vector<16x32xbf16>, vector<3200x32xf32> -> vector<3200x32xf32>
    %mul3A_64 = arith.constant 2.500000e-01 : f32
    %mul3A_65 = vector.broadcast %mul3A_64 : f32 to vector<3200x32xf32>
    %mul3A_66 = arith.mulf %dot_general3A_63, %mul3A_65 : vector<3200x32xf32>
    %logistic3A_67 = arith.negf %mul3A_66 : vector<3200x32xf32>
    %logistic3A_68 = math.exp %logistic3A_67 : vector<3200x32xf32>
    %logistic3A_69 = arith.constant 1.000000e+00 : f32
    %logistic3A_70 = vector.broadcast %logistic3A_69 : f32 to vector<3200x32xf32>
    %logistic3A_71 = arith.addf %logistic3A_70, %logistic3A_68 : vector<3200x32xf32>
    %logistic3A_72 = arith.divf %logistic3A_70, %logistic3A_71 : vector<3200x32xf32>
    %mul3A_73 = arith.mulf %mul3A_66, %logistic3A_72 : vector<3200x32xf32>
    %convert_element_type3A_74 = arith.truncf %mul3A_73 : vector<3200x32xf32> to vector<3200x32xbf16>
    %get3A_75 = arith.constant 0 : index
    %get3A_76 = arith.constant 0 : index
    %get3A_77 = vector.load %arg8[%get3A_75, %get3A_76] : memref<32x512xbf16, #tpu.memory_space<vmem>>, vector<32x512xbf16>
    %dot_general3A_78 = arith.constant dense<0.000000e+00> : vector<3200x512xf32>
    %dot_general3A_79 = tpu.matmul %convert_element_type3A_74, %get3A_77, %dot_general3A_78 {dimension_numbers = #tpu.dot_dimension_numbers<[1], [0], [0], [1], [0, 0, 1, 1], [], []>, transpose_lhs_hint = false} : vector<3200x32xbf16>, vector<32x512xbf16>, vector<3200x512xf32> -> vector<3200x512xf32>
    %convert_element_type3A_80 = arith.truncf %dot_general3A_79 : vector<3200x512xf32> to vector<3200x512xbf16>
    %mul3A_81 = arith.mulf %tile3A, %convert_element_type3A_80 : vector<3200x512xbf16>
    %dot_general3A_82 = arith.constant dense<0.000000e+00> : vector<3200x16xf32>
    %dot_general3A_83 = tpu.matmul %mul3A_81, %get3A_31, %dot_general3A_82 {dimension_numbers = #tpu.dot_dimension_numbers<[1], [0], [0], [1], [0, 0, 1, 1], [], []>, transpose_lhs_hint = false} : vector<3200x512xbf16>, vector<512x16xbf16>, vector<3200x16xf32> -> vector<3200x16xf32>
    %mul3A_84 = arith.constant 3.125000e-02 : f32
    %mul3A_85 = vector.broadcast %mul3A_84 : f32 to vector<3200x16xf32>
    %mul3A_86 = arith.mulf %dot_general3A_83, %mul3A_85 : vector<3200x16xf32>
    %mul3A_87 = arith.mulf %concatenate3A_16, %mul3A_58 : vector<3200x16xf32>
    %reduce_sum3A = arith.constant dense<0.000000e+00> : vector<3200xf32>
    %reduce_sum3A_88 = vector.multi_reduction <add>, %mul3A_87, %reduce_sum3A [1] : vector<3200x16xf32> to vector<3200xf32>
    %broadcast_in_dim3A = vector.shape_cast %reduce_sum3A_88 : vector<3200xf32> to vector<3200x1xf32>
    %exp3A = math.exp %broadcast_in_dim3A : vector<3200x1xf32>
    %mul3A_89 = arith.constant 5.000000e-01 : f32
    %mul3A_90 = vector.broadcast %mul3A_89 : f32 to vector<3200x1xf32>
    %mul3A_91 = arith.mulf %mul3A_90, %broadcast_in_dim3A : vector<3200x1xf32>
    %exp3A_92 = math.exp %mul3A_91 : vector<3200x1xf32>
    %mul3A_93 = vector.broadcast %exp3A_92 : vector<3200x1xf32> to vector<3200x16xf32>
    %mul3A_94 = arith.mulf %mul3A_93, %mul3A_86 : vector<3200x16xf32>
    %broadcast_in_dim3A_95 = arith.constant 0.000000e+00 : f32
    %broadcast_in_dim3A_96 = vector.broadcast %broadcast_in_dim3A_95 : f32 to vector<3200x15xf32>
    %concatenate3A_97 = tpu.concatenate %exp3A, %mul3A_94, %broadcast_in_dim3A_96 in 1 : vector<3200x1xf32>, vector<3200x16xf32>, vector<3200x15xf32> -> vector<3200x32xf32>
    %slice3A_98 = vector.extract_strided_slice %concatenate3A_97 {offsets = [0, 0], sizes = [800, 32], strides = [1, 1]} : vector<3200x32xf32> to vector<800x32xf32>
    %slice3A_99 = vector.extract_strided_slice %concatenate3A_97 {offsets = [800, 0], sizes = [800, 32], strides = [1, 1]} : vector<3200x32xf32> to vector<800x32xf32>
    %slice3A_100 = vector.extract_strided_slice %concatenate3A_97 {offsets = [1600, 0], sizes = [800, 32], strides = [1, 1]} : vector<3200x32xf32> to vector<800x32xf32>
    %slice3A_101 = vector.extract_strided_slice %concatenate3A_97 {offsets = [2400, 0], sizes = [800, 32], strides = [1, 1]} : vector<3200x32xf32> to vector<800x32xf32>
    %concatenate3A_102 = tpu.concatenate %slice3A_98, %slice3A_99, %slice3A_100, %slice3A_101 in 1 : vector<800x32xf32>, vector<800x32xf32>, vector<800x32xf32>, vector<800x32xf32> -> vector<800x128xf32>
    %swap3A = arith.constant 0 : index
    %swap3A_103 = arith.constant 0 : index
    %swap3A_104 = vector.load %arg11[%swap3A, %swap3A_103] : memref<800x128xf32, #tpu.memory_space<vmem>>, vector<800x128xf32>
    tpu.vector_store %arg11[%swap3A, %swap3A_103], %concatenate3A_102 {strides = array<i32>} : memref<800x128xf32, #tpu.memory_space<vmem>>, vector<800x128xf32>,
    return
  }
  func.func @transform_0(%arg0: i32) -> (i32, i32) {
    %c0_i32 = arith.constant 0 : i32
    %c0_i32_0 = arith.constant 0 : i32
    return %arg0, %c0_i32 : i32, i32
  }
  func.func @transform_1(%arg0: i32) -> (i32, i32) {
    %c0_i32 = arith.constant 0 : i32
    %c0_i32_0 = arith.constant 0 : i32
    return %arg0, %c0_i32 : i32, i32
  }
  func.func @transform_2(%arg0: i32) -> (i32, i32) {
    %c0_i32 = arith.constant 0 : i32
    %c0_i32_0 = arith.constant 0 : i32
    return %c0_i32, %arg0 : i32, i32
  }
  func.func @transform_3(%arg0: i32) -> (i32, i32) {
    %c0_i32 = arith.constant 0 : i32
    %c0_i32_0 = arith.constant 0 : i32
    return %c0_i32, %arg0 : i32, i32
  }
  func.func @transform_4(%arg0: i32) -> (i32, i32) {
    %c0_i32 = arith.constant 0 : i32
    %c0_i32_0 = arith.constant 0 : i32
    %c0_i32_1 = arith.constant 0 : i32
    return %c0_i32, %c0_i32_0 : i32, i32
  }
  func.func @transform_5(%arg0: i32) -> (i32, i32) {
    %c0_i32 = arith.constant 0 : i32
    %c0_i32_0 = arith.constant 0 : i32
    %c0_i32_1 = arith.constant 0 : i32
    return %c0_i32, %c0_i32_0 : i32, i32
  }
  func.func @transform_6(%arg0: i32) -> (i32, i32) {
    %c0_i32 = arith.constant 0 : i32
    %c0_i32_0 = arith.constant 0 : i32
    %c0_i32_1 = arith.constant 0 : i32
    return %c0_i32, %c0_i32_0 : i32, i32
  }
  func.func @transform_7(%arg0: i32) -> (i32, i32) {
    %c0_i32 = arith.constant 0 : i32
    %c0_i32_0 = arith.constant 0 : i32
    %c0_i32_1 = arith.constant 0 : i32
    return %c0_i32, %c0_i32_0 : i32, i32
  }
  func.func @transform_8(%arg0: i32) -> (i32, i32) {
    %c0_i32 = arith.constant 0 : i32
    %c0_i32_0 = arith.constant 0 : i32
    %c0_i32_1 = arith.constant 0 : i32
    return %c0_i32, %c0_i32_0 : i32, i32
  }
  func.func @transform_9(%arg0: i32) -> (i32, i32) {
    %c0_i32 = arith.constant 0 : i32
    %c0_i32_0 = arith.constant 0 : i32
    %c0_i32_1 = arith.constant 0 : i32
    return %c0_i32, %c0_i32_0 : i32, i32
  }
  func.func @transform_10(%arg0: i32) -> (i32, i32) {
    %c0_i32 = arith.constant 0 : i32
    %c0_i32_0 = arith.constant 0 : i32
    return %arg0, %c0_i32 : i32, i32
  }
}

module attributes {stable_mosaic.version = 14 : i64} {
  func.func @_final_body(%arg0: memref<10000x32xf32, #tpu.memory_space<vmem>>, %arg1: memref<10000x32xf32, #tpu.memory_space<vmem>>, %arg2: memref<10000x16xf32, #tpu.memory_space<vmem>>) attributes {dimension_semantics = [], scalar_prefetch = 0 : i64, scratch_operands = 0 : i64, tpu.core_type = #tpu.core_type<tc>} {
    %get3A = arith.constant 0 : index
    %get3A_0 = arith.constant 0 : index
    %get3A_1 = vector.load %arg0[%get3A, %get3A_0] : memref<10000x32xf32, #tpu.memory_space<vmem>>, vector<10000x32xf32>
    %get3A_2 = arith.constant 0 : index
    %get3A_3 = arith.constant 0 : index
    %get3A_4 = vector.load %arg1[%get3A_2, %get3A_3] : memref<10000x32xf32, #tpu.memory_space<vmem>>, vector<10000x32xf32>
    %add3A = arith.addf %get3A_1, %get3A_4 : vector<10000x32xf32>
    %slice3A = vector.extract_strided_slice %add3A {offsets = [0, 0], sizes = [10000, 1], strides = [1, 1]} : vector<10000x32xf32> to vector<10000x1xf32>
    %slice3A_5 = vector.extract_strided_slice %add3A {offsets = [0, 1], sizes = [10000, 16], strides = [1, 1]} : vector<10000x32xf32> to vector<10000x16xf32>
    %gt3A = arith.constant 0.000000e+00 : f32
    %gt3A_6 = vector.broadcast %gt3A : f32 to vector<10000x1xf32>
    %gt3A_7 = arith.cmpf ogt, %slice3A, %gt3A_6 : vector<10000x1xf32>
    %max3A = arith.constant 1.000000e-30 : f32
    %max3A_8 = vector.broadcast %max3A : f32 to vector<10000x1xf32>
    %max3A_9 = arith.maximumf %slice3A, %max3A_8 : vector<10000x1xf32>
    %rsqrt3A = math.rsqrt %max3A_9 : vector<10000x1xf32>
    %mul3A = vector.broadcast %rsqrt3A : vector<10000x1xf32> to vector<10000x16xf32>
    %mul3A_10 = arith.mulf %slice3A_5, %mul3A : vector<10000x16xf32>
    %jit3A = arith.constant 0.000000e+00 : f32
    %broadcast_in_dim3A = vector.shape_cast %gt3A_7 : vector<10000x1xi1> to vector<10000x1xi1>
    %broadcast_in_dim3A_11 = vector.broadcast %broadcast_in_dim3A : vector<10000x1xi1> to vector<10000x16xi1>
    %broadcast_in_dim3A_12 = vector.broadcast %jit3A : f32 to vector<10000x16xf32>
    %select_n3A = arith.select %broadcast_in_dim3A_11, %mul3A_10, %broadcast_in_dim3A_12 : vector<10000x16xi1>, vector<10000x16xf32>
    %swap3A = arith.constant 0 : index
    %swap3A_13 = arith.constant 0 : index
    %swap3A_14 = vector.load %arg2[%swap3A, %swap3A_13] : memref<10000x16xf32, #tpu.memory_space<vmem>>, vector<10000x16xf32>
    tpu.vector_store %arg2[%swap3A, %swap3A_13], %select_n3A {strides = array<i32>} : memref<10000x16xf32, #tpu.memory_space<vmem>>, vector<10000x16xf32>,
    return
  }
}

</mosaic_0001>

<sc_bundles>
// kernel: kernel.10.cloned.1.call-start
scs
__scs_entry_jumppad:
0x0: {  	(pc) =	sbr.rel $0x88, $3  }
0x1: {  	(tag) =	ssettag $0x0;
	lr =	simm.s32 $0x1  }
0x2: {  	[smem:$0x3F97] =	sst lr;
	_ =	strace $0xD0000000  }
0x3: {  	_ = 	snop  }
0x4: {  	_ = 	snop  }
0x5: {  	_ = 	snop  }
0x6: {  	_ = 	snop  }
0x7: {  	_ = 	snop  }
__scs_overlays_trampoline_lowered:
0x8: {  	[smem:$0x3FA6] =	sst s0  }
0x9: {  	[smem:$0x3FA7] =	sst s1  }
0xa: {  	[smem:$0x3FA8] =	sst s2  }
0xb: {  	[smem:$0x3FA9] =	sst s3  }
0xc: {  	[smem:$0x3FAA] =	sst s4  }
0xd: {  	[smem:$0x3FAB] =	sst s5  }
0xe: {  	[smem:$0x3FAC] =	sst s6  }
0xf: {  	[smem:$0x3FAD] =	sst s7  }
0x10: {  	[smem:$0x3FAE] =	sst s8  }
0x11: {  	[smem:$0x3FAF] =	sst s9;
	s0 =	simm.s32 @!p0 $0x0  }
0x12: {  	s1 =	sld [smem:$0x3F95];
	s0 =	simm.s32 @p0 $0x1  }
0x13: {  	[smem:$0x3FB0] =	sst s0;
	s0 =	simm.s32 @!p1 $0x0  }
0x14: {  	s2 =	sld [smem:$0x3F94];
	s0 =	simm.s32 @p1 $0x1  }
0x15: {  	[smem:$0x3FB1] =	sst s0;
	s0 =	simm.s32 @!p2 $0x0  }
0x16: {  	s3 =	sld [smem:$0x3FDB];
	s0 =	simm.s32 @p2 $0x1  }
0x17: {  	s4 =	simm.s32 $0x1BF5;
	[smem:$0x3FB3] =	sst s0  }
0x18: {  	s0 =	sld [smem:$0x3F96];
	_ =	swait.ge [sflag:s4], $0x0  }
0x19: {  	s7 =	sld [smem:$0x3F97]  }
0x1a: {  	s8 =	sadd.s32 $0xFFFFE003, lr  }
0x1b: {  	s9 =	sadd.s32 $0xFFFFFEF7, lr;
	s5 =	simm.s32 $0xFFFFFFFF;
	p2 =	slt.u32 s8, $0xFFFFF086  }
0x1c: {  	p1 =	slt.u32 s9, $0xF7A;
	s5 =	simm.s32 @!p2 $0x0  }
0x1d: {  	s5 =	simm.s32 @p1 $0x1;
	p0 =	seq.s32 s7, s2  }
0x1e: {  	s7 =	smul.u32 @!p0 $0xF7A, s2;
	p2 =	seq.s32 @!p0 s5, $0x0  }
0x1f: {  	s9 =	smul.u32 $0xF7A, s1;
	s8 =	simm.s32 @!p0 $0x1BF5;
	p2 =	por !p2, p0  }
0x20: {  	[sflag:s8] =	ssyncset.s32 @!p0 $0xFFFFF086;
	s6 =	sadd.s32 @!p0 s3, s7;
	s7 =	simm.s32 @!p0 $0x108  }
0x21: {  	s3 =	sadd.s32 s3, s9;
	s6 =	sadd.s32 @!p0 $0x88, s6;
	s7 =	simm.s32 @p2 $0x1082  }
0x22: {  	[simem:s7], [sflag:s8] =	dma.local @!p0 [hbm:s6], $0xF7A  }
0x23: {  	s9 =	sor.u32 $0xD0000000, s2;
	s6 =	simm.s32 $0x108;
	_ =	swait.ge @!p0 [sflag:s8], $0x0  }
0x24: {  	s3 =	sadd.s32 $0x88, s3;
	s6 =	simm.s32 @!p1 $0x1082;
	[sflag:s4] =	ssyncset.s32 $0xFFFFF086  }
0x25: {  	[simem:s6], [sflag:s4] =	dma.local [hbm:s3], $0xF7A  }
0x26: {  	[smem:$0x3F97] =	sst s1;
	(tag) =	ssettag s2;
	_ =	strace s9  }
0x27: {  	s1 =	sld [smem:$0x3FA7]  }
0x28: {  	s2 =	sld [smem:$0x3FA8]  }
0x29: {  	s4 =	sld [smem:$0x3FAA]  }
0x2a: {  	p0 =	seq.s32 s5, $0x0;
	s5 =	sld [smem:$0x3FAB]  }
0x2b: {  	s6 =	sld [smem:$0x3FAC]  }
0x2c: {  	s7 =	sld [smem:$0x3FAD]  }
0x2d: {  	s3 =	simm.s32 $0x108;
	s8 =	sld [smem:$0x3FAE]  }
0x2e: {  	s3 =	simm.s32 @!p0 $0x1082;
	s9 =	sld [smem:$0x3FAF]  }
0x2f: {  	lr =	sadd.s32 s0, s3;
	s0 =	sld [smem:$0x3FA6]  }
0x30: {  	s3 =	sld [smem:$0x3FA9]  }
0x31: {  	[smem:$0x3FB2] =	sst s10  }
0x32: {  	s10 =	sld [smem:$0x3FB0];
	_ =	sdelay $0x3  }
0x33: {  	p0 =	seq.s32 s10, $0x1;
	s10 =	sld [smem:$0x3FB2];
	_ =	sdelay $0x3  }
0x34: {  	[smem:$0x3FB2] =	sst s10  }
0x35: {  	s10 =	sld [smem:$0x3FB1];
	_ =	sdelay $0x3  }
0x36: {  	p1 =	seq.s32 s10, $0x1;
	s10 =	sld [smem:$0x3FB2];
	_ =	sdelay $0x3  }
0x37: {  	[smem:$0x3FB2] =	sst s10  }
0x38: {  	s10 =	sld [smem:$0x3FB3]  }
0x39: {  	_ = 	snop;
	(pc) =	sbr.ind lr, $3  }
0x3a: {  	_ = 	snop  }
0x3b: {  	_ = 	snop  }
0x3c: {  	p2 =	seq.s32 s10, $0x1;
	s10 =	sld [smem:$0x3FB2]  }
0x3d: {  	_ =	shalt  }
0x3e: {  	_ =	shalt  }
0x3f: {  	_ =	shalt  }
0x40: {  	_ =	shalt  }
0x41: {  	_ =	shalt  }
0x42: {  	_ =	shalt  }
0x43: {  	_ =	shalt  }
0x44: {  	_ =	shalt  }
0x45: {  	_ =	shalt  }
0x46: {  	_ =	shalt  }
0x47: {  	_ =	shalt  }
0x48: {  	_ =	shalt  }
0x49: {  	_ =	shalt  }
0x4a: {  	_ =	shalt  }
0x4b: {  	_ =	shalt  }
0x4c: {  	_ =	shalt  }
0x4d: {  	_ =	shalt  }
0x4e: {  	_ =	shalt  }
0x4f: {  	_ =	shalt  }
0x50: {  	_ =	shalt  }
0x51: {  	_ =	shalt  }
0x52: {  	_ =	shalt  }
0x53: {  	_ =	shalt  }
0x54: {  	_ =	shalt  }
0x55: {  	_ =	shalt  }
0x56: {  	_ =	shalt  }
0x57: {  	_ =	shalt  }
0x58: {  	_ =	shalt  }
0x59: {  	_ =	shalt  }
0x5a: {  	_ =	shalt  }
0x5b: {  	_ =	shalt  }
0x5c: {  	_ =	shalt  }
0x5d: {  	_ =	shalt  }
0x5e: {  	_ =	shalt  }
0x5f: {  	_ =	shalt  }
0x60: {  	_ =	shalt  }
0x61: {  	_ =	shalt  }
0x62: {  	_ =	shalt  }
0x63: {  	_ =	shalt  }
0x64: {  	_ =	shalt  }
0x65: {  	_ =	shalt  }
0x66: {  	_ =	shalt  }
0x67: {  	_ =	shalt  }
0x68: {  	_ =	shalt  }
0x69: {  	_ =	shalt  }
0x6a: {  	_ =	shalt  }
0x6b: {  	_ =	shalt  }
0x6c: {  	_ =	shalt  }
0x6d: {  	_ =	shalt  }
0x6e: {  	_ =	shalt  }
0x6f: {  	_ =	shalt  }
0x70: {  	_ =	shalt  }
0x71: {  	_ =	shalt  }
0x72: {  	_ =	shalt  }
0x73: {  	_ =	shalt  }
0x74: {  	_ =	shalt  }
0x75: {  	_ =	shalt  }
0x76: {  	_ =	shalt  }
0x77: {  	_ =	shalt  }
0x78: {  	_ =	shalt  }
0x79: {  	_ =	shalt  }
0x7a: {  	_ =	shalt  }
0x7b: {  	_ =	shalt  }
0x7c: {  	_ =	shalt  }
0x7d: {  	_ =	shalt  }
0x7e: {  	_ =	shalt  }
0x7f: {  	_ =	shalt  }
0x80: {  	_ =	shalt  }
0x81: {  	_ =	shalt  }
0x82: {  	_ =	shalt  }
0x83: {  	_ =	shalt  }
0x84: {  	_ =	shalt  }
0x85: {  	_ =	shalt  }
0x86: {  	_ =	shalt  }
0x87: {  	_ =	shalt  }
.Lfunc_end0:
.L_simem_size_0:
called_computation.1_lowered:
.L_overlay_start_0:
0x88: {  	s2 =	sld [smem:$0x3FD9]  }
0x89: {  	s3 =	sld [smem:$0x3FFE];
	_ =	sdelay $0x1  }
0x8a: {  	s1 =	srdreg.scid  }
0x8b: {  	s0 =	sand.u32 $0x1, s1  }
0x8c: {  	s17 =	sshll.u32 s0, $0xA;
	s2 =	sadd.s32 s3, s2  }
0x8d: {  	s2 =	sadd.s32 s2, s17  }
0x8e: {  	[smem:$0x3FBE] =	sst s2  }
0x8f: {  	_ = 	snop  }
0x90: {  	s2 =	sld [smem:$0x3FD0];
	(tm) =	ssettm $0x1  }
0x91: {  	s18 =	sld [smem:$0x3FFB];
	_ =	sdelay $0x3  }
0x92: {  	_ =	strace s18  }
0x93: {  	s3 =	sld [smem:$0x3FFC];
	_ =	sdelay $0x3  }
0x94: {  	_ =	strace s3  }
0x95: {  	s3 =	sld [smem:$0x3FFD];
	_ =	sdelay $0x3  }
0x96: {  	_ =	strace s3  }
0x97: {  	_ =	strace $0x8FFFFFFF  }
0x98: {  	s19 =	sld [smem:$0x3FDB];
	_ =	sdelay $0x1  }
0x99: {  	s4 =	simm.s32 $_scs_section_size  }
0x9a: {  	s5 =	simm.s32 $_size__tile_overlayer_lowered;
	s6 =	simm.s32 $_tile_overlayer_lowered  }
0x9b: {  	s22 =	simm.s32 $0x1BFF;
	s21 =	sshll.u32 s6, $0x1;
	s3 =	sadd.s32 s4, s19  }
0x9c: {  	s7 =	simm.s32 $0x0;
	s20 =	sshll.u32 s5, $0x1;
	s5 =	sadd.s32 s21, s3  }
0x9d: {  	[timem:s7], [sflag:s22] =	dma.local [hbm:s5], s20  }
0x9e: {  	_ =	swait.ge [sflag:s22], s20  }
0x9f: {  	s4 =	ssub.s32 $0x0, s20;
	[sflag:s22] =	ssyncset.done $0x0  }
0xa0: {  	[sflag:s22] =	ssyncadd.s32 s4;
	_ =	sdelay $0x1  }
0xa1: {  	s23 =	simm.s32 $0x1B8B  }
0xa2: {  	_ =	swait.ge [sflag:s23], $0x1  }
0xa3: {  	[sflag:s23] =	ssyncset.done $0x0  }
0xa4: {  	s25 =	simm.s32 $0x1B8E;
	s24 =	sld [smem:$0x3FFE];
	[sflag:s23] =	ssyncadd.s32 $0xFFFFFFFF  }
0xa5: {  	s26 =	simm.s32 $execute0_lowered;
	[smem:$0x3FD2] =	sst s25  }
0xa6: {  	s5 =	sshll.u32 s26, $0x1;
	_ =	strace $0x80000049;
	[dreg:$0x1] =	wrdreg $0xFFFFFFFF  }
0xa7: {  	s28 =	simm.s32 $_size_execute0_lowered;
	s3 =	sadd.s32 s3, s5;
	[dreg:$0x0] =	wrdreg $0x0  }
0xa8: {  	s5 =	sshll.u32 s28, $0x1;
	[dreg:$0x2] =	wrdreg s3  }
0xa9: {  	[dreg:$0x3] =	wrdreg s5  }
0xaa: {  	[dreg:$0x4] =	wrdreg $0xC0  }
0xab: {  	_ =	task [dreg:s7], $0x5FFFF  }
0xac: {  	[dreg:$0x1] =	wrdreg $0xFFFFFFFF  }
0xad: {  	[dreg:$0x0] =	wrdreg $0x60  }
0xae: {  	[dreg:$0x2] =	wrdreg s24  }
0xaf: {  	[dreg:$0x3] =	wrdreg s2  }
0xb0: {  	[dreg:$0x4] =	wrdreg $0x81600  }
0xb1: {  	[dreg:$0x5] =	wrdreg $0x9  }
0xb2: {  	_ =	task.clear_ibuf [dreg:s7], $0x6FFFF;
	_ =	strace $0x90000049  }
0xb3: {  	s29 =	simm.s32 $0x9;
	_ =	strace $0x8000004B  }
0xb4: {  	_ =	swait.ge [sflag:s29], $0x1  }
0xb5: {  	[sflag:s29] =	ssyncadd.s32 $0xFFFFFFFF  }
0xb6: {  	_ =	strace $0x9000004B  }
0xb7: {  	_ =	sfence  }
0xb8: {  	s30 =	sld [smem:$0x0];
	_ =	sdelay $0x2  }
0xb9: {  	s31 =	sshll.u32 s1, $0xD;
	s1 =	sshrl.u32 s1, $0x2  }
0xba: {  	s3 =	sand.u32 $0x4000, s31;
	s1 =	sadd.s32 s1, s30  }
0xbb: {  	s0 =	sor.u32 s3, s0;
	s1 =	sshll.u32 s1, $0x11  }
0xbc: {  	s0 =	sor.u32 s1, s0  }
0xbd: {  	s0 =	sadd.s32 $0x8F2B, s0  }
0xbe: {  	[sflag:s0] =	ssyncadd.remote.s32 $0x1  }
0xbf: {  	_ =	sfence.sel $0xFFFF  }
0xc0: {  	[dreg:$0x0] =	wrdreg $0xFFFFFFFF;
	(pc) =	sbr.abs _section_cstart, $3  }
0xc1: {  	[dreg:$0x1] =	wrdreg $0xFFFFFFFF  }
0xc2: {  	_ =	task.clear_ibuf [dreg:s7], $0x2FFFF;
	_ =	strace $0x9FFFFFFF  }
0xc3: {  	(tm) =	ssettm $0x7FFFFFFF  }
tec
execute0_lowered:
.L_overlay_start_1:
0x0: {  	(tag) =	ssettag $0x1  }
0x1: {  	s5 =	rddreg [dreg:$0x0]  }
0x2: {  	s1 =	srdreg.scid;
	s2 =	rddreg [dreg:$0x1]  }
0x3: {  	s0 =	stileid.u32;
	s3 =	rddreg [dreg:$0x2]  }
0x4: {  	s4 =	simm.s32 $0x0;
	s16 =	simm.s32 $0x1;
	s17 =	simm.s32 $0x23A0  }
0x5: {  	s18 =	simm.s32 $0x7D;
	s19 =	simm.s32 $0x2;
	s20 =	simm.s32 $0x1300  }
0x6: {  	s21 =	simm.s32 $0x1380;
	s22 =	simm.s32 $0x0;
	s9 =	smul.u32 $0x4E20, s0  }
0x7: {  	s6 =	sand.u32 $0x1, s1;
	s1 =	rddreg [dreg:$0x3];
	s13 =	smul.u32 $0x2710, s0  }
0x8: {  	s29 =	sshll.u32 s0, $0x1;
	[smem:$0x7FF] =	sst s4;
	s10 =	smul.u32 $0x4E200, s6  }
0x9: {  	s11 =	sadd.s32 $0x105A00, s5;
	s7 =	sor.u32 s6, s29;
	s15 =	smul.u32 $0x1388, s6  }
0xa: {  	_ =	strace $0x8000004A;
	s12 =	ssub.s32 $0x2, s6;
	s8 =	smul.u32 $0x280, s7  }
0xb: {  	s14 =	sshrl.u32 s12, $0x1;
	s7 =	smul.u32 $0x4E20, s7;
	s10 =	sadd.s32 s9, s10  }
0xc: {  	s12 =	ssub.s32 s12, s14;
	s30 =	sadd.s32 s15, s13;
	s14 =	simm.s32 $0x3  }
0xd: {  	s15 =	simm.s32 $0x1400;
	s8 =	sadd.s32 s8, s5;
	s10 =	sshrl.u32 s10, $0x3  }
0xe: {  	s7 =	sadd.s32 s11, s7;
	s13 =	sshll.u32 s30, $0x2;
	s10 =	sadd.s32 s10, s5  }
0xf: {  	s5 =	sadd.s32 s9, s3;
	s6 =	sadd.s32 $0x100A00, s8;
	s9 =	smax.u32 s12, $0x1  }
0x10: {  	s31 =	sadd.s32 s11, s13;
	s13 =	simm.s32 $0x3340;
	s8 =	sadd.s32 $0x2600, s10  }
0x11: {  	s10 =	sadd.s32 $0x4C2C, s7;
	s11 =	sadd.s32 $0x3E8, s31;
	s12 =	sadd.s32 $0x1F4, s31  }
.LBB2_1:
0x12: {  	[tilespmem:s13], [sflag:$0x3] =	stream.linear.gather [hbm4b:s2+s4], $0x4E20, $0x38;
	[tilespmem:$0xCF80] =	vst v63  }
0x13: {  	_ =	swait.ge [sflag:s14], $0x4E20  }
0x14: {  	[sflag:s14] =	ssyncset.done $0x0  }
0x15: {  	[sflag:s14] =	ssyncadd.s32 $0xFFFFB1E0  }
0x16: {  	[spmem:s5] =	stream.linear.scatter [tilespmem:s13], [sflag:$0x3], $0x4E20, $0x38;
	[tilespmem:$0xCF80] =	vst v63  }
0x17: {  	_ =	swait.ge [sflag:s14], $0x4E20  }
0x18: {  	[sflag:s14] =	ssyncset.done $0x0  }
0x19: {  	[sflag:s14] =	ssyncadd.s32 $0xFFFFB1E0  }
0x1a: {  	[bflag:$0x0] =	sbarrier.arrive $0xFFFF  }
0x1b: {  	[tilespmem:s4], [sflag:$0x3] =	stream.linear.gather [hbm4b:s6+s4], $0x1400, $0x38;
	[tilespmem:$0xCF80] =	vst v63  }
0x1c: {  	_ =	swait.ge [sflag:s14], $0x1400  }
0x1d: {  	[sflag:s14] =	ssyncset.done $0x0  }
0x1e: {  	[sflag:s14] =	ssyncadd.s32 $0xFFFFEC00  }
0x1f: {  	[tilespmem:s15], [sflag:$0x1] =	stream.linear.gather [hbm4b:s7+s4], $0xFA0, $0x38;
	[tilespmem:$0xCF80] =	vst v63  }
0x20: {  	_ =	swait.ge [sflag:s16], $0xFA0  }
0x21: {  	[sflag:s16] =	ssyncset.done $0x0  }
0x22: {  	s23 =	sadd.s32 $0x0, s12;
	[sflag:s16] =	ssyncadd.s32 $0xFFFFF060  }
0x23: {  	[tilespmem:s17], [sflag:$0x2] =	stream.linear.gather [hbm4b:s23+s4], $0xFA0, $0x38;
	[tilespmem:$0xCF80] =	vst v63  }
0x24: {  	_ = 	snop  }
0x25: {  	[spmem:s3] =	stream.indirect.scatter.add.f32 [tilespmem:s15], [sflag:$0x3], $0x20, s4, s18, $0xb8;
	[tilespmem:$0xCF80] =	vst v63  }
0x26: {  	_ =	swait.ge [sflag:s14], $0xFA0  }
0x27: {  	[sflag:s14] =	ssyncset.done $0x0  }
0x28: {  	[sflag:s14] =	ssyncadd.s32 $0xFFFFF060  }
0x29: {  	_ =	swait.ge [sflag:s19], $0xFA0  }
0x2a: {  	[sflag:s19] =	ssyncset.done $0x0  }
0x2b: {  	s30 =	sadd.s32 $0x0, s11;
	[sflag:s19] =	ssyncadd.s32 $0xFFFFF060  }
0x2c: {  	[tilespmem:s15], [sflag:$0x1] =	stream.linear.gather [hbm4b:s30+s4], $0xFA0, $0x38;
	[tilespmem:$0xCF80] =	vst v63  }
0x2d: {  	s31 =	simm.s32 $0x80  }
0x2e: {  	[spmem:s3] =	stream.indirect.scatter.add.f32 [tilespmem:s17], [sflag:$0x3], $0x20, s31, s18, $0xb8;
	[tilespmem:$0xCF80] =	vst v63  }
0x2f: {  	_ =	swait.ge [sflag:s14], $0xFA0  }
0x30: {  	s24 =	simm.s32 $0x0;
	s23 =	simm.s32 $0x3E8;
	[sflag:s14] =	ssyncset.done $0x0  }
.LBB2_2:
0x31: {  	p0 =	sne.s32 s23, $0x4650;
	[sflag:s14] =	ssyncadd.s32 $0xFFFFF060;
	s24 =	sadd.s32 $0x100, s24  }
0x32: {  	s25 =	smov.u32 s23;
	s23 =	sadd.s32 $0x3E8, s23  }
0x33: {  	_ =	swait.ge [sflag:s16], $0xFA0  }
0x34: {  	[sflag:s16] =	ssyncset.done $0x0  }
0x35: {  	s26 =	sadd.s32 s25, s12;
	[sflag:s16] =	ssyncadd.s32 $0xFFFFF060  }
0x36: {  	[tilespmem:s17], [sflag:$0x2] =	stream.linear.gather [hbm4b:s26+s4], $0xFA0, $0x38;
	[tilespmem:$0xCF80] =	vst v63  }
0x37: {  	_ = 	snop  }
0x38: {  	[spmem:s3] =	stream.indirect.scatter.add.f32 [tilespmem:s15], [sflag:$0x3], $0x20, s24, s18, $0xb8;
	[tilespmem:$0xCF80] =	vst v63  }
0x39: {  	_ =	swait.ge [sflag:s14], $0xFA0  }
0x3a: {  	[sflag:s14] =	ssyncset.done $0x0  }
0x3b: {  	[sflag:s14] =	ssyncadd.s32 $0xFFFFF060  }
0x3c: {  	_ =	swait.ge [sflag:s19], $0xFA0  }
0x3d: {  	[sflag:s19] =	ssyncset.done $0x0  }
0x3e: {  	s25 =	sadd.s32 s25, s11;
	[sflag:s19] =	ssyncadd.s32 $0xFFFFF060  }
0x3f: {  	[tilespmem:s15], [sflag:$0x1] =	stream.linear.gather [hbm4b:s25+s4], $0xFA0, $0x38;
	[tilespmem:$0xCF80] =	vst v63  }
.Ltmp0:
0x40: {  	_ = 	snop;
	(pc) =	sbr.rel @p0 .LBB2_2-.Ltmp0, $4  }
0x41: {  	s25 =	sadd.s32 $0x80, s24  }
0x42: {  	[spmem:s3] =	stream.indirect.scatter.add.f32 [tilespmem:s17], [sflag:$0x3], $0x20, s25, s18, $0xb8;
	[tilespmem:$0xCF80] =	vst v63  }
0x43: {  	_ =	swait.ge [sflag:s14], $0xFA0  }
0x44: {  	[sflag:s14] =	ssyncset.done $0x0  }
0x45: {  	[sflag:s14] =	ssyncadd.s32 $0xFFFFF060  }
0x46: {  	_ =	swait.ge [sflag:s16], $0xFA0  }
0x47: {  	[sflag:s16] =	ssyncset.done $0x0  }
0x48: {  	[sflag:s16] =	ssyncadd.s32 $0xFFFFF060  }
0x49: {  	[tilespmem:s17], [sflag:$0x2] =	stream.linear.gather [hbm4b:s10+s4], $0xFA0, $0x38;
	[tilespmem:$0xCF80] =	vst v63  }
0x4a: {  	_ = 	snop  }
0x4b: {  	[spmem:s3] =	stream.indirect.scatter.add.f32 [tilespmem:s15], [sflag:$0x3], $0x20, s20, s18, $0xb8;
	[tilespmem:$0xCF80] =	vst v63  }
0x4c: {  	_ =	swait.ge [sflag:s14], $0xFA0  }
0x4d: {  	[sflag:s14] =	ssyncset.done $0x0  }
0x4e: {  	[sflag:s14] =	ssyncadd.s32 $0xFFFFF060  }
0x4f: {  	_ =	swait.ge [sflag:s19], $0xFA0  }
0x50: {  	[sflag:s19] =	ssyncset.done $0x0  }
0x51: {  	[sflag:s19] =	ssyncadd.s32 $0xFFFFF060  }
0x52: {  	[spmem:s3] =	stream.indirect.scatter.add.f32 [tilespmem:s17], [sflag:$0x3], $0x20, s21, s18, $0xb8;
	[tilespmem:$0xCF80] =	vst v63  }
0x53: {  	_ =	swait.ge [sflag:s14], $0xFA0  }
0x54: {  	[sflag:s14] =	ssyncset.done $0x0  }
0x55: {  	[sflag:s14] =	ssyncadd.s32 $0xFFFFF060  }
0x56: {  	[bflag:$0x0] =	sbarrier.arrive $0xFFFF  }
0x57: {  	[tilespmem:s13], [sflag:$0x3] =	stream.linear.gather [spmem:s5], $0x4E20, $0x38;
	[tilespmem:$0xCF80] =	vst v63  }
0x58: {  	s22 =	sadd.s32 $0x1, s22;
	_ =	swait.ge [sflag:s14], $0x4E20  }
0x59: {  	p0 =	sne.s32 s22, s9;
	[sflag:s14] =	ssyncset.done $0x0  }
.Ltmp1:
0x5a: {  	[sflag:s14] =	ssyncadd.s32 $0xFFFFB1E0;
	(pc) =	sbr.rel @p0 .LBB2_1-.Ltmp1, $4  }
0x5b: {  	[hbm4b:s8+s4] =	stream.linear.scatter [tilespmem:s13], [sflag:$0x3], $0x4E20, $0x38;
	[tilespmem:$0xCF80] =	vst v63  }
0x5c: {  	_ =	swait.ge [sflag:s14], $0x4E20  }
0x5d: {  	[sflag:s14] =	ssyncset.done $0x0  }
0x5e: {  	[sflag:s14] =	ssyncadd.s32 $0xFFFFB1E0  }
0x5f: {  	_ =	sfence.sel $0x180000  }
0x60: {  	[bflag:$0x0] =	sbarrier.arrive $0xFFFF  }
0x61: {  	p0 =	sne.s32 s0, $0x0;
	_ =	strace $0x9000004A  }
0x62: {  	s0 =	sadd.s32 @!p0 $0x100000, s1;
	[bflag:$0x2] =	sbarrier.arrive $0xFFFF  }
0x63: {  	[sflag:s0] =	ssyncadd.tile.s32 @!p0 $0x1;
	_ =	shalt  }
.Lfunc_end2:
_tile_overlayer_lowered:
.L_overlay_start_2:
0x64: {  	(tag) =	ssettag $0x2  }
0x65: {  	s0 =	rddreg [dreg:$0x0];
	s2 =	stileid.u32  }
0x66: {  	s1 =	rddreg [dreg:$0x1];
	p0 =	sne.s32 s2, $0x0  }
0x67: {  	s3 =	rddreg [dreg:$0x2];
	[bflag:$0x3] =	sbarrier.arrive $0xFFFF;
	s2 =	simm.s32 @!p0 $0x1C03  }
0x68: {  	[timem:s3], [sflag:s2] =	dma.local @!p0 [hbm:s0], s1  }
0x69: {  	s0 =	simm.s32 @!p0 $0x3  }
0x6a: {  	_ =	swait.ge @!p0 [sflag:s0], s1  }
0x6b: {  	s1 =	ssub.s32 @!p0 $0x0, s1;
	[sflag:s0] =	ssyncset.done @!p0 $0x0  }
0x6c: {  	[sflag:s0] =	ssyncadd.s32 @!p0 s1  }
0x6d: {  	[bflag:$0x3] =	sbarrier.arrive $0xFFFF  }
0x6e: {  	_ =	shalt  }

// kernel: kernel.7.cloned.1.call-start
scs
__scs_entry_jumppad:
0x0: {  	(pc) =	sbr.rel $0x88, $3  }
0x1: {  	(tag) =	ssettag $0x0;
	lr =	simm.s32 $0x1  }
0x2: {  	[smem:$0x3F97] =	sst lr;
	_ =	strace $0xD0000000  }
0x3: {  	_ = 	snop  }
0x4: {  	_ = 	snop  }
0x5: {  	_ = 	snop  }
0x6: {  	_ = 	snop  }
0x7: {  	_ = 	snop  }
__scs_overlays_trampoline_lowered:
0x8: {  	[smem:$0x3FA6] =	sst s0  }
0x9: {  	[smem:$0x3FA7] =	sst s1  }
0xa: {  	[smem:$0x3FA8] =	sst s2  }
0xb: {  	[smem:$0x3FA9] =	sst s3  }
0xc: {  	[smem:$0x3FAA] =	sst s4  }
0xd: {  	[smem:$0x3FAB] =	sst s5  }
0xe: {  	[smem:$0x3FAC] =	sst s6  }
0xf: {  	[smem:$0x3FAD] =	sst s7  }
0x10: {  	[smem:$0x3FAE] =	sst s8  }
0x11: {  	[smem:$0x3FAF] =	sst s9;
	s0 =	simm.s32 @!p0 $0x0  }
0x12: {  	s1 =	sld [smem:$0x3F95];
	s0 =	simm.s32 @p0 $0x1  }
0x13: {  	[smem:$0x3FB0] =	sst s0;
	s0 =	simm.s32 @!p1 $0x0  }
0x14: {  	s2 =	sld [smem:$0x3F94];
	s0 =	simm.s32 @p1 $0x1  }
0x15: {  	[smem:$0x3FB1] =	sst s0;
	s0 =	simm.s32 @!p2 $0x0  }
0x16: {  	s3 =	sld [smem:$0x3FDB];
	s0 =	simm.s32 @p2 $0x1  }
0x17: {  	s4 =	simm.s32 $0x1BF5;
	[smem:$0x3FB3] =	sst s0  }
0x18: {  	s0 =	sld [smem:$0x3F96];
	_ =	swait.ge [sflag:s4], $0x0  }
0x19: {  	s7 =	sld [smem:$0x3F97]  }
0x1a: {  	s8 =	sadd.s32 $0xFFFFE003, lr  }
0x1b: {  	s9 =	sadd.s32 $0xFFFFFEF7, lr;
	s5 =	simm.s32 $0xFFFFFFFF;
	p2 =	slt.u32 s8, $0xFFFFF086  }
0x1c: {  	p1 =	slt.u32 s9, $0xF7A;
	s5 =	simm.s32 @!p2 $0x0  }
0x1d: {  	s5 =	simm.s32 @p1 $0x1;
	p0 =	seq.s32 s7, s2  }
0x1e: {  	s7 =	smul.u32 @!p0 $0xF7A, s2;
	p2 =	seq.s32 @!p0 s5, $0x0  }
0x1f: {  	s9 =	smul.u32 $0xF7A, s1;
	s8 =	simm.s32 @!p0 $0x1BF5;
	p2 =	por !p2, p0  }
0x20: {  	[sflag:s8] =	ssyncset.s32 @!p0 $0xFFFFF086;
	s6 =	sadd.s32 @!p0 s3, s7;
	s7 =	simm.s32 @!p0 $0x108  }
0x21: {  	s3 =	sadd.s32 s3, s9;
	s6 =	sadd.s32 @!p0 $0x88, s6;
	s7 =	simm.s32 @p2 $0x1082  }
0x22: {  	[simem:s7], [sflag:s8] =	dma.local @!p0 [hbm:s6], $0xF7A  }
0x23: {  	s9 =	sor.u32 $0xD0000000, s2;
	s6 =	simm.s32 $0x108;
	_ =	swait.ge @!p0 [sflag:s8], $0x0  }
0x24: {  	s3 =	sadd.s32 $0x88, s3;
	s6 =	simm.s32 @!p1 $0x1082;
	[sflag:s4] =	ssyncset.s32 $0xFFFFF086  }
0x25: {  	[simem:s6], [sflag:s4] =	dma.local [hbm:s3], $0xF7A  }
0x26: {  	[smem:$0x3F97] =	sst s1;
	(tag) =	ssettag s2;
	_ =	strace s9  }
0x27: {  	s1 =	sld [smem:$0x3FA7]  }
0x28: {  	s2 =	sld [smem:$0x3FA8]  }
0x29: {  	s4 =	sld [smem:$0x3FAA]  }
0x2a: {  	p0 =	seq.s32 s5, $0x0;
	s5 =	sld [smem:$0x3FAB]  }
0x2b: {  	s6 =	sld [smem:$0x3FAC]  }
0x2c: {  	s7 =	sld [smem:$0x3FAD]  }
0x2d: {  	s3 =	simm.s32 $0x108;
	s8 =	sld [smem:$0x3FAE]  }
0x2e: {  	s3 =	simm.s32 @!p0 $0x1082;
	s9 =	sld [smem:$0x3FAF]  }
0x2f: {  	lr =	sadd.s32 s0, s3;
	s0 =	sld [smem:$0x3FA6]  }
0x30: {  	s3 =	sld [smem:$0x3FA9]  }
0x31: {  	[smem:$0x3FB2] =	sst s10  }
0x32: {  	s10 =	sld [smem:$0x3FB0];
	_ =	sdelay $0x3  }
0x33: {  	p0 =	seq.s32 s10, $0x1;
	s10 =	sld [smem:$0x3FB2];
	_ =	sdelay $0x3  }
0x34: {  	[smem:$0x3FB2] =	sst s10  }
0x35: {  	s10 =	sld [smem:$0x3FB1];
	_ =	sdelay $0x3  }
0x36: {  	p1 =	seq.s32 s10, $0x1;
	s10 =	sld [smem:$0x3FB2];
	_ =	sdelay $0x3  }
0x37: {  	[smem:$0x3FB2] =	sst s10  }
0x38: {  	s10 =	sld [smem:$0x3FB3]  }
0x39: {  	_ = 	snop;
	(pc) =	sbr.ind lr, $3  }
0x3a: {  	_ = 	snop  }
0x3b: {  	_ = 	snop  }
0x3c: {  	p2 =	seq.s32 s10, $0x1;
	s10 =	sld [smem:$0x3FB2]  }
0x3d: {  	_ =	shalt  }
0x3e: {  	_ =	shalt  }
0x3f: {  	_ =	shalt  }
0x40: {  	_ =	shalt  }
0x41: {  	_ =	shalt  }
0x42: {  	_ =	shalt  }
0x43: {  	_ =	shalt  }
0x44: {  	_ =	shalt  }
0x45: {  	_ =	shalt  }
0x46: {  	_ =	shalt  }
0x47: {  	_ =	shalt  }
0x48: {  	_ =	shalt  }
0x49: {  	_ =	shalt  }
0x4a: {  	_ =	shalt  }
0x4b: {  	_ =	shalt  }
0x4c: {  	_ =	shalt  }
0x4d: {  	_ =	shalt  }
0x4e: {  	_ =	shalt  }
0x4f: {  	_ =	shalt  }
0x50: {  	_ =	shalt  }
0x51: {  	_ =	shalt  }
0x52: {  	_ =	shalt  }
0x53: {  	_ =	shalt  }
0x54: {  	_ =	shalt  }
0x55: {  	_ =	shalt  }
0x56: {  	_ =	shalt  }
0x57: {  	_ =	shalt  }
0x58: {  	_ =	shalt  }
0x59: {  	_ =	shalt  }
0x5a: {  	_ =	shalt  }
0x5b: {  	_ =	shalt  }
0x5c: {  	_ =	shalt  }
0x5d: {  	_ =	shalt  }
0x5e: {  	_ =	shalt  }
0x5f: {  	_ =	shalt  }
0x60: {  	_ =	shalt  }
0x61: {  	_ =	shalt  }
0x62: {  	_ =	shalt  }
0x63: {  	_ =	shalt  }
0x64: {  	_ =	shalt  }
0x65: {  	_ =	shalt  }
0x66: {  	_ =	shalt  }
0x67: {  	_ =	shalt  }
0x68: {  	_ =	shalt  }
0x69: {  	_ =	shalt  }
0x6a: {  	_ =	shalt  }
0x6b: {  	_ =	shalt  }
0x6c: {  	_ =	shalt  }
0x6d: {  	_ =	shalt  }
0x6e: {  	_ =	shalt  }
0x6f: {  	_ =	shalt  }
0x70: {  	_ =	shalt  }
0x71: {  	_ =	shalt  }
0x72: {  	_ =	shalt  }
0x73: {  	_ =	shalt  }
0x74: {  	_ =	shalt  }
0x75: {  	_ =	shalt  }
0x76: {  	_ =	shalt  }
0x77: {  	_ =	shalt  }
0x78: {  	_ =	shalt  }
0x79: {  	_ =	shalt  }
0x7a: {  	_ =	shalt  }
0x7b: {  	_ =	shalt  }
0x7c: {  	_ =	shalt  }
0x7d: {  	_ =	shalt  }
0x7e: {  	_ =	shalt  }
0x7f: {  	_ =	shalt  }
0x80: {  	_ =	shalt  }
0x81: {  	_ =	shalt  }
0x82: {  	_ =	shalt  }
0x83: {  	_ =	shalt  }
0x84: {  	_ =	shalt  }
0x85: {  	_ =	shalt  }
0x86: {  	_ =	shalt  }
0x87: {  	_ =	shalt  }
.Lfunc_end0:
.L_simem_size_0:
called_computation_lowered:
.L_overlay_start_0:
0x88: {  	s2 =	sld [smem:$0x3FD9]  }
0x89: {  	s3 =	sld [smem:$0x3FFE];
	_ =	sdelay $0x1  }
0x8a: {  	s1 =	srdreg.scid  }
0x8b: {  	s0 =	sand.u32 $0x1, s1  }
0x8c: {  	s17 =	sshll.u32 s0, $0xA;
	s2 =	sadd.s32 s3, s2  }
0x8d: {  	s2 =	sadd.s32 s2, s17  }
0x8e: {  	[smem:$0x3FBE] =	sst s2  }
0x8f: {  	_ = 	snop  }
0x90: {  	s2 =	sld [smem:$0x3FD0];
	(tm) =	ssettm $0x1  }
0x91: {  	s18 =	sld [smem:$0x3FFB];
	_ =	sdelay $0x3  }
0x92: {  	_ =	strace s18  }
0x93: {  	s3 =	sld [smem:$0x3FFC];
	_ =	sdelay $0x3  }
0x94: {  	_ =	strace s3  }
0x95: {  	s3 =	sld [smem:$0x3FFD];
	_ =	sdelay $0x3  }
0x96: {  	_ =	strace s3  }
0x97: {  	_ =	strace $0x8FFFFFFF  }
0x98: {  	s19 =	sld [smem:$0x3FDB];
	_ =	sdelay $0x1  }
0x99: {  	s4 =	simm.s32 $_scs_section_size  }
0x9a: {  	s5 =	simm.s32 $_size__tile_overlayer_lowered;
	s6 =	simm.s32 $_tile_overlayer_lowered  }
0x9b: {  	s22 =	simm.s32 $0x1BFF;
	s21 =	sshll.u32 s6, $0x1;
	s3 =	sadd.s32 s4, s19  }
0x9c: {  	s7 =	simm.s32 $0x0;
	s20 =	sshll.u32 s5, $0x1;
	s5 =	sadd.s32 s21, s3  }
0x9d: {  	[timem:s7], [sflag:s22] =	dma.local [hbm:s5], s20  }
0x9e: {  	_ =	swait.ge [sflag:s22], s20  }
0x9f: {  	s4 =	ssub.s32 $0x0, s20;
	[sflag:s22] =	ssyncset.done $0x0  }
0xa0: {  	[sflag:s22] =	ssyncadd.s32 s4;
	_ =	sdelay $0x1  }
0xa1: {  	s23 =	simm.s32 $0x1B8B  }
0xa2: {  	_ =	swait.ge [sflag:s23], $0x1  }
0xa3: {  	[sflag:s23] =	ssyncset.done $0x0  }
0xa4: {  	s25 =	simm.s32 $0x1B8E;
	s24 =	sld [smem:$0x3FFE];
	[sflag:s23] =	ssyncadd.s32 $0xFFFFFFFF  }
0xa5: {  	s26 =	simm.s32 $execute0_lowered;
	[smem:$0x3FD2] =	sst s25  }
0xa6: {  	s5 =	sshll.u32 s26, $0x1;
	_ =	strace $0x80000046;
	[dreg:$0x1] =	wrdreg $0xFFFFFFFF  }
0xa7: {  	s28 =	simm.s32 $_size_execute0_lowered;
	s3 =	sadd.s32 s3, s5;
	[dreg:$0x0] =	wrdreg $0x0  }
0xa8: {  	s5 =	sshll.u32 s28, $0x1;
	[dreg:$0x2] =	wrdreg s3  }
0xa9: {  	[dreg:$0x3] =	wrdreg s5  }
0xaa: {  	[dreg:$0x4] =	wrdreg $0xC0  }
0xab: {  	_ =	task [dreg:s7], $0x5FFFF  }
0xac: {  	[dreg:$0x1] =	wrdreg $0xFFFFFFFF  }
0xad: {  	[dreg:$0x0] =	wrdreg $0x60  }
0xae: {  	[dreg:$0x2] =	wrdreg s24  }
0xaf: {  	[dreg:$0x3] =	wrdreg s2  }
0xb0: {  	[dreg:$0x4] =	wrdreg $0x9  }
0xb1: {  	_ =	task.clear_ibuf [dreg:s7], $0x5FFFF;
	_ =	strace $0x90000046  }
0xb2: {  	s29 =	simm.s32 $0x9;
	_ =	strace $0x80000048  }
0xb3: {  	_ =	swait.ge [sflag:s29], $0x1  }
0xb4: {  	[sflag:s29] =	ssyncadd.s32 $0xFFFFFFFF  }
0xb5: {  	_ =	strace $0x90000048  }
0xb6: {  	_ =	sfence  }
0xb7: {  	s30 =	sld [smem:$0x0];
	_ =	sdelay $0x2  }
0xb8: {  	s31 =	sshll.u32 s1, $0xD;
	s1 =	sshrl.u32 s1, $0x2  }
0xb9: {  	s3 =	sand.u32 $0x4000, s31;
	s1 =	sadd.s32 s1, s30  }
0xba: {  	s0 =	sor.u32 s3, s0;
	s1 =	sshll.u32 s1, $0x11  }
0xbb: {  	s0 =	sor.u32 s1, s0  }
0xbc: {  	s0 =	sadd.s32 $0x8F2B, s0  }
0xbd: {  	[sflag:s0] =	ssyncadd.remote.s32 $0x1  }
0xbe: {  	_ =	sfence.sel $0xFFFF  }
0xbf: {  	[dreg:$0x0] =	wrdreg $0xFFFFFFFF;
	(pc) =	sbr.abs _section_cstart, $3  }
0xc0: {  	[dreg:$0x1] =	wrdreg $0xFFFFFFFF  }
0xc1: {  	_ =	task.clear_ibuf [dreg:s7], $0x2FFFF;
	_ =	strace $0x9FFFFFFF  }
0xc2: {  	(tm) =	ssettm $0x7FFFFFFF  }
0xc3: {  	_ =	shalt  }
tec
execute0_lowered:
.L_overlay_start_1:
0x0: {  	(tag) =	ssettag $0x1  }
0x1: {  	s0 =	rddreg [dreg:$0x0]  }
0x2: {  	s2 =	rddreg [dreg:$0x1]  }
0x3: {  	s1 =	srdreg.scid;
	s13 =	stileid.u32  }
0x4: {  	s3 =	simm.s32 $0x0;
	s28 =	simm.s32 $0x1;
	s5 =	smul.u32 $0x2710, s13  }
0x5: {  	s29 =	simm.s32 $0x6680;
	s30 =	simm.s32 $0xC440;
	s11 =	smul.u32 $0x4E20, s13  }
0x6: {  	s1 =	sand.u32 $0x1, s1;
	s4 =	sshll.u32 s13, $0x1;
	s13 =	smul.u32 $0x9C40, s13  }
0x7: {  	s31 =	simm.s32 $0x7620;
	[smem:$0x7FF] =	sst s3;
	s6 =	smul.u32 $0x1388, s1  }
0x8: {  	s26 =	sadd.s32 $0x64600, s0;
	s4 =	sor.u32 s1, s4;
	s12 =	smul.u32 $0x2710, s1  }
0x9: {  	_ =	strace $0x80000047;
	s14 =	smul.u32 $0x4E20, s1;
	[dreg:$0x13] =	wrdreg s26  }
0xa: {  	s1 =	ssub.s32 $0x2, s1;
	s7 =	smul.u32 $0x280, s4;
	s4 =	sadd.s32 $0xC600, s0  }
0xb: {  	s19 =	sshrl.u32 s1, $0x1;
	s5 =	sadd.s32 s6, s5;
	s11 =	sadd.s32 s12, s11  }
0xc: {  	s14 =	sadd.s32 s14, s13;
	s1 =	ssub.s32 s1, s19;
	s12 =	simm.s32 $0x7D  }
0xd: {  	s13 =	simm.s32 $0x2800;
	s19 =	simm.s32 $0xDBB0;
	s6 =	sadd.s32 s7, s0  }
0xe: {  	s7 =	sshll.u32 s5, $0x1;
	s10 =	sshll.u32 s5, $0x2;
	[dreg:$0x9] =	wrdreg s11  }
0xf: {  	s9 =	sadd.s32 $0xFA, s5;
	s0 =	sadd.s32 $0x16400, s0;
	[dreg:$0xa] =	wrdreg s14  }
0x10: {  	s16 =	sadd.s32 $0x2EE, s5;
	s1 =	smax.u32 s1, $0x1;
	[dreg:$0x14] =	wrdreg s0  }
0x11: {  	s5 =	sadd.s32 $0x1F4, s5;
	s8 =	sadd.s32 $0x2EE, s7;
	[dreg:$0x17] =	wrdreg s1  }
0x12: {  	s14 =	simm.s32 $0xA500;
	s21 =	sadd.s32 $0x5DC, s10;
	[dreg:$0x3] =	wrdreg s8  }
0x13: {  	s9 =	sshrl.u32 s9, $0x1;
	s24 =	sadd.s32 $0xFA, s7;
	[dreg:$0x4] =	wrdreg s21  }
0x14: {  	s25 =	sadd.s32 $0x1F4, s10;
	s15 =	sadd.s32 $0x6D6, s7;
	[dreg:$0x7] =	wrdreg s24  }
0x15: {  	s17 =	sadd.s32 $0xDAC, s10;
	s11 =	sshrl.u32 s16, $0x1;
	[dreg:$0x8] =	wrdreg s25  }
0x16: {  	s5 =	sshrl.u32 s5, $0x2;
	s26 =	sadd.s32 $0x2600, s6;
	[dreg:$0xb] =	wrdreg s15  }
0x17: {  	s16 =	simm.s32 $0x37A0;
	s0 =	simm.s32 $0xCC10;
	[dreg:$0xc] =	wrdreg s17  }
0x18: {  	s1 =	simm.s32 $0x85C0;
	s22 =	sshll.u32 s9, $0x2;
	[dreg:$0x16] =	wrdreg s26  }
0x19: {  	s23 =	sshll.u32 s9, $0x3;
	s18 =	sshll.u32 s11, $0x2;
	[dreg:$0x5] =	wrdreg s22  }
0x1a: {  	s20 =	sshll.u32 s11, $0x3;
	s21 =	sadd.s32 $0x4E2, s7;
	[dreg:$0x6] =	wrdreg s23  }
0x1b: {  	s24 =	sadd.s32 $0x7600, s6;
	s25 =	sshll.u32 s5, $0x4;
	[dreg:$0xd] =	wrdreg s18  }
0x1c: {  	s26 =	simm.s32 $0xBC70;
	s15 =	simm.s32 $0xD3E0;
	[dreg:$0xe] =	wrdreg s20  }
0x1d: {  	s17 =	simm.s32 $0x9560;
	s7 =	simm.s32 $0x0;
	[dreg:$0xf] =	wrdreg s21  }
0x1e: {  	s22 =	sadd.s32 $0x9C4, s10;
	s23 =	sshll.u32 s5, $0x3;
	[dreg:$0x15] =	wrdreg s24  }
0x1f: {  	[dreg:$0x12] =	wrdreg s25;
	s18 =	simm.s32 $0xACD0;
	s20 =	simm.s32 $0x4740  }
0x20: {  	s24 =	simm.s32 $0x56E0;
	s21 =	simm.s32 $0x3;
	[dreg:$0x10] =	wrdreg s22  }
0x21: {  	[dreg:$0x11] =	wrdreg s23;
	s22 =	simm.s32 $0xB4A0;
	s23 =	simm.s32 $0x2  }
.LBB2_1:
0x22: {  	[dreg:$0x18] =	wrdreg s7  }
0x23: {  	s5 =	rddreg [dreg:$0x15];
	s6 =	simm.s32 $0x5  }
0x24: {  	[tilespmem:s3], [sflag:$0x5] =	stream.linear.gather [hbm4b:s5+s3], $0x1400, $0x38;
	[tilespmem:$0xE380] =	vst v63  }
0x25: {  	_ =	swait.ge [sflag:s6], $0x1400  }
0x26: {  	[sflag:s6] =	ssyncset.done $0x0  }
0x27: {  	s25 =	simm.s32 $0x1400;
	s11 =	rddreg [dreg:$0x16];
	[sflag:s6] =	ssyncadd.s32 $0xFFFFEC00  }
0x28: {  	[tilespmem:s25], [sflag:$0x5] =	stream.linear.gather [hbm4b:s11+s3], $0x1400, $0x38;
	[tilespmem:$0xE380] =	vst v63  }
0x29: {  	_ =	swait.ge [sflag:s6], $0x1400  }
0x2a: {  	[sflag:s6] =	ssyncset.done $0x0  }
0x2b: {  	[sflag:s6] =	ssyncadd.s32 $0xFFFFEC00  }
0x2c: {  	[tilespmem:s13], [sflag:$0x1] =	stream.indirect.gather [hbm4b:s4+s12], $0x20, s3, s12, $0xb8;
	[tilespmem:$0xE380] =	vst v63  }
0x2d: {  	_ = 	snop  }
0x2e: {  	[tilespmem:s14], [sflag:$0x1] =	stream.indirect.gather [hbm4b:s2+s12], $0x10, s25, s12, $0xb8;
	[tilespmem:$0xE380] =	vst v63  }
0x2f: {  	s7 =	simm.s32 $0x80  }
0x30: {  	[tilespmem:s16], [sflag:$0x1] =	stream.indirect.gather [hbm4b:s4+s12], $0x20, s7, s12, $0xb8;
	[tilespmem:$0xE380] =	vst v63  }
0x31: {  	s8 =	simm.s32 $0x1480  }
0x32: {  	[tilespmem:s18], [sflag:$0x1] =	stream.indirect.gather [hbm4b:s2+s12], $0x10, s8, s12, $0xb8;
	[tilespmem:$0xE380] =	vst v63  }
0x33: {  	s9 =	simm.s32 $0x100  }
0x34: {  	[tilespmem:s20], [sflag:$0x1] =	stream.indirect.gather [hbm4b:s4+s12], $0x20, s9, s12, $0xb8;
	[tilespmem:$0xE380] =	vst v63  }
0x35: {  	s10 =	simm.s32 $0x1500  }
0x36: {  	[tilespmem:s22], [sflag:$0x1] =	stream.indirect.gather [hbm4b:s2+s12], $0x10, s10, s12, $0xb8;
	[tilespmem:$0xE380] =	vst v63  }
0x37: {  	s11 =	simm.s32 $0x180  }
0x38: {  	[tilespmem:s24], [sflag:$0x1] =	stream.indirect.gather [hbm4b:s4+s12], $0x20, s11, s12, $0xb8;
	[tilespmem:$0xE380] =	vst v63  }
0x39: {  	s25 =	simm.s32 $0x1580  }
0x3a: {  	[tilespmem:s26], [sflag:$0x1] =	stream.indirect.gather [hbm4b:s2+s12], $0x10, s25, s12, $0xb8;
	[tilespmem:$0xE380] =	vst v63  }
0x3b: {  	_ =	swait.ge [sflag:s28], $0xFA0  }
0x3c: {  	[sflag:s28] =	ssyncset.done $0x0  }
0x3d: {  	[sflag:s28] =	ssyncadd.s32 $0xFFFFF060  }
0x3e: {  	_ =	swait.ge [sflag:s28], $0x7D0  }
0x3f: {  	[sflag:s28] =	ssyncset.done $0x0  }
0x40: {  	[sflag:s28] =	ssyncadd.s32 $0xFFFFF830  }
0x41: {  	_ =	swait.ge [sflag:s28], $0xFA0  }
0x42: {  	[sflag:s28] =	ssyncset.done $0x0  }
0x43: {  	[sflag:s28] =	ssyncadd.s32 $0xFFFFF060  }
0x44: {  	_ =	swait.ge [sflag:s28], $0x7D0  }
0x45: {  	[sflag:s28] =	ssyncset.done $0x0  }
0x46: {  	[sflag:s28] =	ssyncadd.s32 $0xFFFFF830  }
0x47: {  	_ =	swait.ge [sflag:s28], $0xFA0  }
0x48: {  	[sflag:s28] =	ssyncset.done $0x0  }
0x49: {  	[sflag:s28] =	ssyncadd.s32 $0xFFFFF060  }
0x4a: {  	_ =	swait.ge [sflag:s28], $0x7D0  }
0x4b: {  	[sflag:s28] =	ssyncset.done $0x0  }
0x4c: {  	[sflag:s28] =	ssyncadd.s32 $0xFFFFF830  }
0x4d: {  	_ =	swait.ge [sflag:s28], $0xFA0  }
0x4e: {  	[sflag:s28] =	ssyncset.done $0x0  }
0x4f: {  	[sflag:s28] =	ssyncadd.s32 $0xFFFFF060  }
0x50: {  	_ =	swait.ge [sflag:s28], $0x7D0  }
0x51: {  	s6 =	rddreg [dreg:$0xa]  }
0x52: {  	s7 =	rddreg [dreg:$0x9]  }
0x53: {  	[sflag:s28] =	ssyncset.done $0x0;
	s8 =	rddreg [dreg:$0x13]  }
0x54: {  	s9 =	rddreg [dreg:$0x14];
	[sflag:s28] =	ssyncadd.s32 $0xFFFFF830;
	s5 =	sadd.s32 s8, s6  }
0x55: {  	[hbm4b:s5+s3] =	stream.linear.scatter [tilespmem:s13], [sflag:$0x3], $0xFA0, $0x38;
	[tilespmem:$0xE380] =	vst v63  }
0x56: {  	s10 =	rddreg [dreg:$0x8];
	s11 =	sadd.s32 s9, s7  }
0x57: {  	[hbm4b:s11+s3] =	stream.linear.scatter [tilespmem:s14], [sflag:$0x3], $0x7D0, $0x38;
	[tilespmem:$0xE380] =	vst v63  }
0x58: {  	s25 =	rddreg [dreg:$0x7];
	s7 =	sadd.s32 s8, s10  }
0x59: {  	[hbm4b:s7+s3] =	stream.linear.scatter [tilespmem:s16], [sflag:$0x3], $0xFA0, $0x38;
	[tilespmem:$0xE380] =	vst v63  }
0x5a: {  	s10 =	rddreg [dreg:$0x6];
	s11 =	sadd.s32 s9, s25  }
0x5b: {  	[hbm4b:s11+s3] =	stream.linear.scatter [tilespmem:s18], [sflag:$0x3], $0x7D0, $0x38;
	[tilespmem:$0xE380] =	vst v63  }
0x5c: {  	s25 =	rddreg [dreg:$0x5];
	s7 =	sadd.s32 s8, s10  }
0x5d: {  	[hbm4b:s7+s3] =	stream.linear.scatter [tilespmem:s20], [sflag:$0x3], $0xFA0, $0x38;
	[tilespmem:$0xE380] =	vst v63  }
0x5e: {  	s10 =	rddreg [dreg:$0x4];
	s11 =	sadd.s32 s9, s25  }
0x5f: {  	[hbm4b:s11+s3] =	stream.linear.scatter [tilespmem:s22], [sflag:$0x3], $0x7D0, $0x38;
	[tilespmem:$0xE380] =	vst v63  }
0x60: {  	p0 =	por $0x1, $0x1;
	s10 =	sadd.s32 s8, s10;
	s25 =	rddreg [dreg:$0x3]  }
0x61: {  	[hbm4b:s10+s3] =	stream.linear.scatter [tilespmem:s24], [sflag:$0x3], $0xFA0, $0x38;
	[tilespmem:$0xE380] =	vst v63  }
0x62: {  	s5 =	simm.s32 @!p0 $0x4;
	s11 =	sadd.s32 s9, s25  }
0x63: {  	[hbm4b:s11+s3] =	stream.linear.scatter [tilespmem:s26], [sflag:$0x3], $0x7D0, $0x38;
	[tilespmem:$0xE380] =	vst v63  }
0x64: {  	_ =	swait.ge @!p0 [sflag:s5], $0xFA0  }
0x65: {  	[sflag:s5] =	ssyncset.done @!p0 $0x0  }
0x66: {  	[sflag:s5] =	ssyncadd.s32 @!p0 $0xFFFFF060  }
0x67: {  	_ =	swait.ge @!p0 [sflag:s5], $0x7D0  }
0x68: {  	[sflag:s5] =	ssyncset.done @!p0 $0x0  }
0x69: {  	[sflag:s5] =	ssyncadd.s32 @!p0 $0xFFFFF830  }
0x6a: {  	_ =	swait.ge @!p0 [sflag:s5], $0xFA0  }
0x6b: {  	[sflag:s5] =	ssyncset.done @!p0 $0x0  }
0x6c: {  	[sflag:s5] =	ssyncadd.s32 @!p0 $0xFFFFF060  }
0x6d: {  	_ =	swait.ge @!p0 [sflag:s5], $0x7D0  }
0x6e: {  	[sflag:s5] =	ssyncset.done @!p0 $0x0  }
0x6f: {  	[sflag:s5] =	ssyncadd.s32 @!p0 $0xFFFFF830  }
0x70: {  	_ =	swait.ge @!p0 [sflag:s5], $0xFA0  }
0x71: {  	[sflag:s5] =	ssyncset.done @!p0 $0x0  }
0x72: {  	[sflag:s5] =	ssyncadd.s32 @!p0 $0xFFFFF060  }
0x73: {  	_ =	swait.ge @!p0 [sflag:s5], $0x7D0  }
0x74: {  	[sflag:s5] =	ssyncset.done @!p0 $0x0  }
0x75: {  	[sflag:s5] =	ssyncadd.s32 @!p0 $0xFFFFF830  }
0x76: {  	_ =	swait.ge @!p0 [sflag:s5], $0xFA0  }
0x77: {  	[sflag:s5] =	ssyncset.done @!p0 $0x0  }
0x78: {  	[sflag:s5] =	ssyncadd.s32 @!p0 $0xFFFFF060  }
0x79: {  	_ =	swait.ge @!p0 [sflag:s5], $0x7D0  }
0x7a: {  	[sflag:s5] =	ssyncset.done @!p0 $0x0  }
0x7b: {  	s25 =	simm.s32 $0x200;
	[sflag:s5] =	ssyncadd.s32 @!p0 $0xFFFFF830  }
0x7c: {  	[tilespmem:s29], [sflag:$0x2] =	stream.indirect.gather [hbm4b:s4+s12], $0x20, s25, s12, $0xb8;
	[tilespmem:$0xE380] =	vst v63  }
0x7d: {  	s6 =	simm.s32 $0x1600  }
0x7e: {  	[tilespmem:s30], [sflag:$0x2] =	stream.indirect.gather [hbm4b:s2+s12], $0x10, s6, s12, $0xb8;
	[tilespmem:$0xE380] =	vst v63  }
0x7f: {  	s7 =	simm.s32 $0x280  }
0x80: {  	[tilespmem:s31], [sflag:$0x2] =	stream.indirect.gather [hbm4b:s4+s12], $0x20, s7, s12, $0xb8;
	[tilespmem:$0xE380] =	vst v63  }
0x81: {  	s10 =	simm.s32 $0x1680  }
0x82: {  	[tilespmem:s0], [sflag:$0x2] =	stream.indirect.gather [hbm4b:s2+s12], $0x10, s10, s12, $0xb8;
	[tilespmem:$0xE380] =	vst v63  }
0x83: {  	s11 =	simm.s32 $0x300  }
0x84: {  	[tilespmem:s1], [sflag:$0x2] =	stream.indirect.gather [hbm4b:s4+s12], $0x20, s11, s12, $0xb8;
	[tilespmem:$0xE380] =	vst v63  }
0x85: {  	s25 =	simm.s32 $0x1700  }
0x86: {  	[tilespmem:s15], [sflag:$0x2] =	stream.indirect.gather [hbm4b:s2+s12], $0x10, s25, s12, $0xb8;
	[tilespmem:$0xE380] =	vst v63  }
0x87: {  	s6 =	simm.s32 $0x380  }
0x88: {  	[tilespmem:s17], [sflag:$0x2] =	stream.indirect.gather [hbm4b:s4+s12], $0x20, s6, s12, $0xb8;
	[tilespmem:$0xE380] =	vst v63  }
0x89: {  	s7 =	simm.s32 $0x1780  }
0x8a: {  	[tilespmem:s19], [sflag:$0x2] =	stream.indirect.gather [hbm4b:s2+s12], $0x10, s7, s12, $0xb8;
	[tilespmem:$0xE380] =	vst v63  }
0x8b: {  	_ =	swait.ge [sflag:s21], $0xFA0  }
0x8c: {  	[sflag:s21] =	ssyncset.done $0x0  }
0x8d: {  	[sflag:s21] =	ssyncadd.s32 $0xFFFFF060  }
0x8e: {  	_ =	swait.ge [sflag:s21], $0x7D0  }
0x8f: {  	[sflag:s21] =	ssyncset.done $0x0  }
0x90: {  	[sflag:s21] =	ssyncadd.s32 $0xFFFFF830  }
0x91: {  	_ =	swait.ge [sflag:s21], $0xFA0  }
0x92: {  	[sflag:s21] =	ssyncset.done $0x0  }
0x93: {  	[sflag:s21] =	ssyncadd.s32 $0xFFFFF060  }
0x94: {  	_ =	swait.ge [sflag:s21], $0x7D0  }
0x95: {  	[sflag:s21] =	ssyncset.done $0x0  }
0x96: {  	[sflag:s21] =	ssyncadd.s32 $0xFFFFF830  }
0x97: {  	_ =	swait.ge [sflag:s21], $0xFA0  }
0x98: {  	[sflag:s21] =	ssyncset.done $0x0  }
0x99: {  	[sflag:s21] =	ssyncadd.s32 $0xFFFFF060  }
0x9a: {  	_ =	swait.ge [sflag:s21], $0x7D0  }
0x9b: {  	[sflag:s21] =	ssyncset.done $0x0  }
0x9c: {  	[sflag:s21] =	ssyncadd.s32 $0xFFFFF830  }
0x9d: {  	_ =	swait.ge [sflag:s21], $0xFA0  }
0x9e: {  	[sflag:s21] =	ssyncset.done $0x0  }
0x9f: {  	[sflag:s21] =	ssyncadd.s32 $0xFFFFF060  }
0xa0: {  	p0 =	por $0x0, $0x0;
	_ =	swait.ge [sflag:s21], $0x7D0  }
0xa1: {  	s5 =	simm.s32 @!p0 $0x2800;
	[sflag:s21] =	ssyncset.done $0x0  }
0xa2: {  	s6 =	simm.s32 @!p0 $0x400;
	s7 =	simm.s32 @!p0 $0x7D;
	[sflag:s21] =	ssyncadd.s32 $0xFFFFF830  }
0xa3: {  	[tilespmem:s5], [sflag:$0x1] =	stream.indirect.gather @!p0 [hbm4b:s4+s7], $0x20, s6, s7, $0xb8;
	[tilespmem:$0xE380] =	vst v63  }
0xa4: {  	s5 =	simm.s32 @!p0 $0x1800;
	s6 =	simm.s32 @!p0 $0xA500  }
0xa5: {  	[tilespmem:s6], [sflag:$0x1] =	stream.indirect.gather @!p0 [hbm4b:s2+s7], $0x10, s5, s7, $0xb8;
	[tilespmem:$0xE380] =	vst v63  }
0xa6: {  	s5 =	simm.s32 @!p0 $0x480;
	s6 =	simm.s32 @!p0 $0x37A0  }
0xa7: {  	[tilespmem:s6], [sflag:$0x1] =	stream.indirect.gather @!p0 [hbm4b:s4+s7], $0x20, s5, s7, $0xb8;
	[tilespmem:$0xE380] =	vst v63  }
0xa8: {  	s5 =	simm.s32 @!p0 $0x1880;
	s6 =	simm.s32 @!p0 $0xACD0  }
0xa9: {  	[tilespmem:s6], [sflag:$0x1] =	stream.indirect.gather @!p0 [hbm4b:s2+s7], $0x10, s5, s7, $0xb8;
	[tilespmem:$0xE380] =	vst v63  }
0xaa: {  	s5 =	simm.s32 @!p0 $0x500;
	s6 =	simm.s32 @!p0 $0x4740  }
0xab: {  	[tilespmem:s6], [sflag:$0x1] =	stream.indirect.gather @!p0 [hbm4b:s4+s7], $0x20, s5, s7, $0xb8;
	[tilespmem:$0xE380] =	vst v63  }
0xac: {  	s5 =	simm.s32 @!p0 $0x1900;
	s6 =	simm.s32 @!p0 $0xB4A0  }
0xad: {  	[tilespmem:s6], [sflag:$0x1] =	stream.indirect.gather @!p0 [hbm4b:s2+s7], $0x10, s5, s7, $0xb8;
	[tilespmem:$0xE380] =	vst v63  }
0xae: {  	s5 =	simm.s32 @!p0 $0x580;
	s6 =	simm.s32 @!p0 $0x56E0  }
0xaf: {  	[tilespmem:s6], [sflag:$0x1] =	stream.indirect.gather @!p0 [hbm4b:s4+s7], $0x20, s5, s7, $0xb8;
	[tilespmem:$0xE380] =	vst v63  }
0xb0: {  	s5 =	simm.s32 @!p0 $0x1980;
	s6 =	simm.s32 @!p0 $0xBC70  }
0xb1: {  	[tilespmem:s6], [sflag:$0x1] =	stream.indirect.gather @!p0 [hbm4b:s2+s7], $0x10, s5, s7, $0xb8;
	[tilespmem:$0xE380] =	vst v63  }
0xb2: {  	_ =	swait.ge [sflag:s23], $0xFA0  }
0xb3: {  	[sflag:s23] =	ssyncset.done $0x0  }
0xb4: {  	[sflag:s23] =	ssyncadd.s32 $0xFFFFF060  }
0xb5: {  	_ =	swait.ge [sflag:s23], $0x7D0  }
0xb6: {  	[sflag:s23] =	ssyncset.done $0x0  }
0xb7: {  	[sflag:s23] =	ssyncadd.s32 $0xFFFFF830  }
0xb8: {  	_ =	swait.ge [sflag:s23], $0xFA0  }
0xb9: {  	[sflag:s23] =	ssyncset.done $0x0  }
0xba: {  	[sflag:s23] =	ssyncadd.s32 $0xFFFFF060  }
0xbb: {  	_ =	swait.ge [sflag:s23], $0x7D0  }
0xbc: {  	[sflag:s23] =	ssyncset.done $0x0  }
0xbd: {  	[sflag:s23] =	ssyncadd.s32 $0xFFFFF830  }
0xbe: {  	_ =	swait.ge [sflag:s23], $0xFA0  }
0xbf: {  	[sflag:s23] =	ssyncset.done $0x0  }
0xc0: {  	[sflag:s23] =	ssyncadd.s32 $0xFFFFF060  }
0xc1: {  	_ =	swait.ge [sflag:s23], $0x7D0  }
0xc2: {  	[sflag:s23] =	ssyncset.done $0x0  }
0xc3: {  	[sflag:s23] =	ssyncadd.s32 $0xFFFFF830  }
0xc4: {  	_ =	swait.ge [sflag:s23], $0xFA0  }
0xc5: {  	[sflag:s23] =	ssyncset.done $0x0  }
0xc6: {  	[sflag:s23] =	ssyncadd.s32 $0xFFFFF060  }
0xc7: {  	_ =	swait.ge [sflag:s23], $0x7D0  }
0xc8: {  	s10 =	rddreg [dreg:$0x12]  }
0xc9: {  	[sflag:s23] =	ssyncset.done $0x0;
	s11 =	rddreg [dreg:$0x11]  }
0xca: {  	s25 =	rddreg [dreg:$0x10];
	[sflag:s23] =	ssyncadd.s32 $0xFFFFF830;
	s5 =	sadd.s32 s8, s10  }
0xcb: {  	[hbm4b:s5+s3] =	stream.linear.scatter [tilespmem:s29], [sflag:$0x4], $0xFA0, $0x38;
	[tilespmem:$0xE380] =	vst v63  }
0xcc: {  	s10 =	rddreg [dreg:$0xf];
	s6 =	sadd.s32 s9, s11  }
0xcd: {  	[hbm4b:s6+s3] =	stream.linear.scatter [tilespmem:s30], [sflag:$0x4], $0x7D0, $0x38;
	[tilespmem:$0xE380] =	vst v63  }
0xce: {  	s11 =	sadd.s32 s8, s25;
	s25 =	rddreg [dreg:$0xe]  }
0xcf: {  	[hbm4b:s11+s3] =	stream.linear.scatter [tilespmem:s31], [sflag:$0x4], $0xFA0, $0x38;
	[tilespmem:$0xE380] =	vst v63  }
0xd0: {  	s5 =	sadd.s32 s9, s10;
	s10 =	rddreg [dreg:$0xd]  }
0xd1: {  	[hbm4b:s5+s3] =	stream.linear.scatter [tilespmem:s0], [sflag:$0x4], $0x7D0, $0x38;
	[tilespmem:$0xE380] =	vst v63  }
0xd2: {  	s7 =	simm.s32 $0x1000;
	s11 =	sadd.s32 s8, s25;
	s25 =	rddreg [dreg:$0xc]  }
0xd3: {  	[hbm4b:s11+s3] =	stream.linear.scatter [tilespmem:s1], [sflag:$0x4], $0xFA0, $0x38;
	[tilespmem:$0xE380] =	vst v63  }
0xd4: {  	s10 =	sadd.s32 s9, s10;
	s6 =	smov.u32 s9;
	s11 =	rddreg [dreg:$0xb]  }
0xd5: {  	[hbm4b:s10+s3] =	stream.linear.scatter [tilespmem:s15], [sflag:$0x4], $0x7D0, $0x38;
	[tilespmem:$0xE380] =	vst v63  }
0xd6: {  	s25 =	sadd.s32 s8, s25;
	s5 =	smov.u32 s8;
	s11 =	sadd.s32 s9, s11  }
0xd7: {  	[hbm4b:s25+s3] =	stream.linear.scatter [tilespmem:s17], [sflag:$0x4], $0xFA0, $0x38;
	[tilespmem:$0xE380] =	vst v63  }
.LBB2_2:
0xd8: {  	[hbm4b:s11+s3] =	stream.linear.scatter [tilespmem:s19], [sflag:$0x4], $0x7D0, $0x38;
	[tilespmem:$0xE380] =	vst v63  }
0xd9: {  	_ =	swait.ge [sflag:s28], $0xFA0  }
0xda: {  	[sflag:s28] =	ssyncset.done $0x0  }
0xdb: {  	[sflag:s28] =	ssyncadd.s32 $0xFFFFF060  }
0xdc: {  	_ =	swait.ge [sflag:s28], $0x7D0  }
0xdd: {  	[sflag:s28] =	ssyncset.done $0x0  }
0xde: {  	[sflag:s28] =	ssyncadd.s32 $0xFFFFF830  }
0xdf: {  	_ =	swait.ge [sflag:s28], $0xFA0  }
0xe0: {  	[sflag:s28] =	ssyncset.done $0x0  }
0xe1: {  	[sflag:s28] =	ssyncadd.s32 $0xFFFFF060  }
0xe2: {  	_ =	swait.ge [sflag:s28], $0x7D0  }
0xe3: {  	[sflag:s28] =	ssyncset.done $0x0  }
0xe4: {  	[sflag:s28] =	ssyncadd.s32 $0xFFFFF830  }
0xe5: {  	_ =	swait.ge [sflag:s28], $0xFA0  }
0xe6: {  	[sflag:s28] =	ssyncset.done $0x0  }
0xe7: {  	[sflag:s28] =	ssyncadd.s32 $0xFFFFF060  }
0xe8: {  	_ =	swait.ge [sflag:s28], $0x7D0  }
0xe9: {  	[sflag:s28] =	ssyncset.done $0x0  }
0xea: {  	[sflag:s28] =	ssyncadd.s32 $0xFFFFF830  }
0xeb: {  	_ =	swait.ge [sflag:s28], $0xFA0  }
0xec: {  	[sflag:s28] =	ssyncset.done $0x0  }
0xed: {  	[sflag:s28] =	ssyncadd.s32 $0xFFFFF060  }
0xee: {  	s6 =	sadd.s32 $0x7D0, s6;
	_ =	swait.ge [sflag:s28], $0x7D0  }
0xef: {  	s5 =	sadd.s32 $0xFA0, s5;
	s8 =	rddreg [dreg:$0xa];
	[sflag:s28] =	ssyncset.done $0x0  }
0xf0: {  	s9 =	rddreg [dreg:$0x9];
	[sflag:s28] =	ssyncadd.s32 $0xFFFFF830;
	s11 =	sadd.s32 s5, s8  }
0xf1: {  	[hbm4b:s11+s3] =	stream.linear.scatter [tilespmem:s13], [sflag:$0x3], $0xFA0, $0x38;
	[tilespmem:$0xE380] =	vst v63  }
0xf2: {  	s8 =	rddreg [dreg:$0x8];
	s9 =	sadd.s32 s6, s9  }
0xf3: {  	[hbm4b:s9+s3] =	stream.linear.scatter [tilespmem:s14], [sflag:$0x3], $0x7D0, $0x38;
	[tilespmem:$0xE380] =	vst v63  }
0xf4: {  	s13 =	rddreg [dreg:$0x7];
	s8 =	sadd.s32 s5, s8  }
0xf5: {  	[hbm4b:s8+s3] =	stream.linear.scatter [tilespmem:s16], [sflag:$0x3], $0xFA0, $0x38;
	[tilespmem:$0xE380] =	vst v63  }
0xf6: {  	s14 =	rddreg [dreg:$0x6];
	s16 =	sadd.s32 s6, s13  }
0xf7: {  	[hbm4b:s16+s3] =	stream.linear.scatter [tilespmem:s18], [sflag:$0x3], $0x7D0, $0x38;
	[tilespmem:$0xE380] =	vst v63  }
0xf8: {  	s25 =	rddreg [dreg:$0x5];
	s13 =	sadd.s32 s5, s14  }
0xf9: {  	[hbm4b:s13+s3] =	stream.linear.scatter [tilespmem:s20], [sflag:$0x3], $0xFA0, $0x38;
	[tilespmem:$0xE380] =	vst v63  }
0xfa: {  	s10 =	smov.u32 s7;
	s14 =	rddreg [dreg:$0x4];
	s16 =	sadd.s32 s6, s25  }
0xfb: {  	[hbm4b:s16+s3] =	stream.linear.scatter [tilespmem:s22], [sflag:$0x3], $0x7D0, $0x38;
	[tilespmem:$0xE380] =	vst v63  }
0xfc: {  	p1 =	seq.s32 s10, $0x0;
	s9 =	sadd.s32 s5, s14;
	s25 =	rddreg [dreg:$0x3]  }
0xfd: {  	[hbm4b:s9+s3] =	stream.linear.scatter [tilespmem:s24], [sflag:$0x3], $0xFA0, $0x38;
	[tilespmem:$0xE380] =	vst v63  }
0xfe: {  	s8 =	simm.s32 @!p1 $0x4;
	s11 =	sadd.s32 s6, s25  }
0xff: {  	[hbm4b:s11+s3] =	stream.linear.scatter [tilespmem:s26], [sflag:$0x3], $0x7D0, $0x38;
	[tilespmem:$0xE380] =	vst v63  }
0x100: {  	_ =	swait.ge @!p1 [sflag:s8], $0xFA0  }
0x101: {  	[sflag:s8] =	ssyncset.done @!p1 $0x0  }
0x102: {  	[sflag:s8] =	ssyncadd.s32 @!p1 $0xFFFFF060  }
0x103: {  	_ =	swait.ge @!p1 [sflag:s8], $0x7D0  }
0x104: {  	[sflag:s8] =	ssyncset.done @!p1 $0x0  }
0x105: {  	[sflag:s8] =	ssyncadd.s32 @!p1 $0xFFFFF830  }
0x106: {  	_ =	swait.ge @!p1 [sflag:s8], $0xFA0  }
0x107: {  	[sflag:s8] =	ssyncset.done @!p1 $0x0  }
0x108: {  	[sflag:s8] =	ssyncadd.s32 @!p1 $0xFFFFF060  }
0x109: {  	_ =	swait.ge @!p1 [sflag:s8], $0x7D0  }
0x10a: {  	[sflag:s8] =	ssyncset.done @!p1 $0x0  }
0x10b: {  	[sflag:s8] =	ssyncadd.s32 @!p1 $0xFFFFF830  }
0x10c: {  	_ =	swait.ge @!p1 [sflag:s8], $0xFA0  }
0x10d: {  	[sflag:s8] =	ssyncset.done @!p1 $0x0  }
0x10e: {  	[sflag:s8] =	ssyncadd.s32 @!p1 $0xFFFFF060  }
0x10f: {  	_ =	swait.ge @!p1 [sflag:s8], $0x7D0  }
0x110: {  	[sflag:s8] =	ssyncset.done @!p1 $0x0  }
0x111: {  	[sflag:s8] =	ssyncadd.s32 @!p1 $0xFFFFF830  }
0x112: {  	_ =	swait.ge @!p1 [sflag:s8], $0xFA0  }
0x113: {  	[sflag:s8] =	ssyncset.done @!p1 $0x0  }
0x114: {  	[sflag:s8] =	ssyncadd.s32 @!p1 $0xFFFFF060  }
0x115: {  	_ =	swait.ge @!p1 [sflag:s8], $0x7D0  }
0x116: {  	s9 =	sshra.s32 s10, $0x2;
	[sflag:s8] =	ssyncset.done @!p1 $0x0  }
0x117: {  	s13 =	sadd.s32 $0x200, s9;
	[sflag:s8] =	ssyncadd.s32 @!p1 $0xFFFFF830  }
0x118: {  	[tilespmem:s29], [sflag:$0x2] =	stream.indirect.gather [hbm4b:s4+s12], $0x20, s13, s12, $0xb8;
	[tilespmem:$0xE380] =	vst v63  }
0x119: {  	s14 =	sadd.s32 $0x1600, s9  }
0x11a: {  	[tilespmem:s30], [sflag:$0x2] =	stream.indirect.gather [hbm4b:s2+s12], $0x10, s14, s12, $0xb8;
	[tilespmem:$0xE380] =	vst v63  }
0x11b: {  	s16 =	sadd.s32 $0x280, s9  }
0x11c: {  	[tilespmem:s31], [sflag:$0x2] =	stream.indirect.gather [hbm4b:s4+s12], $0x20, s16, s12, $0xb8;
	[tilespmem:$0xE380] =	vst v63  }
0x11d: {  	s25 =	sadd.s32 $0x1680, s9  }
0x11e: {  	[tilespmem:s0], [sflag:$0x2] =	stream.indirect.gather [hbm4b:s2+s12], $0x10, s25, s12, $0xb8;
	[tilespmem:$0xE380] =	vst v63  }
0x11f: {  	s13 =	sadd.s32 $0x300, s9  }
0x120: {  	[tilespmem:s1], [sflag:$0x2] =	stream.indirect.gather [hbm4b:s4+s12], $0x20, s13, s12, $0xb8;
	[tilespmem:$0xE380] =	vst v63  }
0x121: {  	s14 =	sadd.s32 $0x1700, s9  }
0x122: {  	[tilespmem:s15], [sflag:$0x2] =	stream.indirect.gather [hbm4b:s2+s12], $0x10, s14, s12, $0xb8;
	[tilespmem:$0xE380] =	vst v63  }
0x123: {  	s16 =	sadd.s32 $0x380, s9  }
0x124: {  	[tilespmem:s17], [sflag:$0x2] =	stream.indirect.gather [hbm4b:s4+s12], $0x20, s16, s12, $0xb8;
	[tilespmem:$0xE380] =	vst v63  }
0x125: {  	s25 =	sadd.s32 $0x1780, s9  }
0x126: {  	[tilespmem:s19], [sflag:$0x2] =	stream.indirect.gather [hbm4b:s2+s12], $0x10, s25, s12, $0xb8;
	[tilespmem:$0xE380] =	vst v63  }
0x127: {  	_ =	swait.ge [sflag:s21], $0xFA0  }
0x128: {  	[sflag:s21] =	ssyncset.done $0x0  }
0x129: {  	[sflag:s21] =	ssyncadd.s32 $0xFFFFF060  }
0x12a: {  	_ =	swait.ge [sflag:s21], $0x7D0  }
0x12b: {  	[sflag:s21] =	ssyncset.done $0x0  }
0x12c: {  	[sflag:s21] =	ssyncadd.s32 $0xFFFFF830  }
0x12d: {  	_ =	swait.ge [sflag:s21], $0xFA0  }
0x12e: {  	[sflag:s21] =	ssyncset.done $0x0  }
0x12f: {  	[sflag:s21] =	ssyncadd.s32 $0xFFFFF060  }
0x130: {  	_ =	swait.ge [sflag:s21], $0x7D0  }
0x131: {  	[sflag:s21] =	ssyncset.done $0x0  }
0x132: {  	[sflag:s21] =	ssyncadd.s32 $0xFFFFF830  }
0x133: {  	_ =	swait.ge [sflag:s21], $0xFA0  }
0x134: {  	[sflag:s21] =	ssyncset.done $0x0  }
0x135: {  	[sflag:s21] =	ssyncadd.s32 $0xFFFFF060  }
0x136: {  	_ =	swait.ge [sflag:s21], $0x7D0  }
0x137: {  	[sflag:s21] =	ssyncset.done $0x0  }
0x138: {  	[sflag:s21] =	ssyncadd.s32 $0xFFFFF830  }
0x139: {  	_ =	swait.ge [sflag:s21], $0xFA0  }
0x13a: {  	[sflag:s21] =	ssyncset.done $0x0  }
0x13b: {  	[sflag:s21] =	ssyncadd.s32 $0xFFFFF060  }
0x13c: {  	p1 =	seq.s32 s10, $0x4000;
	_ =	swait.ge [sflag:s21], $0x7D0  }
0x13d: {  	s8 =	sshra.s32 @!p1 s10, $0x2;
	s11 =	simm.s32 @!p1 $0x7D;
	[sflag:s21] =	ssyncset.done $0x0  }
0x13e: {  	s10 =	sadd.s32 @!p1 $0x400, s8;
	s9 =	simm.s32 @!p1 $0x2800;
	[sflag:s21] =	ssyncadd.s32 $0xFFFFF830  }
0x13f: {  	[tilespmem:s9], [sflag:$0x1] =	stream.indirect.gather @!p1 [hbm4b:s4+s11], $0x20, s10, s11, $0xb8;
	[tilespmem:$0xE380] =	vst v63  }
0x140: {  	s13 =	simm.s32 @!p1 $0xA500;
	s25 =	sadd.s32 @!p1 $0x1800, s8  }
0x141: {  	[tilespmem:s13], [sflag:$0x1] =	stream.indirect.gather @!p1 [hbm4b:s2+s11], $0x10, s25, s11, $0xb8;
	[tilespmem:$0xE380] =	vst v63  }
0x142: {  	s9 =	sadd.s32 @!p1 $0x480, s8;
	s10 =	simm.s32 @!p1 $0x37A0  }
0x143: {  	[tilespmem:s10], [sflag:$0x1] =	stream.indirect.gather @!p1 [hbm4b:s4+s11], $0x20, s9, s11, $0xb8;
	[tilespmem:$0xE380] =	vst v63  }
0x144: {  	s14 =	sadd.s32 @!p1 $0x1880, s8;
	s13 =	simm.s32 @!p1 $0xACD0  }
0x145: {  	[tilespmem:s13], [sflag:$0x1] =	stream.indirect.gather @!p1 [hbm4b:s2+s11], $0x10, s14, s11, $0xb8;
	[tilespmem:$0xE380] =	vst v63  }
0x146: {  	s25 =	sadd.s32 @!p1 $0x500, s8;
	s9 =	simm.s32 @!p1 $0x4740  }
0x147: {  	[tilespmem:s9], [sflag:$0x1] =	stream.indirect.gather @!p1 [hbm4b:s4+s11], $0x20, s25, s11, $0xb8;
	[tilespmem:$0xE380] =	vst v63  }
0x148: {  	s16 =	sadd.s32 @!p1 $0x1900, s8;
	s13 =	simm.s32 @!p1 $0xB4A0  }
0x149: {  	[tilespmem:s13], [sflag:$0x1] =	stream.indirect.gather @!p1 [hbm4b:s2+s11], $0x10, s16, s11, $0xb8;
	[tilespmem:$0xE380] =	vst v63  }
0x14a: {  	s10 =	sadd.s32 @!p1 $0x580, s8;
	s9 =	simm.s32 @!p1 $0x56E0  }
0x14b: {  	[tilespmem:s9], [sflag:$0x1] =	stream.indirect.gather @!p1 [hbm4b:s4+s11], $0x20, s10, s11, $0xb8;
	[tilespmem:$0xE380] =	vst v63  }
0x14c: {  	s8 =	sadd.s32 @!p1 $0x1980, s8;
	s13 =	simm.s32 @!p1 $0xBC70  }
0x14d: {  	[tilespmem:s13], [sflag:$0x1] =	stream.indirect.gather @!p1 [hbm4b:s2+s11], $0x10, s8, s11, $0xb8;
	[tilespmem:$0xE380] =	vst v63  }
0x14e: {  	_ =	swait.ge [sflag:s23], $0xFA0  }
0x14f: {  	[sflag:s23] =	ssyncset.done $0x0  }
0x150: {  	[sflag:s23] =	ssyncadd.s32 $0xFFFFF060  }
0x151: {  	_ =	swait.ge [sflag:s23], $0x7D0  }
0x152: {  	[sflag:s23] =	ssyncset.done $0x0  }
0x153: {  	[sflag:s23] =	ssyncadd.s32 $0xFFFFF830  }
0x154: {  	_ =	swait.ge [sflag:s23], $0xFA0  }
0x155: {  	[sflag:s23] =	ssyncset.done $0x0  }
0x156: {  	[sflag:s23] =	ssyncadd.s32 $0xFFFFF060  }
0x157: {  	_ =	swait.ge [sflag:s23], $0x7D0  }
0x158: {  	[sflag:s23] =	ssyncset.done $0x0  }
0x159: {  	[sflag:s23] =	ssyncadd.s32 $0xFFFFF830  }
0x15a: {  	_ =	swait.ge [sflag:s23], $0xFA0  }
0x15b: {  	[sflag:s23] =	ssyncset.done $0x0  }
0x15c: {  	[sflag:s23] =	ssyncadd.s32 $0xFFFFF060  }
0x15d: {  	_ =	swait.ge [sflag:s23], $0x7D0  }
0x15e: {  	[sflag:s23] =	ssyncset.done $0x0  }
0x15f: {  	[sflag:s23] =	ssyncadd.s32 $0xFFFFF830  }
0x160: {  	_ =	swait.ge [sflag:s23], $0xFA0  }
0x161: {  	[sflag:s23] =	ssyncset.done $0x0  }
0x162: {  	[sflag:s23] =	ssyncadd.s32 $0xFFFFF060  }
0x163: {  	_ =	swait.ge [sflag:s23], $0x7D0  }
0x164: {  	s9 =	rddreg [dreg:$0x12];
	[sflag:s23] =	ssyncset.done $0x0  }
0x165: {  	s10 =	rddreg [dreg:$0x11];
	[sflag:s23] =	ssyncadd.s32 $0xFFFFF830;
	s8 =	sadd.s32 s5, s9  }
0x166: {  	[hbm4b:s8+s3] =	stream.linear.scatter [tilespmem:s29], [sflag:$0x4], $0xFA0, $0x38;
	[tilespmem:$0xE380] =	vst v63  }
0x167: {  	s25 =	rddreg [dreg:$0x10];
	s9 =	sadd.s32 s6, s10  }
0x168: {  	[hbm4b:s9+s3] =	stream.linear.scatter [tilespmem:s30], [sflag:$0x4], $0x7D0, $0x38;
	[tilespmem:$0xE380] =	vst v63  }
0x169: {  	s11 =	rddreg [dreg:$0xf];
	s10 =	sadd.s32 s5, s25  }
0x16a: {  	[hbm4b:s10+s3] =	stream.linear.scatter [tilespmem:s31], [sflag:$0x4], $0xFA0, $0x38;
	[tilespmem:$0xE380] =	vst v63  }
0x16b: {  	s7 =	sadd.s32 $0x1000, s7;
	s25 =	rddreg [dreg:$0xe];
	s8 =	sadd.s32 s6, s11  }
0x16c: {  	[hbm4b:s8+s3] =	stream.linear.scatter [tilespmem:s0], [sflag:$0x4], $0x7D0, $0x38;
	[tilespmem:$0xE380] =	vst v63  }
0x16d: {  	p0 =	sne.s32 s7, $0x5000;
	s11 =	rddreg [dreg:$0xd];
	s10 =	sadd.s32 s5, s25  }
0x16e: {  	[hbm4b:s10+s3] =	stream.linear.scatter [tilespmem:s1], [sflag:$0x4], $0xFA0, $0x38;
	[tilespmem:$0xE380] =	vst v63  }
.Ltmp0:
0x16f: {  	s14 =	simm.s32 $0xA500;
	s25 =	rddreg [dreg:$0xc];
	(pc) =	sbr.rel @p0 .LBB2_2-.Ltmp0, $4  }
0x170: {  	s16 =	simm.s32 $0x37A0;
	s8 =	sadd.s32 s6, s11;
	s11 =	rddreg [dreg:$0xb]  }
0x171: {  	[hbm4b:s8+s3] =	stream.linear.scatter [tilespmem:s15], [sflag:$0x4], $0x7D0, $0x38;
	[tilespmem:$0xE380] =	vst v63  }
0x172: {  	s13 =	simm.s32 $0x2800;
	s25 =	sadd.s32 s5, s25;
	s11 =	sadd.s32 s6, s11  }
0x173: {  	[hbm4b:s25+s3] =	stream.linear.scatter [tilespmem:s17], [sflag:$0x4], $0xFA0, $0x38;
	[tilespmem:$0xE380] =	vst v63  }
0x174: {  	[hbm4b:s11+s3] =	stream.linear.scatter [tilespmem:s19], [sflag:$0x4], $0x7D0, $0x38;
	[tilespmem:$0xE380] =	vst v63  }
0x175: {  	s6 =	simm.s32 $0x4  }
0x176: {  	_ =	swait.ge [sflag:s6], $0xFA0  }
0x177: {  	[sflag:s6] =	ssyncset.done $0x0  }
0x178: {  	[sflag:s6] =	ssyncadd.s32 $0xFFFFF060  }
0x179: {  	_ =	swait.ge [sflag:s6], $0x7D0  }
0x17a: {  	[sflag:s6] =	ssyncset.done $0x0  }
0x17b: {  	[sflag:s6] =	ssyncadd.s32 $0xFFFFF830  }
0x17c: {  	_ =	swait.ge [sflag:s6], $0xFA0  }
0x17d: {  	[sflag:s6] =	ssyncset.done $0x0  }
0x17e: {  	[sflag:s6] =	ssyncadd.s32 $0xFFFFF060  }
0x17f: {  	_ =	swait.ge [sflag:s6], $0x7D0  }
0x180: {  	[sflag:s6] =	ssyncset.done $0x0  }
0x181: {  	[sflag:s6] =	ssyncadd.s32 $0xFFFFF830  }
0x182: {  	_ =	swait.ge [sflag:s6], $0xFA0  }
0x183: {  	[sflag:s6] =	ssyncset.done $0x0  }
0x184: {  	[sflag:s6] =	ssyncadd.s32 $0xFFFFF060  }
0x185: {  	_ =	swait.ge [sflag:s6], $0x7D0  }
0x186: {  	[sflag:s6] =	ssyncset.done $0x0  }
0x187: {  	[sflag:s6] =	ssyncadd.s32 $0xFFFFF830  }
0x188: {  	_ =	swait.ge [sflag:s6], $0xFA0  }
0x189: {  	[sflag:s6] =	ssyncset.done $0x0  }
0x18a: {  	[sflag:s6] =	ssyncadd.s32 $0xFFFFF060  }
0x18b: {  	_ =	swait.ge [sflag:s6], $0x7D0  }
0x18c: {  	s7 =	rddreg [dreg:$0x18]  }
0x18d: {  	s5 =	rddreg [dreg:$0x17];
	s7 =	sadd.s32 $0x1, s7  }
0x18e: {  	p0 =	sne.s32 s7, s5  }
.Ltmp1:
0x18f: {  	_ = 	snop;
	(pc) =	sbr.rel @p0 .LBB2_1-.Ltmp1, $3  }
0x190: {  	_ =	sdelay $0x1  }
0x191: {  	[sflag:s6] =	ssyncset.done $0x0  }
0x192: {  	[sflag:s6] =	ssyncadd.s32 $0xFFFFF830  }
0x193: {  	_ =	sfence.sel $0x180000  }
0x194: {  	[bflag:$0x0] =	sbarrier.arrive $0xFFFF  }
0x195: {  	_ =	strace $0x90000047  }
0x196: {  	s0 =	stileid.u32;
	[bflag:$0x2] =	sbarrier.arrive $0xFFFF  }
0x197: {  	p0 =	sne.s32 s0, $0x0;
	s0 =	rddreg [dreg:$0x2]  }
0x198: {  	s0 =	sadd.s32 @!p0 $0x100000, s0  }
0x199: {  	[sflag:s0] =	ssyncadd.tile.s32 @!p0 $0x1;
	_ =	shalt  }
.Lfunc_end2:
_tile_overlayer_lowered:
.L_overlay_start_2:
0x19a: {  	(tag) =	ssettag $0x2  }
0x19b: {  	s0 =	rddreg [dreg:$0x0];
	s2 =	stileid.u32  }
0x19c: {  	s1 =	rddreg [dreg:$0x1];
	p0 =	sne.s32 s2, $0x0  }
0x19d: {  	s3 =	rddreg [dreg:$0x2];
	[bflag:$0x3] =	sbarrier.arrive $0xFFFF;
	s2 =	simm.s32 @!p0 $0x1C05  }
0x19e: {  	[timem:s3], [sflag:s2] =	dma.local @!p0 [hbm:s0], s1  }
0x19f: {  	s0 =	simm.s32 @!p0 $0x5  }
0x1a0: {  	_ =	swait.ge @!p0 [sflag:s0], s1  }
0x1a1: {  	s1 =	ssub.s32 @!p0 $0x0, s1;
	[sflag:s0] =	ssyncset.done @!p0 $0x0  }
0x1a2: {  	[sflag:s0] =	ssyncadd.s32 @!p0 s1  }
0x1a3: {  	[bflag:$0x3] =	sbarrier.arrive $0xFFFF  }
0x1a4: {  	_ =	shalt  }

</sc_bundles>
